<compile_context>
chip_gen: v7x
topology: tpu7x:2x2x1
jax: 0.10.2.dev20260603
libtpu: 0.0.44.dev20260713+nightly
codegen_flags: <defaults>
</compile_context>

<pallas_src>
import jax
import jax.numpy as jnp
from jax import lax
from jax.experimental import pallas as pl
from jax.experimental.pallas import tpu as pltpu
from jax.experimental.pallas import tpu_sc as plsc

NUM_SC = 2
NUM_SUBCORES = 16
CHUNK = 128


def _npad(n):
    return -(-n // (CHUNK * NUM_SUBCORES)) * (CHUNK * NUM_SUBCORES)



def _sc_segment_sum(table, idx4):
    n, d = table.shape
    nw, nchunk, _, _ = idx4.shape
    assert nw == NUM_SC * NUM_SUBCORES
    npad = _npad(n)
    rows_per_tile = npad // NUM_SUBCORES
    n_rcopy = rows_per_tile // CHUNK

    mesh = plsc.VectorSubcoreMesh(core_axis_name="c", subcore_axis_name="s")

    assert nchunk % 2 == 1
    npair = (nchunk - 1) // 2

    @pl.kernel(
        out_type=[jax.ShapeDtypeStruct((NUM_SC * npad, d), jnp.float32)],
        mesh=mesh,
        scratch_types=[
            pltpu.VMEM((2, CHUNK), jnp.int32),
            pltpu.VMEM((2, CHUNK), jnp.int32),
            pltpu.VMEM((CHUNK, d), jnp.float32),
            pltpu.VMEM((CHUNK, d), jnp.float32),
            pltpu.VMEM_SHARED((npad, d), jnp.float32),
            pltpu.SemaphoreType.DMA,
            pltpu.SemaphoreType.DMA,
            pltpu.SemaphoreType.DMA,
            pltpu.SemaphoreType.DMA,
        ],
    )
    def k(table_hbm, idx_hbm, zd_hbm, outp_hbm,
          idx0, idx1, rows0, rows1, acc,
          gsem0, gsem1, ssem0, ssem1):
        c = lax.axis_index("c")
        s = lax.axis_index("s")
        w = c * NUM_SUBCORES + s
        r0 = s * rows_per_tile
        pltpu.sync_copy(zd_hbm, rows0)

        @pl.loop(0, n_rcopy)
        def _(i):
            pltpu.sync_copy(rows0, acc.at[pl.ds(r0 + i * CHUNK, CHUNK)])

        plsc.subcore_barrier()

        half = CHUNK // 2

        def gather(idx, rows, sem, go):
            for lo in (0, half):
                dma = pltpu.make_async_copy(
                    table_hbm.at[idx.at[0, pl.ds(lo, half)]],
                    rows.at[pl.ds(lo, half)], sem)
                dma.start() if go else dma.wait()

        pltpu.sync_copy(idx_hbm.at[w, 0], idx0)
        gather(idx0, rows0, gsem0, True)
        pltpu.sync_copy(idx_hbm.at[w, 1], idx1)

        @pl.loop(0, npair)
        def _(p):
            i0 = 2 * p
            gather(idx0, rows0, gsem0, False)
            s0 = pltpu.async_copy(rows0, acc.at[idx0.at[1]], ssem0, add=True)

            @pl.when(p > 0)
            def _():
                pltpu.make_async_copy(rows1, acc.at[idx1.at[1]], ssem1).wait()
                pltpu.sync_copy(idx_hbm.at[w, i0 + 1], idx1)

            gather(idx1, rows1, gsem1, True)
            gather(idx1, rows1, gsem1, False)
            pltpu.async_copy(rows1, acc.at[idx1.at[1]], ssem1, add=True)
            s0.wait()
            pltpu.sync_copy(idx_hbm.at[w, i0 + 2], idx0)
            gather(idx0, rows0, gsem0, True)

        gather(idx0, rows0, gsem0, False)
        pltpu.make_async_copy(rows1, acc.at[idx1.at[1]], ssem1).wait()
        pltpu.sync_copy(rows0, acc.at[idx0.at[1]], add=True)

        plsc.subcore_barrier()

        @pl.loop(0, n_rcopy)
        def _(i):
            pltpu.sync_copy(acc.at[pl.ds(r0 + i * CHUNK, CHUNK)], rows0)
            pltpu.sync_copy(rows0, outp_hbm.at[pl.ds(c * npad + r0 + i * CHUNK, CHUNK)])

    out = k(table, idx4, jnp.zeros((CHUNK, d), jnp.float32))
    return out[0].reshape(NUM_SC, npad, d)


def _sc_degree(dst3, n):
    d = 128
    nw, nchunk, _ = dst3.shape
    assert nw == NUM_SC * NUM_SUBCORES
    npad = _npad(n)
    rows_per_tile = npad // NUM_SUBCORES
    n_rcopy = rows_per_tile // CHUNK

    mesh = plsc.VectorSubcoreMesh(core_axis_name="c", subcore_axis_name="s")

    assert nchunk % 2 == 1
    npair = (nchunk - 1) // 2

    @pl.kernel(
        out_type=[jax.ShapeDtypeStruct((NUM_SC * npad, d), jnp.float32)],
        mesh=mesh,
        scratch_types=[
            pltpu.VMEM((nchunk, CHUNK), jnp.int32),
            pltpu.VMEM((CHUNK, d), jnp.float32),
            pltpu.VMEM_SHARED((npad, d), jnp.float32),
            pltpu.SemaphoreType.DMA,
            pltpu.SemaphoreType.DMA,
        ],
    )
    def k(dst_hbm, zd_hbm, ones_hbm, outp_hbm, didx, rows, acc, ssem0, ssem1):
        c = lax.axis_index("c")
        s = lax.axis_index("s")
        w = c * NUM_SUBCORES + s
        r0 = s * rows_per_tile
        pltpu.sync_copy(dst_hbm.at[w], didx)
        pltpu.sync_copy(zd_hbm, rows)

        @pl.loop(0, n_rcopy)
        def _(i):
            pltpu.sync_copy(rows, acc.at[pl.ds(r0 + i * CHUNK, CHUNK)])

        pltpu.sync_copy(ones_hbm, rows)
        plsc.subcore_barrier()

        @pl.loop(0, npair)
        def _(p):
            i0 = 2 * p
            s0 = pltpu.async_copy(rows, acc.at[didx.at[i0]], ssem0, add=True)

            @pl.when(p > 0)
            def _():
                pltpu.make_async_copy(rows, acc.at[didx.at[i0 - 1]], ssem1).wait()

            pltpu.async_copy(rows, acc.at[didx.at[i0 + 1]], ssem1, add=True)
            s0.wait()

        pltpu.make_async_copy(rows, acc.at[didx.at[nchunk - 2]], ssem1).wait()
        pltpu.sync_copy(rows, acc.at[didx.at[nchunk - 1]], add=True)

        plsc.subcore_barrier()

        @pl.loop(0, n_rcopy)
        def _(i):
            pltpu.sync_copy(acc.at[pl.ds(r0 + i * CHUNK, CHUNK)], rows)
            pltpu.sync_copy(rows, outp_hbm.at[pl.ds(c * npad + r0 + i * CHUNK, CHUNK)])

    out = k(dst3, jnp.zeros((CHUNK, d), jnp.float32), jnp.ones((CHUNK, d), jnp.float32))
    return out[0].reshape(NUM_SC, npad, d)



def _dot_t(a, w):
    return lax.dot_general(a, w, (((1,), (1,)), ((), ())),
                           preferred_element_type=jnp.float32)


def _tc_mid(p1, dp, x, w1l, b1, w1r, w2l, w2r, bm):
    n, d_in = x.shape
    d_hid = w1l.shape[0]
    d_out = w2l.shape[0]
    grid = (n // bm,)

    def body(p_ref, dp_ref, x_ref, w1l_ref, b1_ref, w1r_ref, w2l_ref, w2r_ref,
             t2_ref, r2_ref):
        agg = p_ref[0] + p_ref[1]
        deg = dp_ref[0, :, 0:1] + dp_ref[1, :, 0:1]
        mean = agg / jnp.maximum(deg, 1.0)
        h = _dot_t(mean, w1l_ref[...]) + b1_ref[...] + _dot_t(x_ref[...], w1r_ref[...])
        h = jnp.maximum(h, 0.0)
        t2_ref[...] = _dot_t(h, w2l_ref[...])
        r2_ref[...] = _dot_t(h, w2r_ref[...])

    return pl.pallas_call(
        body,
        grid=grid,
        in_specs=[
            pl.BlockSpec((NUM_SC, bm, d_in), lambda i: (0, i, 0)),
            pl.BlockSpec((NUM_SC, bm, 128), lambda i: (0, i, 0)),
            pl.BlockSpec((bm, d_in), lambda i: (i, 0)),
            pl.BlockSpec((d_hid, d_in), lambda i: (0, 0)),
            pl.BlockSpec((1, d_hid), lambda i: (0, 0)),
            pl.BlockSpec((d_hid, d_in), lambda i: (0, 0)),
            pl.BlockSpec((d_out, d_hid), lambda i: (0, 0)),
            pl.BlockSpec((d_out, d_hid), lambda i: (0, 0)),
        ],
        out_specs=[
            pl.BlockSpec((bm, d_out), lambda i: (i, 0)),
            pl.BlockSpec((bm, d_out), lambda i: (i, 0)),
        ],
        out_shape=[
            jax.ShapeDtypeStruct((n, d_out), jnp.float32),
            jax.ShapeDtypeStruct((n, d_out), jnp.float32),
        ],
    )(p1, dp, x, w1l, b1, w1r, w2l, w2r)


def _tc_final(p2, dp, r2, b2, bm):
    n, d_out = r2.shape
    grid = (n // bm,)

    def body(p2_ref, dp_ref, r2_ref, b2_ref, out_ref):
        agg = p2_ref[0] + p2_ref[1]
        deg = dp_ref[0, :, 0:1] + dp_ref[1, :, 0:1]
        logits = agg / jnp.maximum(deg, 1.0) + b2_ref[...] + r2_ref[...]
        m = jnp.max(logits, axis=1, keepdims=True)
        shifted = logits - m
        lse = jnp.log(jnp.sum(jnp.exp(shifted), axis=1, keepdims=True))
        out_ref[...] = shifted - lse

    return pl.pallas_call(
        body,
        grid=grid,
        in_specs=[
            pl.BlockSpec((NUM_SC, bm, d_out), lambda i: (0, i, 0)),
            pl.BlockSpec((NUM_SC, bm, 128), lambda i: (0, i, 0)),
            pl.BlockSpec((bm, d_out), lambda i: (i, 0)),
            pl.BlockSpec((1, d_out), lambda i: (0, 0)),
        ],
        out_specs=pl.BlockSpec((bm, d_out), lambda i: (i, 0)),
        out_shape=jax.ShapeDtypeStruct((n, d_out), jnp.float32),
    )(p2, dp, r2, b2)



def kernel(x, edge_index, W1_l, b1_l, W1_r, W2_l, b2_l, W2_r):
    edge_index = jnp.asarray(edge_index, jnp.int32)
    src = edge_index[0]
    dst = edge_index[1]
    n = x.shape[0]
    e = src.shape[0]
    bm = 1000

    nw = NUM_SC * NUM_SUBCORES
    npad = _npad(n)
    nchunk = -(-e // (nw * CHUNK))
    if nchunk % 2 == 0:
        nchunk += 1
    e_pad = nw * CHUNK * nchunk
    pad = e_pad - e
    pad_ar = jnp.arange(pad, dtype=jnp.int32)
    src_p = jnp.concatenate([src, pad_ar % n])
    dst_p = jnp.concatenate([dst, n + pad_ar % (npad - n)])
    src3 = src_p.reshape(nw, nchunk, CHUNK)
    dst3 = dst_p.reshape(nw, nchunk, CHUNK)
    idx4 = jnp.stack([src3, dst3], axis=2)

    p1 = _sc_segment_sum(x, idx4)
    dp = _sc_degree(dst3, n)
    t2, r2 = _tc_mid(p1, dp, x, W1_l, b1_l.reshape(1, -1), W1_r, W2_l, W2_r, bm)
    p2 = _sc_segment_sum(t2, idx4)
    return _tc_final(p2, dp, r2, b2_l.reshape(1, -1), bm)

# --- scband reference (transcript-rebuilt; emitter-appended) ---
"""Pipeline reference for scband-graph-sagenet-9672266351152 (READ-ONLY COPY).

The authoritative reference and input builder live on the scoring server;
editing this copy changes nothing except your own understanding.
"""

import jax, jax.numpy as jnp
import numpy as np

N = 10000
E = 320000
D_IN = 128
D_HID = 256
D_OUT = 128


def setup_inputs(seed: int = 0) -> dict:
    key = jax.random.key(seed)
    ks = jax.random.split(key, 8)
    x = jax.random.normal(ks[0], (N, D_IN), dtype=jnp.float32)
    edge_index = jax.random.randint(ks[1], (2, E), 0, N, dtype=jnp.int64)
    # SAGEConv params: lin_l (applied to aggregated neighbors, has bias), lin_r (root, no bias)
    W1_l = jax.random.normal(ks[2], (D_HID, D_IN), dtype=jnp.float32) * (1.0 / np.sqrt(D_IN))
    b1_l = jnp.zeros((D_HID,), dtype=jnp.float32)
    W1_r = jax.random.normal(ks[3], (D_HID, D_IN), dtype=jnp.float32) * (1.0 / np.sqrt(D_IN))
    W2_l = jax.random.normal(ks[4], (D_OUT, D_HID), dtype=jnp.float32) * (1.0 / np.sqrt(D_HID))
    b2_l = jnp.zeros((D_OUT,), dtype=jnp.float32)
    W2_r = jax.random.normal(ks[5], (D_OUT, D_HID), dtype=jnp.float32) * (1.0 / np.sqrt(D_HID))
    return {"x": x, "edge_index": edge_index, "W1_l": W1_l, "b1_l": b1_l, "W1_r": W1_r, "W2_l": W2_l, "b2_l": b2_l, "W2_r": W2_r}


def _sage_conv(x, src, dst, W_l, b_l, W_r):
    n = x.shape[0]
    msg = jnp.take(x, src, axis=0)                      # gather x_j
    agg = jax.ops.segment_sum(msg, dst, num_segments=n)  # scatter-add by dst
    deg = jax.ops.segment_sum(jnp.ones((src.shape[0],), dtype=x.dtype), dst, num_segments=n)
    mean = agg / jnp.maximum(deg, 1.0)[:, None]          # mean aggregation
    return mean @ W_l.T + b_l + x @ W_r.T


def reference(x, edge_index, W1_l, b1_l, W1_r, W2_l, b2_l, W2_r):
    src = edge_index[0]
    dst = edge_index[1]
    h = _sage_conv(x, src, dst, W1_l, b1_l, W1_r)
    h = jax.nn.relu(h)
    h = _sage_conv(h, src, dst, W2_l, b2_l, W2_r)
    return jax.nn.log_softmax(h, axis=1)

if __name__ == "__main__":
    import jax
    _d = setup_inputs()
    print(jax.jit(kernel)(*tuple(_d.values())))

</pallas_src>

<mosaic_0001>
#map = affine_map<(d0, d1) -> (0, 0)>
#map1 = affine_map<(d0, d1) -> (0, 0, 0, 0)>
module attributes {stable_mosaic.version = 14 : i64} {
  func.func @k(%arg0: i32, %arg1: i32, %arg2: memref<10000x128xf32, #tpu.memory_space<hbm>>, %arg3: memref<32x79x2x128xi32, #tpu.memory_space<hbm>>, %arg4: memref<128x128xf32, #tpu.memory_space<hbm>>, %arg5: memref<20480x128xf32, #tpu.memory_space<hbm>>, %arg6: memref<2x128xi32, #tpu.memory_space<vmem>>, %arg7: memref<2x128xi32, #tpu.memory_space<vmem>>, %arg8: memref<128x128xf32, #tpu.memory_space<vmem>>, %arg9: memref<128x128xf32, #tpu.memory_space<vmem>>, %arg10: memref<10240x128xf32, #tpu.memory_space<vmem_shared>>, %arg11: memref<!tpu.dma_semaphore, #tpu.memory_space<semaphore_mem>>, %arg12: memref<!tpu.dma_semaphore, #tpu.memory_space<semaphore_mem>>, %arg13: memref<!tpu.dma_semaphore, #tpu.memory_space<semaphore_mem>>, %arg14: memref<!tpu.dma_semaphore, #tpu.memory_space<semaphore_mem>>) attributes {dimension_semantics = [#tpu.dimension_semantics<core_parallel>, #tpu.dimension_semantics<subcore_parallel>], iteration_bounds = array<i64: 2, 16>, scalar_prefetch = 0 : i64, scratch_operands = 9 : i64, tpu.core_type = #tpu.core_type<sc_vector_subcore>, window_params = [{transform_indices = #map}, {transform_indices = #map1}, {transform_indices = #map}, {transform_indices = #map}]} {
    %mul3A = arith.constant 16 : i32
    %mul3A_0 = arith.muli %arg0, %mul3A : i32
    %add3A = arith.addi %mul3A_0, %arg1 : i32
    %mul3A_1 = arith.constant 640 : i32
    %mul3A_2 = arith.muli %arg1, %mul3A_1 : i32
    "tpu.region"() ({
      %run_scoped3A_65 = tpu.sem_alloc : memref<!tpu.dma_semaphore, #tpu.memory_space<semaphore_mem>>
      tpu.enqueue_dma source(%arg4 : memref<128x128xf32, #tpu.memory_space<hbm>>) target(%arg8 : memref<128x128xf32, #tpu.memory_space<vmem>>) target_semaphore(%run_scoped3A_65 : memref<!tpu.dma_semaphore, #tpu.memory_space<semaphore_mem>>)
      tpu.wait_dma2 semaphore(%run_scoped3A_65 : memref<!tpu.dma_semaphore, #tpu.memory_space<semaphore_mem>>) src(%arg4 : memref<128x128xf32, #tpu.memory_space<hbm>>) dst(%arg8 : memref<128x128xf32, #tpu.memory_space<vmem>>)
      tpu.yield
    }) : () -> ()
    %scan3A = arith.constant 0 : i32
    %scan3A_3 = arith.constant 5 : i32
    %scan3A_4 = arith.addi %scan3A, %scan3A_3 : i32
    %scan3A_5 = arith.constant 1 : i32
    scf.for %scan3A_65 = %scan3A to %scan3A_4 step %scan3A_5  : i32 {
      %mul3A_66 = arith.constant 1 : i32
      %mul3A_67 = arith.muli %scan3A_65, %mul3A_66 : i32
      %add3A_68 = arith.constant 0 : i32
      %add3A_69 = arith.addi %add3A_68, %mul3A_67 : i32
      %mul3A_70 = arith.constant 128 : i32
      %mul3A_71 = arith.muli %add3A_69, %mul3A_70 : i32
      %add3A_72 = arith.addi %mul3A_2, %mul3A_71 : i32
      "tpu.region"() ({
        %run_scoped3A_73 = tpu.sem_alloc : memref<!tpu.dma_semaphore, #tpu.memory_space<semaphore_mem>>
        %dma_start3A_74 = arith.constant 0 : i32
        %dma_start3A_75 = tpu.memref_slice %arg10[%add3A_72, %dma_start3A_74] : memref<10240x128xf32, #tpu.memory_space<vmem_shared>> -> memref<128x128xf32, #tpu.memory_space<vmem_shared>>
        %dma_start3A_76 = arith.constant 0 : i32
        %dma_start3A_77 = tpu.memref_slice %arg10[%add3A_72, %dma_start3A_76] : memref<10240x128xf32, #tpu.memory_space<vmem_shared>> -> memref<128x128xf32, #tpu.memory_space<vmem_shared>>
        tpu.enqueue_dma source(%arg8 : memref<128x128xf32, #tpu.memory_space<vmem>>) target(%dma_start3A_77 : memref<128x128xf32, #tpu.memory_space<vmem_shared>>) target_semaphore(%run_scoped3A_73 : memref<!tpu.dma_semaphore, #tpu.memory_space<semaphore_mem>>)
        %dma_wait3A_78 = arith.constant 0 : i32
        %dma_wait3A_79 = tpu.memref_slice %arg10[%add3A_72, %dma_wait3A_78] : memref<10240x128xf32, #tpu.memory_space<vmem_shared>> -> memref<128x128xf32, #tpu.memory_space<vmem_shared>>
        %dma_wait3A_80 = arith.constant 0 : i32
        %dma_wait3A_81 = tpu.memref_slice %arg10[%add3A_72, %dma_wait3A_80] : memref<10240x128xf32, #tpu.memory_space<vmem_shared>> -> memref<128x128xf32, #tpu.memory_space<vmem_shared>>
        tpu.wait_dma2 semaphore(%run_scoped3A_73 : memref<!tpu.dma_semaphore, #tpu.memory_space<semaphore_mem>>) src(%arg8 : memref<128x128xf32, #tpu.memory_space<vmem>>) dst(%dma_wait3A_81 : memref<128x128xf32, #tpu.memory_space<vmem_shared>>)
        tpu.yield
      }) : () -> ()
    }
    %scan3A_6 = arith.constant 5 : i32
    %barrier3A = arith.constant 0 : index
    tpu.barrier barrier_id(%barrier3A)
    %run_scoped3A = arith.constant 0 : i32
    "tpu.region"() ({
      %run_scoped3A_65 = tpu.sem_alloc : memref<!tpu.dma_semaphore, #tpu.memory_space<semaphore_mem>>
      %dma_start3A_66 = arith.constant 0 : i32
      %dma_start3A_67 = arith.constant 0 : i32
      %dma_start3A_68 = tpu.memref_slice %arg3[%add3A, %run_scoped3A, %dma_start3A_66, %dma_start3A_67] : memref<32x79x2x128xi32, #tpu.memory_space<hbm>> -> memref<1x1x2x128xi32, #tpu.memory_space<hbm>>
      %dma_start3A_69 = tpu.memref_squeeze %dma_start3A_68 : memref<1x1x2x128xi32, #tpu.memory_space<hbm>> -> memref<2x128xi32, #tpu.memory_space<hbm>>
      %dma_start3A_70 = arith.constant 0 : i32
      %dma_start3A_71 = arith.constant 0 : i32
      %dma_start3A_72 = tpu.memref_slice %arg3[%add3A, %run_scoped3A, %dma_start3A_70, %dma_start3A_71] : memref<32x79x2x128xi32, #tpu.memory_space<hbm>> -> memref<1x1x2x128xi32, #tpu.memory_space<hbm>>
      %dma_start3A_73 = tpu.memref_squeeze %dma_start3A_72 : memref<1x1x2x128xi32, #tpu.memory_space<hbm>> -> memref<2x128xi32, #tpu.memory_space<hbm>>
      tpu.enqueue_dma source(%dma_start3A_73 : memref<2x128xi32, #tpu.memory_space<hbm>>) target(%arg6 : memref<2x128xi32, #tpu.memory_space<vmem>>) target_semaphore(%run_scoped3A_65 : memref<!tpu.dma_semaphore, #tpu.memory_space<semaphore_mem>>)
      %dma_wait3A_74 = arith.constant 0 : i32
      %dma_wait3A_75 = arith.constant 0 : i32
      %dma_wait3A_76 = tpu.memref_slice %arg3[%add3A, %run_scoped3A, %dma_wait3A_74, %dma_wait3A_75] : memref<32x79x2x128xi32, #tpu.memory_space<hbm>> -> memref<1x1x2x128xi32, #tpu.memory_space<hbm>>
      %dma_wait3A_77 = tpu.memref_squeeze %dma_wait3A_76 : memref<1x1x2x128xi32, #tpu.memory_space<hbm>> -> memref<2x128xi32, #tpu.memory_space<hbm>>
      %dma_wait3A_78 = arith.constant 0 : i32
      %dma_wait3A_79 = arith.constant 0 : i32
      %dma_wait3A_80 = tpu.memref_slice %arg3[%add3A, %run_scoped3A, %dma_wait3A_78, %dma_wait3A_79] : memref<32x79x2x128xi32, #tpu.memory_space<hbm>> -> memref<1x1x2x128xi32, #tpu.memory_space<hbm>>
      %dma_wait3A_81 = tpu.memref_squeeze %dma_wait3A_80 : memref<1x1x2x128xi32, #tpu.memory_space<hbm>> -> memref<2x128xi32, #tpu.memory_space<hbm>>
      tpu.wait_dma2 semaphore(%run_scoped3A_65 : memref<!tpu.dma_semaphore, #tpu.memory_space<semaphore_mem>>) src(%dma_wait3A_81 : memref<2x128xi32, #tpu.memory_space<hbm>>) dst(%arg6 : memref<2x128xi32, #tpu.memory_space<vmem>>)
      tpu.yield
    }) : () -> ()
    %dma_start3A = arith.constant 0 : i32
    %dma_start3A_7 = arith.constant 0 : i32
    %dma_start3A_8 = arith.constant 0 : i32
    %dma_start3A_9 = tpu.memref_slice %arg8[%dma_start3A_7, %dma_start3A_8] : memref<128x128xf32, #tpu.memory_space<vmem>> -> memref<64x128xf32, #tpu.memory_space<vmem>>
    %dma_start3A_10 = arith.constant 0 : i32
    %dma_start3A_11 = tpu.memref_slice %arg6[%dma_start3A, %dma_start3A_10] : memref<2x128xi32, #tpu.memory_space<vmem>> -> memref<1x64xi32, #tpu.memory_space<vmem>>
    %dma_start3A_12 = tpu.memref_squeeze %dma_start3A_11 : memref<1x64xi32, #tpu.memory_space<vmem>> -> memref<64xi32, #tpu.memory_space<vmem>>
    %dma_start3A_13 = arith.constant 0 : i32
    %dma_start3A_14 = arith.constant 0 : i32
    %dma_start3A_15 = tpu.memref_slice %arg2[%dma_start3A_13, %dma_start3A_14] : memref<10000x128xf32, #tpu.memory_space<hbm>> -> memref<10000x128xf32, #tpu.memory_space<hbm>>
    tpu.enqueue_indirect_dma source(%dma_start3A_15 : memref<10000x128xf32, #tpu.memory_space<hbm>>) target(%dma_start3A_9 : memref<64x128xf32, #tpu.memory_space<vmem>>) offsets(%dma_start3A_12 : memref<64xi32, #tpu.memory_space<vmem>>) semaphore(%arg11 : memref<!tpu.dma_semaphore, #tpu.memory_space<semaphore_mem>>)
    %dma_start3A_16 = arith.constant 0 : i32
    %dma_start3A_17 = arith.constant 64 : i32
    %dma_start3A_18 = arith.constant 0 : i32
    %dma_start3A_19 = tpu.memref_slice %arg8[%dma_start3A_17, %dma_start3A_18] : memref<128x128xf32, #tpu.memory_space<vmem>> -> memref<64x128xf32, #tpu.memory_space<vmem>>
    %dma_start3A_20 = arith.constant 64 : i32
    %dma_start3A_21 = tpu.memref_slice %arg6[%dma_start3A_16, %dma_start3A_20] : memref<2x128xi32, #tpu.memory_space<vmem>> -> memref<1x64xi32, #tpu.memory_space<vmem>>
    %dma_start3A_22 = tpu.memref_squeeze %dma_start3A_21 : memref<1x64xi32, #tpu.memory_space<vmem>> -> memref<64xi32, #tpu.memory_space<vmem>>
    %dma_start3A_23 = arith.constant 0 : i32
    %dma_start3A_24 = arith.constant 0 : i32
    %dma_start3A_25 = tpu.memref_slice %arg2[%dma_start3A_23, %dma_start3A_24] : memref<10000x128xf32, #tpu.memory_space<hbm>> -> memref<10000x128xf32, #tpu.memory_space<hbm>>
    tpu.enqueue_indirect_dma source(%dma_start3A_25 : memref<10000x128xf32, #tpu.memory_space<hbm>>) target(%dma_start3A_19 : memref<64x128xf32, #tpu.memory_space<vmem>>) offsets(%dma_start3A_22 : memref<64xi32, #tpu.memory_space<vmem>>) semaphore(%arg11 : memref<!tpu.dma_semaphore, #tpu.memory_space<semaphore_mem>>)
    %run_scoped3A_26 = arith.constant 1 : i32
    "tpu.region"() ({
      %run_scoped3A_65 = tpu.sem_alloc : memref<!tpu.dma_semaphore, #tpu.memory_space<semaphore_mem>>
      %dma_start3A_66 = arith.constant 0 : i32
      %dma_start3A_67 = arith.constant 0 : i32
      %dma_start3A_68 = tpu.memref_slice %arg3[%add3A, %run_scoped3A_26, %dma_start3A_66, %dma_start3A_67] : memref<32x79x2x128xi32, #tpu.memory_space<hbm>> -> memref<1x1x2x128xi32, #tpu.memory_space<hbm>>
      %dma_start3A_69 = tpu.memref_squeeze %dma_start3A_68 : memref<1x1x2x128xi32, #tpu.memory_space<hbm>> -> memref<2x128xi32, #tpu.memory_space<hbm>>
      %dma_start3A_70 = arith.constant 0 : i32
      %dma_start3A_71 = arith.constant 0 : i32
      %dma_start3A_72 = tpu.memref_slice %arg3[%add3A, %run_scoped3A_26, %dma_start3A_70, %dma_start3A_71] : memref<32x79x2x128xi32, #tpu.memory_space<hbm>> -> memref<1x1x2x128xi32, #tpu.memory_space<hbm>>
      %dma_start3A_73 = tpu.memref_squeeze %dma_start3A_72 : memref<1x1x2x128xi32, #tpu.memory_space<hbm>> -> memref<2x128xi32, #tpu.memory_space<hbm>>
      tpu.enqueue_dma source(%dma_start3A_73 : memref<2x128xi32, #tpu.memory_space<hbm>>) target(%arg7 : memref<2x128xi32, #tpu.memory_space<vmem>>) target_semaphore(%run_scoped3A_65 : memref<!tpu.dma_semaphore, #tpu.memory_space<semaphore_mem>>)
      %dma_wait3A_74 = arith.constant 0 : i32
      %dma_wait3A_75 = arith.constant 0 : i32
      %dma_wait3A_76 = tpu.memref_slice %arg3[%add3A, %run_scoped3A_26, %dma_wait3A_74, %dma_wait3A_75] : memref<32x79x2x128xi32, #tpu.memory_space<hbm>> -> memref<1x1x2x128xi32, #tpu.memory_space<hbm>>
      %dma_wait3A_77 = tpu.memref_squeeze %dma_wait3A_76 : memref<1x1x2x128xi32, #tpu.memory_space<hbm>> -> memref<2x128xi32, #tpu.memory_space<hbm>>
      %dma_wait3A_78 = arith.constant 0 : i32
      %dma_wait3A_79 = arith.constant 0 : i32
      %dma_wait3A_80 = tpu.memref_slice %arg3[%add3A, %run_scoped3A_26, %dma_wait3A_78, %dma_wait3A_79] : memref<32x79x2x128xi32, #tpu.memory_space<hbm>> -> memref<1x1x2x128xi32, #tpu.memory_space<hbm>>
      %dma_wait3A_81 = tpu.memref_squeeze %dma_wait3A_80 : memref<1x1x2x128xi32, #tpu.memory_space<hbm>> -> memref<2x128xi32, #tpu.memory_space<hbm>>
      tpu.wait_dma2 semaphore(%run_scoped3A_65 : memref<!tpu.dma_semaphore, #tpu.memory_space<semaphore_mem>>) src(%dma_wait3A_81 : memref<2x128xi32, #tpu.memory_space<hbm>>) dst(%arg7 : memref<2x128xi32, #tpu.memory_space<vmem>>)
      tpu.yield
    }) : () -> ()
    %scan3A_27 = arith.constant 0 : i32
    %scan3A_28 = arith.constant 39 : i32
    %scan3A_29 = arith.addi %scan3A_27, %scan3A_28 : i32
    %scan3A_30 = arith.constant 1 : i32
    scf.for %scan3A_65 = %scan3A_27 to %scan3A_29 step %scan3A_30  : i32 {
      %mul3A_66 = arith.constant 1 : i32
      %mul3A_67 = arith.muli %scan3A_65, %mul3A_66 : i32
      %add3A_68 = arith.constant 0 : i32
      %add3A_69 = arith.addi %add3A_68, %mul3A_67 : i32
      %mul3A_70 = arith.constant 2 : i32
      %mul3A_71 = arith.muli %mul3A_70, %add3A_69 : i32
      %dma_wait3A_72 = arith.constant 0 : i32
      %dma_wait3A_73 = arith.constant 0 : i32
      %dma_wait3A_74 = arith.constant 0 : i32
      %dma_wait3A_75 = tpu.memref_slice %arg8[%dma_wait3A_73, %dma_wait3A_74] : memref<128x128xf32, #tpu.memory_space<vmem>> -> memref<64x128xf32, #tpu.memory_space<vmem>>
      %dma_wait3A_76 = arith.constant 0 : i32
      %dma_wait3A_77 = tpu.memref_slice %arg6[%dma_wait3A_72, %dma_wait3A_76] : memref<2x128xi32, #tpu.memory_space<vmem>> -> memref<1x64xi32, #tpu.memory_space<vmem>>
      %dma_wait3A_78 = tpu.memref_squeeze %dma_wait3A_77 : memref<1x64xi32, #tpu.memory_space<vmem>> -> memref<64xi32, #tpu.memory_space<vmem>>
      %dma_wait3A_79 = arith.constant 0 : i32
      %dma_wait3A_80 = arith.constant 0 : i32
      %dma_wait3A_81 = tpu.memref_slice %arg2[%dma_wait3A_79, %dma_wait3A_80] : memref<10000x128xf32, #tpu.memory_space<hbm>> -> memref<10000x128xf32, #tpu.memory_space<hbm>>
      tpu.wait_indirect_dma semaphore(%arg11 : memref<!tpu.dma_semaphore, #tpu.memory_space<semaphore_mem>>) src(%dma_wait3A_81 : memref<10000x128xf32, #tpu.memory_space<hbm>>) dst(%dma_wait3A_75 : memref<64x128xf32, #tpu.memory_space<vmem>>)
      %dma_wait3A_82 = arith.constant 0 : i32
      %dma_wait3A_83 = arith.constant 64 : i32
      %dma_wait3A_84 = arith.constant 0 : i32
      %dma_wait3A_85 = tpu.memref_slice %arg8[%dma_wait3A_83, %dma_wait3A_84] : memref<128x128xf32, #tpu.memory_space<vmem>> -> memref<64x128xf32, #tpu.memory_space<vmem>>
      %dma_wait3A_86 = arith.constant 64 : i32
      %dma_wait3A_87 = tpu.memref_slice %arg6[%dma_wait3A_82, %dma_wait3A_86] : memref<2x128xi32, #tpu.memory_space<vmem>> -> memref<1x64xi32, #tpu.memory_space<vmem>>
      %dma_wait3A_88 = tpu.memref_squeeze %dma_wait3A_87 : memref<1x64xi32, #tpu.memory_space<vmem>> -> memref<64xi32, #tpu.memory_space<vmem>>
      %dma_wait3A_89 = arith.constant 0 : i32
      %dma_wait3A_90 = arith.constant 0 : i32
      %dma_wait3A_91 = tpu.memref_slice %arg2[%dma_wait3A_89, %dma_wait3A_90] : memref<10000x128xf32, #tpu.memory_space<hbm>> -> memref<10000x128xf32, #tpu.memory_space<hbm>>
      tpu.wait_indirect_dma semaphore(%arg11 : memref<!tpu.dma_semaphore, #tpu.memory_space<semaphore_mem>>) src(%dma_wait3A_91 : memref<10000x128xf32, #tpu.memory_space<hbm>>) dst(%dma_wait3A_85 : memref<64x128xf32, #tpu.memory_space<vmem>>)
      %dma_start3A_92 = arith.constant 1 : i32
      %dma_start3A_93 = arith.constant 0 : i32
      %dma_start3A_94 = tpu.memref_slice %arg6[%dma_start3A_92, %dma_start3A_93] : memref<2x128xi32, #tpu.memory_space<vmem>> -> memref<1x128xi32, #tpu.memory_space<vmem>>
      %dma_start3A_95 = tpu.memref_squeeze %dma_start3A_94 : memref<1x128xi32, #tpu.memory_space<vmem>> -> memref<128xi32, #tpu.memory_space<vmem>>
      %dma_start3A_96 = arith.constant 0 : i32
      %dma_start3A_97 = arith.constant 0 : i32
      %dma_start3A_98 = tpu.memref_slice %arg10[%dma_start3A_96, %dma_start3A_97] : memref<10240x128xf32, #tpu.memory_space<vmem_shared>> -> memref<10240x128xf32, #tpu.memory_space<vmem_shared>>
      tpu.enqueue_indirect_dma source(%arg8 : memref<128x128xf32, #tpu.memory_space<vmem>>) target(%dma_start3A_98 : memref<10240x128xf32, #tpu.memory_space<vmem_shared>>) offsets(%dma_start3A_95 : memref<128xi32, #tpu.memory_space<vmem>>) semaphore(%arg13 : memref<!tpu.dma_semaphore, #tpu.memory_space<semaphore_mem>>) {add = true}
      %gt3A = arith.constant 0 : i32
      %gt3A_99 = arith.cmpi sgt, %add3A_69, %gt3A : i32
      %convert_element_type3A = arith.extui %gt3A_99 : i1 to i32
      %cond3A = arith.constant 0 : i32
      %cond3A_100 = arith.cmpi ne, %convert_element_type3A, %cond3A : i32
      scf.if %cond3A_100 {
        %dma_wait3A_177 = arith.constant 1 : i32
        %dma_wait3A_178 = arith.constant 0 : i32
        %dma_wait3A_179 = tpu.memref_slice %arg7[%dma_wait3A_177, %dma_wait3A_178] : memref<2x128xi32, #tpu.memory_space<vmem>> -> memref<1x128xi32, #tpu.memory_space<vmem>>
        %dma_wait3A_180 = tpu.memref_squeeze %dma_wait3A_179 : memref<1x128xi32, #tpu.memory_space<vmem>> -> memref<128xi32, #tpu.memory_space<vmem>>
        %dma_wait3A_181 = arith.constant 0 : i32
        %dma_wait3A_182 = arith.constant 0 : i32
        %dma_wait3A_183 = tpu.memref_slice %arg10[%dma_wait3A_181, %dma_wait3A_182] : memref<10240x128xf32, #tpu.memory_space<vmem_shared>> -> memref<10240x128xf32, #tpu.memory_space<vmem_shared>>
        tpu.wait_indirect_dma semaphore(%arg14 : memref<!tpu.dma_semaphore, #tpu.memory_space<semaphore_mem>>) src(%arg9 : memref<128x128xf32, #tpu.memory_space<vmem>>) dst(%dma_wait3A_183 : memref<10240x128xf32, #tpu.memory_space<vmem_shared>>)
        %add3A_184 = arith.constant 1 : i32
        %add3A_185 = arith.addi %mul3A_71, %add3A_184 : i32
        "tpu.region"() ({
          %run_scoped3A_186 = tpu.sem_alloc : memref<!tpu.dma_semaphore, #tpu.memory_space<semaphore_mem>>
          %dma_start3A_187 = arith.constant 0 : i32
          %dma_start3A_188 = arith.constant 0 : i32
          %dma_start3A_189 = tpu.memref_slice %arg3[%add3A, %add3A_185, %dma_start3A_187, %dma_start3A_188] : memref<32x79x2x128xi32, #tpu.memory_space<hbm>> -> memref<1x1x2x128xi32, #tpu.memory_space<hbm>>
          %dma_start3A_190 = tpu.memref_squeeze %dma_start3A_189 : memref<1x1x2x128xi32, #tpu.memory_space<hbm>> -> memref<2x128xi32, #tpu.memory_space<hbm>>
          %dma_start3A_191 = arith.constant 0 : i32
          %dma_start3A_192 = arith.constant 0 : i32
          %dma_start3A_193 = tpu.memref_slice %arg3[%add3A, %add3A_185, %dma_start3A_191, %dma_start3A_192] : memref<32x79x2x128xi32, #tpu.memory_space<hbm>> -> memref<1x1x2x128xi32, #tpu.memory_space<hbm>>
          %dma_start3A_194 = tpu.memref_squeeze %dma_start3A_193 : memref<1x1x2x128xi32, #tpu.memory_space<hbm>> -> memref<2x128xi32, #tpu.memory_space<hbm>>
          tpu.enqueue_dma source(%dma_start3A_194 : memref<2x128xi32, #tpu.memory_space<hbm>>) target(%arg7 : memref<2x128xi32, #tpu.memory_space<vmem>>) target_semaphore(%run_scoped3A_186 : memref<!tpu.dma_semaphore, #tpu.memory_space<semaphore_mem>>)
          %dma_wait3A_195 = arith.constant 0 : i32
          %dma_wait3A_196 = arith.constant 0 : i32
          %dma_wait3A_197 = tpu.memref_slice %arg3[%add3A, %add3A_185, %dma_wait3A_195, %dma_wait3A_196] : memref<32x79x2x128xi32, #tpu.memory_space<hbm>> -> memref<1x1x2x128xi32, #tpu.memory_space<hbm>>
          %dma_wait3A_198 = tpu.memref_squeeze %dma_wait3A_197 : memref<1x1x2x128xi32, #tpu.memory_space<hbm>> -> memref<2x128xi32, #tpu.memory_space<hbm>>
          %dma_wait3A_199 = arith.constant 0 : i32
          %dma_wait3A_200 = arith.constant 0 : i32
          %dma_wait3A_201 = tpu.memref_slice %arg3[%add3A, %add3A_185, %dma_wait3A_199, %dma_wait3A_200] : memref<32x79x2x128xi32, #tpu.memory_space<hbm>> -> memref<1x1x2x128xi32, #tpu.memory_space<hbm>>
          %dma_wait3A_202 = tpu.memref_squeeze %dma_wait3A_201 : memref<1x1x2x128xi32, #tpu.memory_space<hbm>> -> memref<2x128xi32, #tpu.memory_space<hbm>>
          tpu.wait_dma2 semaphore(%run_scoped3A_186 : memref<!tpu.dma_semaphore, #tpu.memory_space<semaphore_mem>>) src(%dma_wait3A_202 : memref<2x128xi32, #tpu.memory_space<hbm>>) dst(%arg7 : memref<2x128xi32, #tpu.memory_space<vmem>>)
          tpu.yield
        }) : () -> ()
      } else {
      }
      %dma_start3A_101 = arith.constant 0 : i32
      %dma_start3A_102 = arith.constant 0 : i32
      %dma_start3A_103 = arith.constant 0 : i32
      %dma_start3A_104 = tpu.memref_slice %arg9[%dma_start3A_102, %dma_start3A_103] : memref<128x128xf32, #tpu.memory_space<vmem>> -> memref<64x128xf32, #tpu.memory_space<vmem>>
      %dma_start3A_105 = arith.constant 0 : i32
      %dma_start3A_106 = tpu.memref_slice %arg7[%dma_start3A_101, %dma_start3A_105] : memref<2x128xi32, #tpu.memory_space<vmem>> -> memref<1x64xi32, #tpu.memory_space<vmem>>
      %dma_start3A_107 = tpu.memref_squeeze %dma_start3A_106 : memref<1x64xi32, #tpu.memory_space<vmem>> -> memref<64xi32, #tpu.memory_space<vmem>>
      %dma_start3A_108 = arith.constant 0 : i32
      %dma_start3A_109 = arith.constant 0 : i32
      %dma_start3A_110 = tpu.memref_slice %arg2[%dma_start3A_108, %dma_start3A_109] : memref<10000x128xf32, #tpu.memory_space<hbm>> -> memref<10000x128xf32, #tpu.memory_space<hbm>>
      tpu.enqueue_indirect_dma source(%dma_start3A_110 : memref<10000x128xf32, #tpu.memory_space<hbm>>) target(%dma_start3A_104 : memref<64x128xf32, #tpu.memory_space<vmem>>) offsets(%dma_start3A_107 : memref<64xi32, #tpu.memory_space<vmem>>) semaphore(%arg12 : memref<!tpu.dma_semaphore, #tpu.memory_space<semaphore_mem>>)
      %dma_start3A_111 = arith.constant 0 : i32
      %dma_start3A_112 = arith.constant 64 : i32
      %dma_start3A_113 = arith.constant 0 : i32
      %dma_start3A_114 = tpu.memref_slice %arg9[%dma_start3A_112, %dma_start3A_113] : memref<128x128xf32, #tpu.memory_space<vmem>> -> memref<64x128xf32, #tpu.memory_space<vmem>>
      %dma_start3A_115 = arith.constant 64 : i32
      %dma_start3A_116 = tpu.memref_slice %arg7[%dma_start3A_111, %dma_start3A_115] : memref<2x128xi32, #tpu.memory_space<vmem>> -> memref<1x64xi32, #tpu.memory_space<vmem>>
      %dma_start3A_117 = tpu.memref_squeeze %dma_start3A_116 : memref<1x64xi32, #tpu.memory_space<vmem>> -> memref<64xi32, #tpu.memory_space<vmem>>
      %dma_start3A_118 = arith.constant 0 : i32
      %dma_start3A_119 = arith.constant 0 : i32
      %dma_start3A_120 = tpu.memref_slice %arg2[%dma_start3A_118, %dma_start3A_119] : memref<10000x128xf32, #tpu.memory_space<hbm>> -> memref<10000x128xf32, #tpu.memory_space<hbm>>
      tpu.enqueue_indirect_dma source(%dma_start3A_120 : memref<10000x128xf32, #tpu.memory_space<hbm>>) target(%dma_start3A_114 : memref<64x128xf32, #tpu.memory_space<vmem>>) offsets(%dma_start3A_117 : memref<64xi32, #tpu.memory_space<vmem>>) semaphore(%arg12 : memref<!tpu.dma_semaphore, #tpu.memory_space<semaphore_mem>>)
      %dma_wait3A_121 = arith.constant 0 : i32
      %dma_wait3A_122 = arith.constant 0 : i32
      %dma_wait3A_123 = arith.constant 0 : i32
      %dma_wait3A_124 = tpu.memref_slice %arg9[%dma_wait3A_122, %dma_wait3A_123] : memref<128x128xf32, #tpu.memory_space<vmem>> -> memref<64x128xf32, #tpu.memory_space<vmem>>
      %dma_wait3A_125 = arith.constant 0 : i32
      %dma_wait3A_126 = tpu.memref_slice %arg7[%dma_wait3A_121, %dma_wait3A_125] : memref<2x128xi32, #tpu.memory_space<vmem>> -> memref<1x64xi32, #tpu.memory_space<vmem>>
      %dma_wait3A_127 = tpu.memref_squeeze %dma_wait3A_126 : memref<1x64xi32, #tpu.memory_space<vmem>> -> memref<64xi32, #tpu.memory_space<vmem>>
      %dma_wait3A_128 = arith.constant 0 : i32
      %dma_wait3A_129 = arith.constant 0 : i32
      %dma_wait3A_130 = tpu.memref_slice %arg2[%dma_wait3A_128, %dma_wait3A_129] : memref<10000x128xf32, #tpu.memory_space<hbm>> -> memref<10000x128xf32, #tpu.memory_space<hbm>>
      tpu.wait_indirect_dma semaphore(%arg12 : memref<!tpu.dma_semaphore, #tpu.memory_space<semaphore_mem>>) src(%dma_wait3A_130 : memref<10000x128xf32, #tpu.memory_space<hbm>>) dst(%dma_wait3A_124 : memref<64x128xf32, #tpu.memory_space<vmem>>)
      %dma_wait3A_131 = arith.constant 0 : i32
      %dma_wait3A_132 = arith.constant 64 : i32
      %dma_wait3A_133 = arith.constant 0 : i32
      %dma_wait3A_134 = tpu.memref_slice %arg9[%dma_wait3A_132, %dma_wait3A_133] : memref<128x128xf32, #tpu.memory_space<vmem>> -> memref<64x128xf32, #tpu.memory_space<vmem>>
      %dma_wait3A_135 = arith.constant 64 : i32
      %dma_wait3A_136 = tpu.memref_slice %arg7[%dma_wait3A_131, %dma_wait3A_135] : memref<2x128xi32, #tpu.memory_space<vmem>> -> memref<1x64xi32, #tpu.memory_space<vmem>>
      %dma_wait3A_137 = tpu.memref_squeeze %dma_wait3A_136 : memref<1x64xi32, #tpu.memory_space<vmem>> -> memref<64xi32, #tpu.memory_space<vmem>>
      %dma_wait3A_138 = arith.constant 0 : i32
      %dma_wait3A_139 = arith.constant 0 : i32
      %dma_wait3A_140 = tpu.memref_slice %arg2[%dma_wait3A_138, %dma_wait3A_139] : memref<10000x128xf32, #tpu.memory_space<hbm>> -> memref<10000x128xf32, #tpu.memory_space<hbm>>
      tpu.wait_indirect_dma semaphore(%arg12 : memref<!tpu.dma_semaphore, #tpu.memory_space<semaphore_mem>>) src(%dma_wait3A_140 : memref<10000x128xf32, #tpu.memory_space<hbm>>) dst(%dma_wait3A_134 : memref<64x128xf32, #tpu.memory_space<vmem>>)
      %dma_start3A_141 = arith.constant 1 : i32
      %dma_start3A_142 = arith.constant 0 : i32
      %dma_start3A_143 = tpu.memref_slice %arg7[%dma_start3A_141, %dma_start3A_142] : memref<2x128xi32, #tpu.memory_space<vmem>> -> memref<1x128xi32, #tpu.memory_space<vmem>>
      %dma_start3A_144 = tpu.memref_squeeze %dma_start3A_143 : memref<1x128xi32, #tpu.memory_space<vmem>> -> memref<128xi32, #tpu.memory_space<vmem>>
      %dma_start3A_145 = arith.constant 0 : i32
      %dma_start3A_146 = arith.constant 0 : i32
      %dma_start3A_147 = tpu.memref_slice %arg10[%dma_start3A_145, %dma_start3A_146] : memref<10240x128xf32, #tpu.memory_space<vmem_shared>> -> memref<10240x128xf32, #tpu.memory_space<vmem_shared>>
      tpu.enqueue_indirect_dma source(%arg9 : memref<128x128xf32, #tpu.memory_space<vmem>>) target(%dma_start3A_147 : memref<10240x128xf32, #tpu.memory_space<vmem_shared>>) offsets(%dma_start3A_144 : memref<128xi32, #tpu.memory_space<vmem>>) semaphore(%arg14 : memref<!tpu.dma_semaphore, #tpu.memory_space<semaphore_mem>>) {add = true}
      %dma_wait3A_148 = arith.constant 1 : i32
      %dma_wait3A_149 = arith.constant 0 : i32
      %dma_wait3A_150 = tpu.memref_slice %arg6[%dma_wait3A_148, %dma_wait3A_149] : memref<2x128xi32, #tpu.memory_space<vmem>> -> memref<1x128xi32, #tpu.memory_space<vmem>>
      %dma_wait3A_151 = tpu.memref_squeeze %dma_wait3A_150 : memref<1x128xi32, #tpu.memory_space<vmem>> -> memref<128xi32, #tpu.memory_space<vmem>>
      %dma_wait3A_152 = arith.constant 0 : i32
      %dma_wait3A_153 = arith.constant 0 : i32
      %dma_wait3A_154 = tpu.memref_slice %arg10[%dma_wait3A_152, %dma_wait3A_153] : memref<10240x128xf32, #tpu.memory_space<vmem_shared>> -> memref<10240x128xf32, #tpu.memory_space<vmem_shared>>
      tpu.wait_indirect_dma semaphore(%arg13 : memref<!tpu.dma_semaphore, #tpu.memory_space<semaphore_mem>>) src(%arg8 : memref<128x128xf32, #tpu.memory_space<vmem>>) dst(%dma_wait3A_154 : memref<10240x128xf32, #tpu.memory_space<vmem_shared>>)
      %add3A_155 = arith.constant 2 : i32
      %add3A_156 = arith.addi %mul3A_71, %add3A_155 : i32
      "tpu.region"() ({
        %run_scoped3A_177 = tpu.sem_alloc : memref<!tpu.dma_semaphore, #tpu.memory_space<semaphore_mem>>
        %dma_start3A_178 = arith.constant 0 : i32
        %dma_start3A_179 = arith.constant 0 : i32
        %dma_start3A_180 = tpu.memref_slice %arg3[%add3A, %add3A_156, %dma_start3A_178, %dma_start3A_179] : memref<32x79x2x128xi32, #tpu.memory_space<hbm>> -> memref<1x1x2x128xi32, #tpu.memory_space<hbm>>
        %dma_start3A_181 = tpu.memref_squeeze %dma_start3A_180 : memref<1x1x2x128xi32, #tpu.memory_space<hbm>> -> memref<2x128xi32, #tpu.memory_space<hbm>>
        %dma_start3A_182 = arith.constant 0 : i32
        %dma_start3A_183 = arith.constant 0 : i32
        %dma_start3A_184 = tpu.memref_slice %arg3[%add3A, %add3A_156, %dma_start3A_182, %dma_start3A_183] : memref<32x79x2x128xi32, #tpu.memory_space<hbm>> -> memref<1x1x2x128xi32, #tpu.memory_space<hbm>>
        %dma_start3A_185 = tpu.memref_squeeze %dma_start3A_184 : memref<1x1x2x128xi32, #tpu.memory_space<hbm>> -> memref<2x128xi32, #tpu.memory_space<hbm>>
        tpu.enqueue_dma source(%dma_start3A_185 : memref<2x128xi32, #tpu.memory_space<hbm>>) target(%arg6 : memref<2x128xi32, #tpu.memory_space<vmem>>) target_semaphore(%run_scoped3A_177 : memref<!tpu.dma_semaphore, #tpu.memory_space<semaphore_mem>>)
        %dma_wait3A_186 = arith.constant 0 : i32
        %dma_wait3A_187 = arith.constant 0 : i32
        %dma_wait3A_188 = tpu.memref_slice %arg3[%add3A, %add3A_156, %dma_wait3A_186, %dma_wait3A_187] : memref<32x79x2x128xi32, #tpu.memory_space<hbm>> -> memref<1x1x2x128xi32, #tpu.memory_space<hbm>>
        %dma_wait3A_189 = tpu.memref_squeeze %dma_wait3A_188 : memref<1x1x2x128xi32, #tpu.memory_space<hbm>> -> memref<2x128xi32, #tpu.memory_space<hbm>>
        %dma_wait3A_190 = arith.constant 0 : i32
        %dma_wait3A_191 = arith.constant 0 : i32
        %dma_wait3A_192 = tpu.memref_slice %arg3[%add3A, %add3A_156, %dma_wait3A_190, %dma_wait3A_191] : memref<32x79x2x128xi32, #tpu.memory_space<hbm>> -> memref<1x1x2x128xi32, #tpu.memory_space<hbm>>
        %dma_wait3A_193 = tpu.memref_squeeze %dma_wait3A_192 : memref<1x1x2x128xi32, #tpu.memory_space<hbm>> -> memref<2x128xi32, #tpu.memory_space<hbm>>
        tpu.wait_dma2 semaphore(%run_scoped3A_177 : memref<!tpu.dma_semaphore, #tpu.memory_space<semaphore_mem>>) src(%dma_wait3A_193 : memref<2x128xi32, #tpu.memory_space<hbm>>) dst(%arg6 : memref<2x128xi32, #tpu.memory_space<vmem>>)
        tpu.yield
      }) : () -> ()
      %dma_start3A_157 = arith.constant 0 : i32
      %dma_start3A_158 = arith.constant 0 : i32
      %dma_start3A_159 = arith.constant 0 : i32
      %dma_start3A_160 = tpu.memref_slice %arg8[%dma_start3A_158, %dma_start3A_159] : memref<128x128xf32, #tpu.memory_space<vmem>> -> memref<64x128xf32, #tpu.memory_space<vmem>>
      %dma_start3A_161 = arith.constant 0 : i32
      %dma_start3A_162 = tpu.memref_slice %arg6[%dma_start3A_157, %dma_start3A_161] : memref<2x128xi32, #tpu.memory_space<vmem>> -> memref<1x64xi32, #tpu.memory_space<vmem>>
      %dma_start3A_163 = tpu.memref_squeeze %dma_start3A_162 : memref<1x64xi32, #tpu.memory_space<vmem>> -> memref<64xi32, #tpu.memory_space<vmem>>
      %dma_start3A_164 = arith.constant 0 : i32
      %dma_start3A_165 = arith.constant 0 : i32
      %dma_start3A_166 = tpu.memref_slice %arg2[%dma_start3A_164, %dma_start3A_165] : memref<10000x128xf32, #tpu.memory_space<hbm>> -> memref<10000x128xf32, #tpu.memory_space<hbm>>
      tpu.enqueue_indirect_dma source(%dma_start3A_166 : memref<10000x128xf32, #tpu.memory_space<hbm>>) target(%dma_start3A_160 : memref<64x128xf32, #tpu.memory_space<vmem>>) offsets(%dma_start3A_163 : memref<64xi32, #tpu.memory_space<vmem>>) semaphore(%arg11 : memref<!tpu.dma_semaphore, #tpu.memory_space<semaphore_mem>>)
      %dma_start3A_167 = arith.constant 0 : i32
      %dma_start3A_168 = arith.constant 64 : i32
      %dma_start3A_169 = arith.constant 0 : i32
      %dma_start3A_170 = tpu.memref_slice %arg8[%dma_start3A_168, %dma_start3A_169] : memref<128x128xf32, #tpu.memory_space<vmem>> -> memref<64x128xf32, #tpu.memory_space<vmem>>
      %dma_start3A_171 = arith.constant 64 : i32
      %dma_start3A_172 = tpu.memref_slice %arg6[%dma_start3A_167, %dma_start3A_171] : memref<2x128xi32, #tpu.memory_space<vmem>> -> memref<1x64xi32, #tpu.memory_space<vmem>>
      %dma_start3A_173 = tpu.memref_squeeze %dma_start3A_172 : memref<1x64xi32, #tpu.memory_space<vmem>> -> memref<64xi32, #tpu.memory_space<vmem>>
      %dma_start3A_174 = arith.constant 0 : i32
      %dma_start3A_175 = arith.constant 0 : i32
      %dma_start3A_176 = tpu.memref_slice %arg2[%dma_start3A_174, %dma_start3A_175] : memref<10000x128xf32, #tpu.memory_space<hbm>> -> memref<10000x128xf32, #tpu.memory_space<hbm>>
      tpu.enqueue_indirect_dma source(%dma_start3A_176 : memref<10000x128xf32, #tpu.memory_space<hbm>>) target(%dma_start3A_170 : memref<64x128xf32, #tpu.memory_space<vmem>>) offsets(%dma_start3A_173 : memref<64xi32, #tpu.memory_space<vmem>>) semaphore(%arg11 : memref<!tpu.dma_semaphore, #tpu.memory_space<semaphore_mem>>)
    }
    %scan3A_31 = arith.constant 39 : i32
    %dma_wait3A = arith.constant 0 : i32
    %dma_wait3A_32 = arith.constant 0 : i32
    %dma_wait3A_33 = arith.constant 0 : i32
    %dma_wait3A_34 = tpu.memref_slice %arg8[%dma_wait3A_32, %dma_wait3A_33] : memref<128x128xf32, #tpu.memory_space<vmem>> -> memref<64x128xf32, #tpu.memory_space<vmem>>
    %dma_wait3A_35 = arith.constant 0 : i32
    %dma_wait3A_36 = tpu.memref_slice %arg6[%dma_wait3A, %dma_wait3A_35] : memref<2x128xi32, #tpu.memory_space<vmem>> -> memref<1x64xi32, #tpu.memory_space<vmem>>
    %dma_wait3A_37 = tpu.memref_squeeze %dma_wait3A_36 : memref<1x64xi32, #tpu.memory_space<vmem>> -> memref<64xi32, #tpu.memory_space<vmem>>
    %dma_wait3A_38 = arith.constant 0 : i32
    %dma_wait3A_39 = arith.constant 0 : i32
    %dma_wait3A_40 = tpu.memref_slice %arg2[%dma_wait3A_38, %dma_wait3A_39] : memref<10000x128xf32, #tpu.memory_space<hbm>> -> memref<10000x128xf32, #tpu.memory_space<hbm>>
    tpu.wait_indirect_dma semaphore(%arg11 : memref<!tpu.dma_semaphore, #tpu.memory_space<semaphore_mem>>) src(%dma_wait3A_40 : memref<10000x128xf32, #tpu.memory_space<hbm>>) dst(%dma_wait3A_34 : memref<64x128xf32, #tpu.memory_space<vmem>>)
    %dma_wait3A_41 = arith.constant 0 : i32
    %dma_wait3A_42 = arith.constant 64 : i32
    %dma_wait3A_43 = arith.constant 0 : i32
    %dma_wait3A_44 = tpu.memref_slice %arg8[%dma_wait3A_42, %dma_wait3A_43] : memref<128x128xf32, #tpu.memory_space<vmem>> -> memref<64x128xf32, #tpu.memory_space<vmem>>
    %dma_wait3A_45 = arith.constant 64 : i32
    %dma_wait3A_46 = tpu.memref_slice %arg6[%dma_wait3A_41, %dma_wait3A_45] : memref<2x128xi32, #tpu.memory_space<vmem>> -> memref<1x64xi32, #tpu.memory_space<vmem>>
    %dma_wait3A_47 = tpu.memref_squeeze %dma_wait3A_46 : memref<1x64xi32, #tpu.memory_space<vmem>> -> memref<64xi32, #tpu.memory_space<vmem>>
    %dma_wait3A_48 = arith.constant 0 : i32
    %dma_wait3A_49 = arith.constant 0 : i32
    %dma_wait3A_50 = tpu.memref_slice %arg2[%dma_wait3A_48, %dma_wait3A_49] : memref<10000x128xf32, #tpu.memory_space<hbm>> -> memref<10000x128xf32, #tpu.memory_space<hbm>>
    tpu.wait_indirect_dma semaphore(%arg11 : memref<!tpu.dma_semaphore, #tpu.memory_space<semaphore_mem>>) src(%dma_wait3A_50 : memref<10000x128xf32, #tpu.memory_space<hbm>>) dst(%dma_wait3A_44 : memref<64x128xf32, #tpu.memory_space<vmem>>)
    %dma_wait3A_51 = arith.constant 1 : i32
    %dma_wait3A_52 = arith.constant 0 : i32
    %dma_wait3A_53 = tpu.memref_slice %arg7[%dma_wait3A_51, %dma_wait3A_52] : memref<2x128xi32, #tpu.memory_space<vmem>> -> memref<1x128xi32, #tpu.memory_space<vmem>>
    %dma_wait3A_54 = tpu.memref_squeeze %dma_wait3A_53 : memref<1x128xi32, #tpu.memory_space<vmem>> -> memref<128xi32, #tpu.memory_space<vmem>>
    %dma_wait3A_55 = arith.constant 0 : i32
    %dma_wait3A_56 = arith.constant 0 : i32
    %dma_wait3A_57 = tpu.memref_slice %arg10[%dma_wait3A_55, %dma_wait3A_56] : memref<10240x128xf32, #tpu.memory_space<vmem_shared>> -> memref<10240x128xf32, #tpu.memory_space<vmem_shared>>
    tpu.wait_indirect_dma semaphore(%arg14 : memref<!tpu.dma_semaphore, #tpu.memory_space<semaphore_mem>>) src(%arg9 : memref<128x128xf32, #tpu.memory_space<vmem>>) dst(%dma_wait3A_57 : memref<10240x128xf32, #tpu.memory_space<vmem_shared>>)
    %run_scoped3A_58 = arith.constant 1 : i32
    "tpu.region"() ({
      %run_scoped3A_65 = tpu.sem_alloc : memref<!tpu.dma_semaphore, #tpu.memory_space<semaphore_mem>>
      %dma_start3A_66 = arith.constant 0 : i32
      %dma_start3A_67 = tpu.memref_slice %arg6[%run_scoped3A_58, %dma_start3A_66] : memref<2x128xi32, #tpu.memory_space<vmem>> -> memref<1x128xi32, #tpu.memory_space<vmem>>
      %dma_start3A_68 = tpu.memref_squeeze %dma_start3A_67 : memref<1x128xi32, #tpu.memory_space<vmem>> -> memref<128xi32, #tpu.memory_space<vmem>>
      %dma_start3A_69 = arith.constant 0 : i32
      %dma_start3A_70 = arith.constant 0 : i32
      %dma_start3A_71 = tpu.memref_slice %arg10[%dma_start3A_69, %dma_start3A_70] : memref<10240x128xf32, #tpu.memory_space<vmem_shared>> -> memref<10240x128xf32, #tpu.memory_space<vmem_shared>>
      tpu.enqueue_indirect_dma source(%arg8 : memref<128x128xf32, #tpu.memory_space<vmem>>) target(%dma_start3A_71 : memref<10240x128xf32, #tpu.memory_space<vmem_shared>>) offsets(%dma_start3A_68 : memref<128xi32, #tpu.memory_space<vmem>>) semaphore(%run_scoped3A_65 : memref<!tpu.dma_semaphore, #tpu.memory_space<semaphore_mem>>) {add = true}
      %dma_wait3A_72 = arith.constant 0 : i32
      %dma_wait3A_73 = tpu.memref_slice %arg6[%run_scoped3A_58, %dma_wait3A_72] : memref<2x128xi32, #tpu.memory_space<vmem>> -> memref<1x128xi32, #tpu.memory_space<vmem>>
      %dma_wait3A_74 = tpu.memref_squeeze %dma_wait3A_73 : memref<1x128xi32, #tpu.memory_space<vmem>> -> memref<128xi32, #tpu.memory_space<vmem>>
      %dma_wait3A_75 = arith.constant 0 : i32
      %dma_wait3A_76 = arith.constant 0 : i32
      %dma_wait3A_77 = tpu.memref_slice %arg10[%dma_wait3A_75, %dma_wait3A_76] : memref<10240x128xf32, #tpu.memory_space<vmem_shared>> -> memref<10240x128xf32, #tpu.memory_space<vmem_shared>>
      tpu.wait_indirect_dma semaphore(%run_scoped3A_65 : memref<!tpu.dma_semaphore, #tpu.memory_space<semaphore_mem>>) src(%arg8 : memref<128x128xf32, #tpu.memory_space<vmem>>) dst(%dma_wait3A_77 : memref<10240x128xf32, #tpu.memory_space<vmem_shared>>)
      tpu.yield
    }) : () -> ()
    %barrier3A_59 = arith.constant 0 : index
    tpu.barrier barrier_id(%barrier3A_59)
    %scan3A_60 = arith.constant 0 : i32
    %scan3A_61 = arith.constant 5 : i32
    %scan3A_62 = arith.addi %scan3A_60, %scan3A_61 : i32
    %scan3A_63 = arith.constant 1 : i32
    scf.for %scan3A_65 = %scan3A_60 to %scan3A_62 step %scan3A_63  : i32 {
      %mul3A_66 = arith.constant 1 : i32
      %mul3A_67 = arith.muli %scan3A_65, %mul3A_66 : i32
      %add3A_68 = arith.constant 0 : i32
      %add3A_69 = arith.addi %add3A_68, %mul3A_67 : i32
      %mul3A_70 = arith.constant 128 : i32
      %mul3A_71 = arith.muli %add3A_69, %mul3A_70 : i32
      %add3A_72 = arith.addi %mul3A_2, %mul3A_71 : i32
      "tpu.region"() ({
        %run_scoped3A_79 = tpu.sem_alloc : memref<!tpu.dma_semaphore, #tpu.memory_space<semaphore_mem>>
        %dma_start3A_80 = arith.constant 0 : i32
        %dma_start3A_81 = tpu.memref_slice %arg10[%add3A_72, %dma_start3A_80] : memref<10240x128xf32, #tpu.memory_space<vmem_shared>> -> memref<128x128xf32, #tpu.memory_space<vmem_shared>>
        %dma_start3A_82 = arith.constant 0 : i32
        %dma_start3A_83 = tpu.memref_slice %arg10[%add3A_72, %dma_start3A_82] : memref<10240x128xf32, #tpu.memory_space<vmem_shared>> -> memref<128x128xf32, #tpu.memory_space<vmem_shared>>
        tpu.enqueue_dma source(%dma_start3A_83 : memref<128x128xf32, #tpu.memory_space<vmem_shared>>) target(%arg8 : memref<128x128xf32, #tpu.memory_space<vmem>>) target_semaphore(%run_scoped3A_79 : memref<!tpu.dma_semaphore, #tpu.memory_space<semaphore_mem>>)
        %dma_wait3A_84 = arith.constant 0 : i32
        %dma_wait3A_85 = tpu.memref_slice %arg10[%add3A_72, %dma_wait3A_84] : memref<10240x128xf32, #tpu.memory_space<vmem_shared>> -> memref<128x128xf32, #tpu.memory_space<vmem_shared>>
        %dma_wait3A_86 = arith.constant 0 : i32
        %dma_wait3A_87 = tpu.memref_slice %arg10[%add3A_72, %dma_wait3A_86] : memref<10240x128xf32, #tpu.memory_space<vmem_shared>> -> memref<128x128xf32, #tpu.memory_space<vmem_shared>>
        tpu.wait_dma2 semaphore(%run_scoped3A_79 : memref<!tpu.dma_semaphore, #tpu.memory_space<semaphore_mem>>) src(%dma_wait3A_87 : memref<128x128xf32, #tpu.memory_space<vmem_shared>>) dst(%arg8 : memref<128x128xf32, #tpu.memory_space<vmem>>)
        tpu.yield
      }) : () -> ()
      %mul3A_73 = arith.constant 10240 : i32
      %mul3A_74 = arith.muli %arg0, %mul3A_73 : i32
      %add3A_75 = arith.addi %mul3A_74, %mul3A_2 : i32
      %mul3A_76 = arith.constant 128 : i32
      %mul3A_77 = arith.muli %add3A_69, %mul3A_76 : i32
      %add3A_78 = arith.addi %add3A_75, %mul3A_77 : i32
      "tpu.region"() ({
        %run_scoped3A_79 = tpu.sem_alloc : memref<!tpu.dma_semaphore, #tpu.memory_space<semaphore_mem>>
        %dma_start3A_80 = arith.constant 0 : i32
        %dma_start3A_81 = tpu.memref_slice %arg5[%add3A_78, %dma_start3A_80] : memref<20480x128xf32, #tpu.memory_space<hbm>> -> memref<128x128xf32, #tpu.memory_space<hbm>>
        %dma_start3A_82 = arith.constant 0 : i32
        %dma_start3A_83 = tpu.memref_slice %arg5[%add3A_78, %dma_start3A_82] : memref<20480x128xf32, #tpu.memory_space<hbm>> -> memref<128x128xf32, #tpu.memory_space<hbm>>
        tpu.enqueue_dma source(%arg8 : memref<128x128xf32, #tpu.memory_space<vmem>>) target(%dma_start3A_83 : memref<128x128xf32, #tpu.memory_space<hbm>>) target_semaphore(%run_scoped3A_79 : memref<!tpu.dma_semaphore, #tpu.memory_space<semaphore_mem>>)
        %dma_wait3A_84 = arith.constant 0 : i32
        %dma_wait3A_85 = tpu.memref_slice %arg5[%add3A_78, %dma_wait3A_84] : memref<20480x128xf32, #tpu.memory_space<hbm>> -> memref<128x128xf32, #tpu.memory_space<hbm>>
        %dma_wait3A_86 = arith.constant 0 : i32
        %dma_wait3A_87 = tpu.memref_slice %arg5[%add3A_78, %dma_wait3A_86] : memref<20480x128xf32, #tpu.memory_space<hbm>> -> memref<128x128xf32, #tpu.memory_space<hbm>>
        tpu.wait_dma2 semaphore(%run_scoped3A_79 : memref<!tpu.dma_semaphore, #tpu.memory_space<semaphore_mem>>) src(%arg8 : memref<128x128xf32, #tpu.memory_space<vmem>>) dst(%dma_wait3A_87 : memref<128x128xf32, #tpu.memory_space<hbm>>)
        tpu.yield
      }) : () -> ()
    }
    %scan3A_64 = arith.constant 5 : i32
    return
  }
}

#map = affine_map<(d0, d1) -> (0, 0, 0)>
#map1 = affine_map<(d0, d1) -> (0, 0)>
module attributes {stable_mosaic.version = 14 : i64} {
  func.func @k(%arg0: i32, %arg1: i32, %arg2: memref<32x79x128xi32, #tpu.memory_space<hbm>>, %arg3: memref<128x128xf32, #tpu.memory_space<hbm>>, %arg4: memref<128x128xf32, #tpu.memory_space<hbm>>, %arg5: memref<20480x128xf32, #tpu.memory_space<hbm>>, %arg6: memref<79x128xi32, #tpu.memory_space<vmem>>, %arg7: memref<128x128xf32, #tpu.memory_space<vmem>>, %arg8: memref<10240x128xf32, #tpu.memory_space<vmem_shared>>, %arg9: memref<!tpu.dma_semaphore, #tpu.memory_space<semaphore_mem>>, %arg10: memref<!tpu.dma_semaphore, #tpu.memory_space<semaphore_mem>>) attributes {dimension_semantics = [#tpu.dimension_semantics<core_parallel>, #tpu.dimension_semantics<subcore_parallel>], iteration_bounds = array<i64: 2, 16>, scalar_prefetch = 0 : i64, scratch_operands = 5 : i64, tpu.core_type = #tpu.core_type<sc_vector_subcore>, window_params = [{transform_indices = #map}, {transform_indices = #map1}, {transform_indices = #map1}, {transform_indices = #map1}]} {
    %mul3A = arith.constant 16 : i32
    %mul3A_0 = arith.muli %arg0, %mul3A : i32
    %add3A = arith.addi %mul3A_0, %arg1 : i32
    %mul3A_1 = arith.constant 640 : i32
    %mul3A_2 = arith.muli %arg1, %mul3A_1 : i32
    "tpu.region"() ({
      %run_scoped3A_24 = tpu.sem_alloc : memref<!tpu.dma_semaphore, #tpu.memory_space<semaphore_mem>>
      %dma_start3A = arith.constant 0 : i32
      %dma_start3A_25 = arith.constant 0 : i32
      %dma_start3A_26 = tpu.memref_slice %arg2[%add3A, %dma_start3A, %dma_start3A_25] : memref<32x79x128xi32, #tpu.memory_space<hbm>> -> memref<1x79x128xi32, #tpu.memory_space<hbm>>
      %dma_start3A_27 = tpu.memref_squeeze %dma_start3A_26 : memref<1x79x128xi32, #tpu.memory_space<hbm>> -> memref<79x128xi32, #tpu.memory_space<hbm>>
      %dma_start3A_28 = arith.constant 0 : i32
      %dma_start3A_29 = arith.constant 0 : i32
      %dma_start3A_30 = tpu.memref_slice %arg2[%add3A, %dma_start3A_28, %dma_start3A_29] : memref<32x79x128xi32, #tpu.memory_space<hbm>> -> memref<1x79x128xi32, #tpu.memory_space<hbm>>
      %dma_start3A_31 = tpu.memref_squeeze %dma_start3A_30 : memref<1x79x128xi32, #tpu.memory_space<hbm>> -> memref<79x128xi32, #tpu.memory_space<hbm>>
      tpu.enqueue_dma source(%dma_start3A_31 : memref<79x128xi32, #tpu.memory_space<hbm>>) target(%arg6 : memref<79x128xi32, #tpu.memory_space<vmem>>) target_semaphore(%run_scoped3A_24 : memref<!tpu.dma_semaphore, #tpu.memory_space<semaphore_mem>>)
      %dma_wait3A_32 = arith.constant 0 : i32
      %dma_wait3A_33 = arith.constant 0 : i32
      %dma_wait3A_34 = tpu.memref_slice %arg2[%add3A, %dma_wait3A_32, %dma_wait3A_33] : memref<32x79x128xi32, #tpu.memory_space<hbm>> -> memref<1x79x128xi32, #tpu.memory_space<hbm>>
      %dma_wait3A_35 = tpu.memref_squeeze %dma_wait3A_34 : memref<1x79x128xi32, #tpu.memory_space<hbm>> -> memref<79x128xi32, #tpu.memory_space<hbm>>
      %dma_wait3A_36 = arith.constant 0 : i32
      %dma_wait3A_37 = arith.constant 0 : i32
      %dma_wait3A_38 = tpu.memref_slice %arg2[%add3A, %dma_wait3A_36, %dma_wait3A_37] : memref<32x79x128xi32, #tpu.memory_space<hbm>> -> memref<1x79x128xi32, #tpu.memory_space<hbm>>
      %dma_wait3A_39 = tpu.memref_squeeze %dma_wait3A_38 : memref<1x79x128xi32, #tpu.memory_space<hbm>> -> memref<79x128xi32, #tpu.memory_space<hbm>>
      tpu.wait_dma2 semaphore(%run_scoped3A_24 : memref<!tpu.dma_semaphore, #tpu.memory_space<semaphore_mem>>) src(%dma_wait3A_39 : memref<79x128xi32, #tpu.memory_space<hbm>>) dst(%arg6 : memref<79x128xi32, #tpu.memory_space<vmem>>)
      tpu.yield
    }) : () -> ()
    "tpu.region"() ({
      %run_scoped3A_24 = tpu.sem_alloc : memref<!tpu.dma_semaphore, #tpu.memory_space<semaphore_mem>>
      tpu.enqueue_dma source(%arg3 : memref<128x128xf32, #tpu.memory_space<hbm>>) target(%arg7 : memref<128x128xf32, #tpu.memory_space<vmem>>) target_semaphore(%run_scoped3A_24 : memref<!tpu.dma_semaphore, #tpu.memory_space<semaphore_mem>>)
      tpu.wait_dma2 semaphore(%run_scoped3A_24 : memref<!tpu.dma_semaphore, #tpu.memory_space<semaphore_mem>>) src(%arg3 : memref<128x128xf32, #tpu.memory_space<hbm>>) dst(%arg7 : memref<128x128xf32, #tpu.memory_space<vmem>>)
      tpu.yield
    }) : () -> ()
    %scan3A = arith.constant 0 : i32
    %scan3A_3 = arith.constant 5 : i32
    %scan3A_4 = arith.addi %scan3A, %scan3A_3 : i32
    %scan3A_5 = arith.constant 1 : i32
    scf.for %scan3A_24 = %scan3A to %scan3A_4 step %scan3A_5  : i32 {
      %mul3A_25 = arith.constant 1 : i32
      %mul3A_26 = arith.muli %scan3A_24, %mul3A_25 : i32
      %add3A_27 = arith.constant 0 : i32
      %add3A_28 = arith.addi %add3A_27, %mul3A_26 : i32
      %mul3A_29 = arith.constant 128 : i32
      %mul3A_30 = arith.muli %add3A_28, %mul3A_29 : i32
      %add3A_31 = arith.addi %mul3A_2, %mul3A_30 : i32
      "tpu.region"() ({
        %run_scoped3A_32 = tpu.sem_alloc : memref<!tpu.dma_semaphore, #tpu.memory_space<semaphore_mem>>
        %dma_start3A = arith.constant 0 : i32
        %dma_start3A_33 = tpu.memref_slice %arg8[%add3A_31, %dma_start3A] : memref<10240x128xf32, #tpu.memory_space<vmem_shared>> -> memref<128x128xf32, #tpu.memory_space<vmem_shared>>
        %dma_start3A_34 = arith.constant 0 : i32
        %dma_start3A_35 = tpu.memref_slice %arg8[%add3A_31, %dma_start3A_34] : memref<10240x128xf32, #tpu.memory_space<vmem_shared>> -> memref<128x128xf32, #tpu.memory_space<vmem_shared>>
        tpu.enqueue_dma source(%arg7 : memref<128x128xf32, #tpu.memory_space<vmem>>) target(%dma_start3A_35 : memref<128x128xf32, #tpu.memory_space<vmem_shared>>) target_semaphore(%run_scoped3A_32 : memref<!tpu.dma_semaphore, #tpu.memory_space<semaphore_mem>>)
        %dma_wait3A_36 = arith.constant 0 : i32
        %dma_wait3A_37 = tpu.memref_slice %arg8[%add3A_31, %dma_wait3A_36] : memref<10240x128xf32, #tpu.memory_space<vmem_shared>> -> memref<128x128xf32, #tpu.memory_space<vmem_shared>>
        %dma_wait3A_38 = arith.constant 0 : i32
        %dma_wait3A_39 = tpu.memref_slice %arg8[%add3A_31, %dma_wait3A_38] : memref<10240x128xf32, #tpu.memory_space<vmem_shared>> -> memref<128x128xf32, #tpu.memory_space<vmem_shared>>
        tpu.wait_dma2 semaphore(%run_scoped3A_32 : memref<!tpu.dma_semaphore, #tpu.memory_space<semaphore_mem>>) src(%arg7 : memref<128x128xf32, #tpu.memory_space<vmem>>) dst(%dma_wait3A_39 : memref<128x128xf32, #tpu.memory_space<vmem_shared>>)
        tpu.yield
      }) : () -> ()
    }
    %scan3A_6 = arith.constant 5 : i32
    "tpu.region"() ({
      %run_scoped3A_24 = tpu.sem_alloc : memref<!tpu.dma_semaphore, #tpu.memory_space<semaphore_mem>>
      tpu.enqueue_dma source(%arg4 : memref<128x128xf32, #tpu.memory_space<hbm>>) target(%arg7 : memref<128x128xf32, #tpu.memory_space<vmem>>) target_semaphore(%run_scoped3A_24 : memref<!tpu.dma_semaphore, #tpu.memory_space<semaphore_mem>>)
      tpu.wait_dma2 semaphore(%run_scoped3A_24 : memref<!tpu.dma_semaphore, #tpu.memory_space<semaphore_mem>>) src(%arg4 : memref<128x128xf32, #tpu.memory_space<hbm>>) dst(%arg7 : memref<128x128xf32, #tpu.memory_space<vmem>>)
      tpu.yield
    }) : () -> ()
    %barrier3A = arith.constant 0 : index
    tpu.barrier barrier_id(%barrier3A)
    %scan3A_7 = arith.constant 0 : i32
    %scan3A_8 = arith.constant 39 : i32
    %scan3A_9 = arith.addi %scan3A_7, %scan3A_8 : i32
    %scan3A_10 = arith.constant 1 : i32
    scf.for %scan3A_24 = %scan3A_7 to %scan3A_9 step %scan3A_10  : i32 {
      %mul3A_25 = arith.constant 1 : i32
      %mul3A_26 = arith.muli %scan3A_24, %mul3A_25 : i32
      %add3A_27 = arith.constant 0 : i32
      %add3A_28 = arith.addi %add3A_27, %mul3A_26 : i32
      %mul3A_29 = arith.constant 2 : i32
      %mul3A_30 = arith.muli %mul3A_29, %add3A_28 : i32
      %dma_start3A = arith.constant 0 : i32
      %dma_start3A_31 = tpu.memref_slice %arg6[%mul3A_30, %dma_start3A] : memref<79x128xi32, #tpu.memory_space<vmem>> -> memref<1x128xi32, #tpu.memory_space<vmem>>
      %dma_start3A_32 = tpu.memref_squeeze %dma_start3A_31 : memref<1x128xi32, #tpu.memory_space<vmem>> -> memref<128xi32, #tpu.memory_space<vmem>>
      %dma_start3A_33 = arith.constant 0 : i32
      %dma_start3A_34 = arith.constant 0 : i32
      %dma_start3A_35 = tpu.memref_slice %arg8[%dma_start3A_33, %dma_start3A_34] : memref<10240x128xf32, #tpu.memory_space<vmem_shared>> -> memref<10240x128xf32, #tpu.memory_space<vmem_shared>>
      tpu.enqueue_indirect_dma source(%arg7 : memref<128x128xf32, #tpu.memory_space<vmem>>) target(%dma_start3A_35 : memref<10240x128xf32, #tpu.memory_space<vmem_shared>>) offsets(%dma_start3A_32 : memref<128xi32, #tpu.memory_space<vmem>>) semaphore(%arg9 : memref<!tpu.dma_semaphore, #tpu.memory_space<semaphore_mem>>) {add = true}
      %gt3A = arith.constant 0 : i32
      %gt3A_36 = arith.cmpi sgt, %add3A_28, %gt3A : i32
      %convert_element_type3A = arith.extui %gt3A_36 : i1 to i32
      %cond3A = arith.constant 0 : i32
      %cond3A_37 = arith.cmpi ne, %convert_element_type3A, %cond3A : i32
      scf.if %cond3A_37 {
        %sub3A = arith.constant 1 : i32
        %sub3A_52 = arith.subi %mul3A_30, %sub3A : i32
        %dma_wait3A_53 = arith.constant 0 : i32
        %dma_wait3A_54 = tpu.memref_slice %arg6[%sub3A_52, %dma_wait3A_53] : memref<79x128xi32, #tpu.memory_space<vmem>> -> memref<1x128xi32, #tpu.memory_space<vmem>>
        %dma_wait3A_55 = tpu.memref_squeeze %dma_wait3A_54 : memref<1x128xi32, #tpu.memory_space<vmem>> -> memref<128xi32, #tpu.memory_space<vmem>>
        %dma_wait3A_56 = arith.constant 0 : i32
        %dma_wait3A_57 = arith.constant 0 : i32
        %dma_wait3A_58 = tpu.memref_slice %arg8[%dma_wait3A_56, %dma_wait3A_57] : memref<10240x128xf32, #tpu.memory_space<vmem_shared>> -> memref<10240x128xf32, #tpu.memory_space<vmem_shared>>
        tpu.wait_indirect_dma semaphore(%arg10 : memref<!tpu.dma_semaphore, #tpu.memory_space<semaphore_mem>>) src(%arg7 : memref<128x128xf32, #tpu.memory_space<vmem>>) dst(%dma_wait3A_58 : memref<10240x128xf32, #tpu.memory_space<vmem_shared>>)
      } else {
      }
      %add3A_38 = arith.constant 1 : i32
      %add3A_39 = arith.addi %mul3A_30, %add3A_38 : i32
      %dma_start3A_40 = arith.constant 0 : i32
      %dma_start3A_41 = tpu.memref_slice %arg6[%add3A_39, %dma_start3A_40] : memref<79x128xi32, #tpu.memory_space<vmem>> -> memref<1x128xi32, #tpu.memory_space<vmem>>
      %dma_start3A_42 = tpu.memref_squeeze %dma_start3A_41 : memref<1x128xi32, #tpu.memory_space<vmem>> -> memref<128xi32, #tpu.memory_space<vmem>>
      %dma_start3A_43 = arith.constant 0 : i32
      %dma_start3A_44 = arith.constant 0 : i32
      %dma_start3A_45 = tpu.memref_slice %arg8[%dma_start3A_43, %dma_start3A_44] : memref<10240x128xf32, #tpu.memory_space<vmem_shared>> -> memref<10240x128xf32, #tpu.memory_space<vmem_shared>>
      tpu.enqueue_indirect_dma source(%arg7 : memref<128x128xf32, #tpu.memory_space<vmem>>) target(%dma_start3A_45 : memref<10240x128xf32, #tpu.memory_space<vmem_shared>>) offsets(%dma_start3A_42 : memref<128xi32, #tpu.memory_space<vmem>>) semaphore(%arg10 : memref<!tpu.dma_semaphore, #tpu.memory_space<semaphore_mem>>) {add = true}
      %dma_wait3A_46 = arith.constant 0 : i32
      %dma_wait3A_47 = tpu.memref_slice %arg6[%mul3A_30, %dma_wait3A_46] : memref<79x128xi32, #tpu.memory_space<vmem>> -> memref<1x128xi32, #tpu.memory_space<vmem>>
      %dma_wait3A_48 = tpu.memref_squeeze %dma_wait3A_47 : memref<1x128xi32, #tpu.memory_space<vmem>> -> memref<128xi32, #tpu.memory_space<vmem>>
      %dma_wait3A_49 = arith.constant 0 : i32
      %dma_wait3A_50 = arith.constant 0 : i32
      %dma_wait3A_51 = tpu.memref_slice %arg8[%dma_wait3A_49, %dma_wait3A_50] : memref<10240x128xf32, #tpu.memory_space<vmem_shared>> -> memref<10240x128xf32, #tpu.memory_space<vmem_shared>>
      tpu.wait_indirect_dma semaphore(%arg9 : memref<!tpu.dma_semaphore, #tpu.memory_space<semaphore_mem>>) src(%arg7 : memref<128x128xf32, #tpu.memory_space<vmem>>) dst(%dma_wait3A_51 : memref<10240x128xf32, #tpu.memory_space<vmem_shared>>)
    }
    %scan3A_11 = arith.constant 39 : i32
    %dma_wait3A = arith.constant 77 : i32
    %dma_wait3A_12 = arith.constant 0 : i32
    %dma_wait3A_13 = tpu.memref_slice %arg6[%dma_wait3A, %dma_wait3A_12] : memref<79x128xi32, #tpu.memory_space<vmem>> -> memref<1x128xi32, #tpu.memory_space<vmem>>
    %dma_wait3A_14 = tpu.memref_squeeze %dma_wait3A_13 : memref<1x128xi32, #tpu.memory_space<vmem>> -> memref<128xi32, #tpu.memory_space<vmem>>
    %dma_wait3A_15 = arith.constant 0 : i32
    %dma_wait3A_16 = arith.constant 0 : i32
    %dma_wait3A_17 = tpu.memref_slice %arg8[%dma_wait3A_15, %dma_wait3A_16] : memref<10240x128xf32, #tpu.memory_space<vmem_shared>> -> memref<10240x128xf32, #tpu.memory_space<vmem_shared>>
    tpu.wait_indirect_dma semaphore(%arg10 : memref<!tpu.dma_semaphore, #tpu.memory_space<semaphore_mem>>) src(%arg7 : memref<128x128xf32, #tpu.memory_space<vmem>>) dst(%dma_wait3A_17 : memref<10240x128xf32, #tpu.memory_space<vmem_shared>>)
    %run_scoped3A = arith.constant 78 : i32
    "tpu.region"() ({
      %run_scoped3A_24 = tpu.sem_alloc : memref<!tpu.dma_semaphore, #tpu.memory_space<semaphore_mem>>
      %dma_start3A = arith.constant 0 : i32
      %dma_start3A_25 = tpu.memref_slice %arg6[%run_scoped3A, %dma_start3A] : memref<79x128xi32, #tpu.memory_space<vmem>> -> memref<1x128xi32, #tpu.memory_space<vmem>>
      %dma_start3A_26 = tpu.memref_squeeze %dma_start3A_25 : memref<1x128xi32, #tpu.memory_space<vmem>> -> memref<128xi32, #tpu.memory_space<vmem>>
      %dma_start3A_27 = arith.constant 0 : i32
      %dma_start3A_28 = arith.constant 0 : i32
      %dma_start3A_29 = tpu.memref_slice %arg8[%dma_start3A_27, %dma_start3A_28] : memref<10240x128xf32, #tpu.memory_space<vmem_shared>> -> memref<10240x128xf32, #tpu.memory_space<vmem_shared>>
      tpu.enqueue_indirect_dma source(%arg7 : memref<128x128xf32, #tpu.memory_space<vmem>>) target(%dma_start3A_29 : memref<10240x128xf32, #tpu.memory_space<vmem_shared>>) offsets(%dma_start3A_26 : memref<128xi32, #tpu.memory_space<vmem>>) semaphore(%run_scoped3A_24 : memref<!tpu.dma_semaphore, #tpu.memory_space<semaphore_mem>>) {add = true}
      %dma_wait3A_30 = arith.constant 0 : i32
      %dma_wait3A_31 = tpu.memref_slice %arg6[%run_scoped3A, %dma_wait3A_30] : memref<79x128xi32, #tpu.memory_space<vmem>> -> memref<1x128xi32, #tpu.memory_space<vmem>>
      %dma_wait3A_32 = tpu.memref_squeeze %dma_wait3A_31 : memref<1x128xi32, #tpu.memory_space<vmem>> -> memref<128xi32, #tpu.memory_space<vmem>>
      %dma_wait3A_33 = arith.constant 0 : i32
      %dma_wait3A_34 = arith.constant 0 : i32
      %dma_wait3A_35 = tpu.memref_slice %arg8[%dma_wait3A_33, %dma_wait3A_34] : memref<10240x128xf32, #tpu.memory_space<vmem_shared>> -> memref<10240x128xf32, #tpu.memory_space<vmem_shared>>
      tpu.wait_indirect_dma semaphore(%run_scoped3A_24 : memref<!tpu.dma_semaphore, #tpu.memory_space<semaphore_mem>>) src(%arg7 : memref<128x128xf32, #tpu.memory_space<vmem>>) dst(%dma_wait3A_35 : memref<10240x128xf32, #tpu.memory_space<vmem_shared>>)
      tpu.yield
    }) : () -> ()
    %barrier3A_18 = arith.constant 0 : index
    tpu.barrier barrier_id(%barrier3A_18)
    %scan3A_19 = arith.constant 0 : i32
    %scan3A_20 = arith.constant 5 : i32
    %scan3A_21 = arith.addi %scan3A_19, %scan3A_20 : i32
    %scan3A_22 = arith.constant 1 : i32
    scf.for %scan3A_24 = %scan3A_19 to %scan3A_21 step %scan3A_22  : i32 {
      %mul3A_25 = arith.constant 1 : i32
      %mul3A_26 = arith.muli %scan3A_24, %mul3A_25 : i32
      %add3A_27 = arith.constant 0 : i32
      %add3A_28 = arith.addi %add3A_27, %mul3A_26 : i32
      %mul3A_29 = arith.constant 128 : i32
      %mul3A_30 = arith.muli %add3A_28, %mul3A_29 : i32
      %add3A_31 = arith.addi %mul3A_2, %mul3A_30 : i32
      "tpu.region"() ({
        %run_scoped3A_38 = tpu.sem_alloc : memref<!tpu.dma_semaphore, #tpu.memory_space<semaphore_mem>>
        %dma_start3A = arith.constant 0 : i32
        %dma_start3A_39 = tpu.memref_slice %arg8[%add3A_31, %dma_start3A] : memref<10240x128xf32, #tpu.memory_space<vmem_shared>> -> memref<128x128xf32, #tpu.memory_space<vmem_shared>>
        %dma_start3A_40 = arith.constant 0 : i32
        %dma_start3A_41 = tpu.memref_slice %arg8[%add3A_31, %dma_start3A_40] : memref<10240x128xf32, #tpu.memory_space<vmem_shared>> -> memref<128x128xf32, #tpu.memory_space<vmem_shared>>
        tpu.enqueue_dma source(%dma_start3A_41 : memref<128x128xf32, #tpu.memory_space<vmem_shared>>) target(%arg7 : memref<128x128xf32, #tpu.memory_space<vmem>>) target_semaphore(%run_scoped3A_38 : memref<!tpu.dma_semaphore, #tpu.memory_space<semaphore_mem>>)
        %dma_wait3A_42 = arith.constant 0 : i32
        %dma_wait3A_43 = tpu.memref_slice %arg8[%add3A_31, %dma_wait3A_42] : memref<10240x128xf32, #tpu.memory_space<vmem_shared>> -> memref<128x128xf32, #tpu.memory_space<vmem_shared>>
        %dma_wait3A_44 = arith.constant 0 : i32
        %dma_wait3A_45 = tpu.memref_slice %arg8[%add3A_31, %dma_wait3A_44] : memref<10240x128xf32, #tpu.memory_space<vmem_shared>> -> memref<128x128xf32, #tpu.memory_space<vmem_shared>>
        tpu.wait_dma2 semaphore(%run_scoped3A_38 : memref<!tpu.dma_semaphore, #tpu.memory_space<semaphore_mem>>) src(%dma_wait3A_45 : memref<128x128xf32, #tpu.memory_space<vmem_shared>>) dst(%arg7 : memref<128x128xf32, #tpu.memory_space<vmem>>)
        tpu.yield
      }) : () -> ()
      %mul3A_32 = arith.constant 10240 : i32
      %mul3A_33 = arith.muli %arg0, %mul3A_32 : i32
      %add3A_34 = arith.addi %mul3A_33, %mul3A_2 : i32
      %mul3A_35 = arith.constant 128 : i32
      %mul3A_36 = arith.muli %add3A_28, %mul3A_35 : i32
      %add3A_37 = arith.addi %add3A_34, %mul3A_36 : i32
      "tpu.region"() ({
        %run_scoped3A_38 = tpu.sem_alloc : memref<!tpu.dma_semaphore, #tpu.memory_space<semaphore_mem>>
        %dma_start3A = arith.constant 0 : i32
        %dma_start3A_39 = tpu.memref_slice %arg5[%add3A_37, %dma_start3A] : memref<20480x128xf32, #tpu.memory_space<hbm>> -> memref<128x128xf32, #tpu.memory_space<hbm>>
        %dma_start3A_40 = arith.constant 0 : i32
        %dma_start3A_41 = tpu.memref_slice %arg5[%add3A_37, %dma_start3A_40] : memref<20480x128xf32, #tpu.memory_space<hbm>> -> memref<128x128xf32, #tpu.memory_space<hbm>>
        tpu.enqueue_dma source(%arg7 : memref<128x128xf32, #tpu.memory_space<vmem>>) target(%dma_start3A_41 : memref<128x128xf32, #tpu.memory_space<hbm>>) target_semaphore(%run_scoped3A_38 : memref<!tpu.dma_semaphore, #tpu.memory_space<semaphore_mem>>)
        %dma_wait3A_42 = arith.constant 0 : i32
        %dma_wait3A_43 = tpu.memref_slice %arg5[%add3A_37, %dma_wait3A_42] : memref<20480x128xf32, #tpu.memory_space<hbm>> -> memref<128x128xf32, #tpu.memory_space<hbm>>
        %dma_wait3A_44 = arith.constant 0 : i32
        %dma_wait3A_45 = tpu.memref_slice %arg5[%add3A_37, %dma_wait3A_44] : memref<20480x128xf32, #tpu.memory_space<hbm>> -> memref<128x128xf32, #tpu.memory_space<hbm>>
        tpu.wait_dma2 semaphore(%run_scoped3A_38 : memref<!tpu.dma_semaphore, #tpu.memory_space<semaphore_mem>>) src(%arg7 : memref<128x128xf32, #tpu.memory_space<vmem>>) dst(%dma_wait3A_45 : memref<128x128xf32, #tpu.memory_space<hbm>>)
        tpu.yield
      }) : () -> ()
    }
    %scan3A_23 = arith.constant 5 : i32
    return
  }
}

#map = affine_map<(d0, d1) -> (0, 0)>
#map1 = affine_map<(d0, d1) -> (0, 0, 0, 0)>
module attributes {stable_mosaic.version = 14 : i64} {
  func.func @k(%arg0: i32, %arg1: i32, %arg2: memref<10000x128xf32, #tpu.memory_space<hbm>>, %arg3: memref<32x79x2x128xi32, #tpu.memory_space<hbm>>, %arg4: memref<128x128xf32, #tpu.memory_space<hbm>>, %arg5: memref<20480x128xf32, #tpu.memory_space<hbm>>, %arg6: memref<2x128xi32, #tpu.memory_space<vmem>>, %arg7: memref<2x128xi32, #tpu.memory_space<vmem>>, %arg8: memref<128x128xf32, #tpu.memory_space<vmem>>, %arg9: memref<128x128xf32, #tpu.memory_space<vmem>>, %arg10: memref<10240x128xf32, #tpu.memory_space<vmem_shared>>, %arg11: memref<!tpu.dma_semaphore, #tpu.memory_space<semaphore_mem>>, %arg12: memref<!tpu.dma_semaphore, #tpu.memory_space<semaphore_mem>>, %arg13: memref<!tpu.dma_semaphore, #tpu.memory_space<semaphore_mem>>, %arg14: memref<!tpu.dma_semaphore, #tpu.memory_space<semaphore_mem>>) attributes {dimension_semantics = [#tpu.dimension_semantics<core_parallel>, #tpu.dimension_semantics<subcore_parallel>], iteration_bounds = array<i64: 2, 16>, scalar_prefetch = 0 : i64, scratch_operands = 9 : i64, tpu.core_type = #tpu.core_type<sc_vector_subcore>, window_params = [{transform_indices = #map}, {transform_indices = #map1}, {transform_indices = #map}, {transform_indices = #map}]} {
    %mul3A = arith.constant 16 : i32
    %mul3A_0 = arith.muli %arg0, %mul3A : i32
    %add3A = arith.addi %mul3A_0, %arg1 : i32
    %mul3A_1 = arith.constant 640 : i32
    %mul3A_2 = arith.muli %arg1, %mul3A_1 : i32
    "tpu.region"() ({
      %run_scoped3A_65 = tpu.sem_alloc : memref<!tpu.dma_semaphore, #tpu.memory_space<semaphore_mem>>
      tpu.enqueue_dma source(%arg4 : memref<128x128xf32, #tpu.memory_space<hbm>>) target(%arg8 : memref<128x128xf32, #tpu.memory_space<vmem>>) target_semaphore(%run_scoped3A_65 : memref<!tpu.dma_semaphore, #tpu.memory_space<semaphore_mem>>)
      tpu.wait_dma2 semaphore(%run_scoped3A_65 : memref<!tpu.dma_semaphore, #tpu.memory_space<semaphore_mem>>) src(%arg4 : memref<128x128xf32, #tpu.memory_space<hbm>>) dst(%arg8 : memref<128x128xf32, #tpu.memory_space<vmem>>)
      tpu.yield
    }) : () -> ()
    %scan3A = arith.constant 0 : i32
    %scan3A_3 = arith.constant 5 : i32
    %scan3A_4 = arith.addi %scan3A, %scan3A_3 : i32
    %scan3A_5 = arith.constant 1 : i32
    scf.for %scan3A_65 = %scan3A to %scan3A_4 step %scan3A_5  : i32 {
      %mul3A_66 = arith.constant 1 : i32
      %mul3A_67 = arith.muli %scan3A_65, %mul3A_66 : i32
      %add3A_68 = arith.constant 0 : i32
      %add3A_69 = arith.addi %add3A_68, %mul3A_67 : i32
      %mul3A_70 = arith.constant 128 : i32
      %mul3A_71 = arith.muli %add3A_69, %mul3A_70 : i32
      %add3A_72 = arith.addi %mul3A_2, %mul3A_71 : i32
      "tpu.region"() ({
        %run_scoped3A_73 = tpu.sem_alloc : memref<!tpu.dma_semaphore, #tpu.memory_space<semaphore_mem>>
        %dma_start3A_74 = arith.constant 0 : i32
        %dma_start3A_75 = tpu.memref_slice %arg10[%add3A_72, %dma_start3A_74] : memref<10240x128xf32, #tpu.memory_space<vmem_shared>> -> memref<128x128xf32, #tpu.memory_space<vmem_shared>>
        %dma_start3A_76 = arith.constant 0 : i32
        %dma_start3A_77 = tpu.memref_slice %arg10[%add3A_72, %dma_start3A_76] : memref<10240x128xf32, #tpu.memory_space<vmem_shared>> -> memref<128x128xf32, #tpu.memory_space<vmem_shared>>
        tpu.enqueue_dma source(%arg8 : memref<128x128xf32, #tpu.memory_space<vmem>>) target(%dma_start3A_77 : memref<128x128xf32, #tpu.memory_space<vmem_shared>>) target_semaphore(%run_scoped3A_73 : memref<!tpu.dma_semaphore, #tpu.memory_space<semaphore_mem>>)
        %dma_wait3A_78 = arith.constant 0 : i32
        %dma_wait3A_79 = tpu.memref_slice %arg10[%add3A_72, %dma_wait3A_78] : memref<10240x128xf32, #tpu.memory_space<vmem_shared>> -> memref<128x128xf32, #tpu.memory_space<vmem_shared>>
        %dma_wait3A_80 = arith.constant 0 : i32
        %dma_wait3A_81 = tpu.memref_slice %arg10[%add3A_72, %dma_wait3A_80] : memref<10240x128xf32, #tpu.memory_space<vmem_shared>> -> memref<128x128xf32, #tpu.memory_space<vmem_shared>>
        tpu.wait_dma2 semaphore(%run_scoped3A_73 : memref<!tpu.dma_semaphore, #tpu.memory_space<semaphore_mem>>) src(%arg8 : memref<128x128xf32, #tpu.memory_space<vmem>>) dst(%dma_wait3A_81 : memref<128x128xf32, #tpu.memory_space<vmem_shared>>)
        tpu.yield
      }) : () -> ()
    }
    %scan3A_6 = arith.constant 5 : i32
    %barrier3A = arith.constant 0 : index
    tpu.barrier barrier_id(%barrier3A)
    %run_scoped3A = arith.constant 0 : i32
    "tpu.region"() ({
      %run_scoped3A_65 = tpu.sem_alloc : memref<!tpu.dma_semaphore, #tpu.memory_space<semaphore_mem>>
      %dma_start3A_66 = arith.constant 0 : i32
      %dma_start3A_67 = arith.constant 0 : i32
      %dma_start3A_68 = tpu.memref_slice %arg3[%add3A, %run_scoped3A, %dma_start3A_66, %dma_start3A_67] : memref<32x79x2x128xi32, #tpu.memory_space<hbm>> -> memref<1x1x2x128xi32, #tpu.memory_space<hbm>>
      %dma_start3A_69 = tpu.memref_squeeze %dma_start3A_68 : memref<1x1x2x128xi32, #tpu.memory_space<hbm>> -> memref<2x128xi32, #tpu.memory_space<hbm>>
      %dma_start3A_70 = arith.constant 0 : i32
      %dma_start3A_71 = arith.constant 0 : i32
      %dma_start3A_72 = tpu.memref_slice %arg3[%add3A, %run_scoped3A, %dma_start3A_70, %dma_start3A_71] : memref<32x79x2x128xi32, #tpu.memory_space<hbm>> -> memref<1x1x2x128xi32, #tpu.memory_space<hbm>>
      %dma_start3A_73 = tpu.memref_squeeze %dma_start3A_72 : memref<1x1x2x128xi32, #tpu.memory_space<hbm>> -> memref<2x128xi32, #tpu.memory_space<hbm>>
      tpu.enqueue_dma source(%dma_start3A_73 : memref<2x128xi32, #tpu.memory_space<hbm>>) target(%arg6 : memref<2x128xi32, #tpu.memory_space<vmem>>) target_semaphore(%run_scoped3A_65 : memref<!tpu.dma_semaphore, #tpu.memory_space<semaphore_mem>>)
      %dma_wait3A_74 = arith.constant 0 : i32
      %dma_wait3A_75 = arith.constant 0 : i32
      %dma_wait3A_76 = tpu.memref_slice %arg3[%add3A, %run_scoped3A, %dma_wait3A_74, %dma_wait3A_75] : memref<32x79x2x128xi32, #tpu.memory_space<hbm>> -> memref<1x1x2x128xi32, #tpu.memory_space<hbm>>
      %dma_wait3A_77 = tpu.memref_squeeze %dma_wait3A_76 : memref<1x1x2x128xi32, #tpu.memory_space<hbm>> -> memref<2x128xi32, #tpu.memory_space<hbm>>
      %dma_wait3A_78 = arith.constant 0 : i32
      %dma_wait3A_79 = arith.constant 0 : i32
      %dma_wait3A_80 = tpu.memref_slice %arg3[%add3A, %run_scoped3A, %dma_wait3A_78, %dma_wait3A_79] : memref<32x79x2x128xi32, #tpu.memory_space<hbm>> -> memref<1x1x2x128xi32, #tpu.memory_space<hbm>>
      %dma_wait3A_81 = tpu.memref_squeeze %dma_wait3A_80 : memref<1x1x2x128xi32, #tpu.memory_space<hbm>> -> memref<2x128xi32, #tpu.memory_space<hbm>>
      tpu.wait_dma2 semaphore(%run_scoped3A_65 : memref<!tpu.dma_semaphore, #tpu.memory_space<semaphore_mem>>) src(%dma_wait3A_81 : memref<2x128xi32, #tpu.memory_space<hbm>>) dst(%arg6 : memref<2x128xi32, #tpu.memory_space<vmem>>)
      tpu.yield
    }) : () -> ()
    %dma_start3A = arith.constant 0 : i32
    %dma_start3A_7 = arith.constant 0 : i32
    %dma_start3A_8 = arith.constant 0 : i32
    %dma_start3A_9 = tpu.memref_slice %arg8[%dma_start3A_7, %dma_start3A_8] : memref<128x128xf32, #tpu.memory_space<vmem>> -> memref<64x128xf32, #tpu.memory_space<vmem>>
    %dma_start3A_10 = arith.constant 0 : i32
    %dma_start3A_11 = tpu.memref_slice %arg6[%dma_start3A, %dma_start3A_10] : memref<2x128xi32, #tpu.memory_space<vmem>> -> memref<1x64xi32, #tpu.memory_space<vmem>>
    %dma_start3A_12 = tpu.memref_squeeze %dma_start3A_11 : memref<1x64xi32, #tpu.memory_space<vmem>> -> memref<64xi32, #tpu.memory_space<vmem>>
    %dma_start3A_13 = arith.constant 0 : i32
    %dma_start3A_14 = arith.constant 0 : i32
    %dma_start3A_15 = tpu.memref_slice %arg2[%dma_start3A_13, %dma_start3A_14] : memref<10000x128xf32, #tpu.memory_space<hbm>> -> memref<10000x128xf32, #tpu.memory_space<hbm>>
    tpu.enqueue_indirect_dma source(%dma_start3A_15 : memref<10000x128xf32, #tpu.memory_space<hbm>>) target(%dma_start3A_9 : memref<64x128xf32, #tpu.memory_space<vmem>>) offsets(%dma_start3A_12 : memref<64xi32, #tpu.memory_space<vmem>>) semaphore(%arg11 : memref<!tpu.dma_semaphore, #tpu.memory_space<semaphore_mem>>)
    %dma_start3A_16 = arith.constant 0 : i32
    %dma_start3A_17 = arith.constant 64 : i32
    %dma_start3A_18 = arith.constant 0 : i32
    %dma_start3A_19 = tpu.memref_slice %arg8[%dma_start3A_17, %dma_start3A_18] : memref<128x128xf32, #tpu.memory_space<vmem>> -> memref<64x128xf32, #tpu.memory_space<vmem>>
    %dma_start3A_20 = arith.constant 64 : i32
    %dma_start3A_21 = tpu.memref_slice %arg6[%dma_start3A_16, %dma_start3A_20] : memref<2x128xi32, #tpu.memory_space<vmem>> -> memref<1x64xi32, #tpu.memory_space<vmem>>
    %dma_start3A_22 = tpu.memref_squeeze %dma_start3A_21 : memref<1x64xi32, #tpu.memory_space<vmem>> -> memref<64xi32, #tpu.memory_space<vmem>>
    %dma_start3A_23 = arith.constant 0 : i32
    %dma_start3A_24 = arith.constant 0 : i32
    %dma_start3A_25 = tpu.memref_slice %arg2[%dma_start3A_23, %dma_start3A_24] : memref<10000x128xf32, #tpu.memory_space<hbm>> -> memref<10000x128xf32, #tpu.memory_space<hbm>>
    tpu.enqueue_indirect_dma source(%dma_start3A_25 : memref<10000x128xf32, #tpu.memory_space<hbm>>) target(%dma_start3A_19 : memref<64x128xf32, #tpu.memory_space<vmem>>) offsets(%dma_start3A_22 : memref<64xi32, #tpu.memory_space<vmem>>) semaphore(%arg11 : memref<!tpu.dma_semaphore, #tpu.memory_space<semaphore_mem>>)
    %run_scoped3A_26 = arith.constant 1 : i32
    "tpu.region"() ({
      %run_scoped3A_65 = tpu.sem_alloc : memref<!tpu.dma_semaphore, #tpu.memory_space<semaphore_mem>>
      %dma_start3A_66 = arith.constant 0 : i32
      %dma_start3A_67 = arith.constant 0 : i32
      %dma_start3A_68 = tpu.memref_slice %arg3[%add3A, %run_scoped3A_26, %dma_start3A_66, %dma_start3A_67] : memref<32x79x2x128xi32, #tpu.memory_space<hbm>> -> memref<1x1x2x128xi32, #tpu.memory_space<hbm>>
      %dma_start3A_69 = tpu.memref_squeeze %dma_start3A_68 : memref<1x1x2x128xi32, #tpu.memory_space<hbm>> -> memref<2x128xi32, #tpu.memory_space<hbm>>
      %dma_start3A_70 = arith.constant 0 : i32
      %dma_start3A_71 = arith.constant 0 : i32
      %dma_start3A_72 = tpu.memref_slice %arg3[%add3A, %run_scoped3A_26, %dma_start3A_70, %dma_start3A_71] : memref<32x79x2x128xi32, #tpu.memory_space<hbm>> -> memref<1x1x2x128xi32, #tpu.memory_space<hbm>>
      %dma_start3A_73 = tpu.memref_squeeze %dma_start3A_72 : memref<1x1x2x128xi32, #tpu.memory_space<hbm>> -> memref<2x128xi32, #tpu.memory_space<hbm>>
      tpu.enqueue_dma source(%dma_start3A_73 : memref<2x128xi32, #tpu.memory_space<hbm>>) target(%arg7 : memref<2x128xi32, #tpu.memory_space<vmem>>) target_semaphore(%run_scoped3A_65 : memref<!tpu.dma_semaphore, #tpu.memory_space<semaphore_mem>>)
      %dma_wait3A_74 = arith.constant 0 : i32
      %dma_wait3A_75 = arith.constant 0 : i32
      %dma_wait3A_76 = tpu.memref_slice %arg3[%add3A, %run_scoped3A_26, %dma_wait3A_74, %dma_wait3A_75] : memref<32x79x2x128xi32, #tpu.memory_space<hbm>> -> memref<1x1x2x128xi32, #tpu.memory_space<hbm>>
      %dma_wait3A_77 = tpu.memref_squeeze %dma_wait3A_76 : memref<1x1x2x128xi32, #tpu.memory_space<hbm>> -> memref<2x128xi32, #tpu.memory_space<hbm>>
      %dma_wait3A_78 = arith.constant 0 : i32
      %dma_wait3A_79 = arith.constant 0 : i32
      %dma_wait3A_80 = tpu.memref_slice %arg3[%add3A, %run_scoped3A_26, %dma_wait3A_78, %dma_wait3A_79] : memref<32x79x2x128xi32, #tpu.memory_space<hbm>> -> memref<1x1x2x128xi32, #tpu.memory_space<hbm>>
      %dma_wait3A_81 = tpu.memref_squeeze %dma_wait3A_80 : memref<1x1x2x128xi32, #tpu.memory_space<hbm>> -> memref<2x128xi32, #tpu.memory_space<hbm>>
      tpu.wait_dma2 semaphore(%run_scoped3A_65 : memref<!tpu.dma_semaphore, #tpu.memory_space<semaphore_mem>>) src(%dma_wait3A_81 : memref<2x128xi32, #tpu.memory_space<hbm>>) dst(%arg7 : memref<2x128xi32, #tpu.memory_space<vmem>>)
      tpu.yield
    }) : () -> ()
    %scan3A_27 = arith.constant 0 : i32
    %scan3A_28 = arith.constant 39 : i32
    %scan3A_29 = arith.addi %scan3A_27, %scan3A_28 : i32
    %scan3A_30 = arith.constant 1 : i32
    scf.for %scan3A_65 = %scan3A_27 to %scan3A_29 step %scan3A_30  : i32 {
      %mul3A_66 = arith.constant 1 : i32
      %mul3A_67 = arith.muli %scan3A_65, %mul3A_66 : i32
      %add3A_68 = arith.constant 0 : i32
      %add3A_69 = arith.addi %add3A_68, %mul3A_67 : i32
      %mul3A_70 = arith.constant 2 : i32
      %mul3A_71 = arith.muli %mul3A_70, %add3A_69 : i32
      %dma_wait3A_72 = arith.constant 0 : i32
      %dma_wait3A_73 = arith.constant 0 : i32
      %dma_wait3A_74 = arith.constant 0 : i32
      %dma_wait3A_75 = tpu.memref_slice %arg8[%dma_wait3A_73, %dma_wait3A_74] : memref<128x128xf32, #tpu.memory_space<vmem>> -> memref<64x128xf32, #tpu.memory_space<vmem>>
      %dma_wait3A_76 = arith.constant 0 : i32
      %dma_wait3A_77 = tpu.memref_slice %arg6[%dma_wait3A_72, %dma_wait3A_76] : memref<2x128xi32, #tpu.memory_space<vmem>> -> memref<1x64xi32, #tpu.memory_space<vmem>>
      %dma_wait3A_78 = tpu.memref_squeeze %dma_wait3A_77 : memref<1x64xi32, #tpu.memory_space<vmem>> -> memref<64xi32, #tpu.memory_space<vmem>>
      %dma_wait3A_79 = arith.constant 0 : i32
      %dma_wait3A_80 = arith.constant 0 : i32
      %dma_wait3A_81 = tpu.memref_slice %arg2[%dma_wait3A_79, %dma_wait3A_80] : memref<10000x128xf32, #tpu.memory_space<hbm>> -> memref<10000x128xf32, #tpu.memory_space<hbm>>
      tpu.wait_indirect_dma semaphore(%arg11 : memref<!tpu.dma_semaphore, #tpu.memory_space<semaphore_mem>>) src(%dma_wait3A_81 : memref<10000x128xf32, #tpu.memory_space<hbm>>) dst(%dma_wait3A_75 : memref<64x128xf32, #tpu.memory_space<vmem>>)
      %dma_wait3A_82 = arith.constant 0 : i32
      %dma_wait3A_83 = arith.constant 64 : i32
      %dma_wait3A_84 = arith.constant 0 : i32
      %dma_wait3A_85 = tpu.memref_slice %arg8[%dma_wait3A_83, %dma_wait3A_84] : memref<128x128xf32, #tpu.memory_space<vmem>> -> memref<64x128xf32, #tpu.memory_space<vmem>>
      %dma_wait3A_86 = arith.constant 64 : i32
      %dma_wait3A_87 = tpu.memref_slice %arg6[%dma_wait3A_82, %dma_wait3A_86] : memref<2x128xi32, #tpu.memory_space<vmem>> -> memref<1x64xi32, #tpu.memory_space<vmem>>
      %dma_wait3A_88 = tpu.memref_squeeze %dma_wait3A_87 : memref<1x64xi32, #tpu.memory_space<vmem>> -> memref<64xi32, #tpu.memory_space<vmem>>
      %dma_wait3A_89 = arith.constant 0 : i32
      %dma_wait3A_90 = arith.constant 0 : i32
      %dma_wait3A_91 = tpu.memref_slice %arg2[%dma_wait3A_89, %dma_wait3A_90] : memref<10000x128xf32, #tpu.memory_space<hbm>> -> memref<10000x128xf32, #tpu.memory_space<hbm>>
      tpu.wait_indirect_dma semaphore(%arg11 : memref<!tpu.dma_semaphore, #tpu.memory_space<semaphore_mem>>) src(%dma_wait3A_91 : memref<10000x128xf32, #tpu.memory_space<hbm>>) dst(%dma_wait3A_85 : memref<64x128xf32, #tpu.memory_space<vmem>>)
      %dma_start3A_92 = arith.constant 1 : i32
      %dma_start3A_93 = arith.constant 0 : i32
      %dma_start3A_94 = tpu.memref_slice %arg6[%dma_start3A_92, %dma_start3A_93] : memref<2x128xi32, #tpu.memory_space<vmem>> -> memref<1x128xi32, #tpu.memory_space<vmem>>
      %dma_start3A_95 = tpu.memref_squeeze %dma_start3A_94 : memref<1x128xi32, #tpu.memory_space<vmem>> -> memref<128xi32, #tpu.memory_space<vmem>>
      %dma_start3A_96 = arith.constant 0 : i32
      %dma_start3A_97 = arith.constant 0 : i32
      %dma_start3A_98 = tpu.memref_slice %arg10[%dma_start3A_96, %dma_start3A_97] : memref<10240x128xf32, #tpu.memory_space<vmem_shared>> -> memref<10240x128xf32, #tpu.memory_space<vmem_shared>>
      tpu.enqueue_indirect_dma source(%arg8 : memref<128x128xf32, #tpu.memory_space<vmem>>) target(%dma_start3A_98 : memref<10240x128xf32, #tpu.memory_space<vmem_shared>>) offsets(%dma_start3A_95 : memref<128xi32, #tpu.memory_space<vmem>>) semaphore(%arg13 : memref<!tpu.dma_semaphore, #tpu.memory_space<semaphore_mem>>) {add = true}
      %gt3A = arith.constant 0 : i32
      %gt3A_99 = arith.cmpi sgt, %add3A_69, %gt3A : i32
      %convert_element_type3A = arith.extui %gt3A_99 : i1 to i32
      %cond3A = arith.constant 0 : i32
      %cond3A_100 = arith.cmpi ne, %convert_element_type3A, %cond3A : i32
      scf.if %cond3A_100 {
        %dma_wait3A_177 = arith.constant 1 : i32
        %dma_wait3A_178 = arith.constant 0 : i32
        %dma_wait3A_179 = tpu.memref_slice %arg7[%dma_wait3A_177, %dma_wait3A_178] : memref<2x128xi32, #tpu.memory_space<vmem>> -> memref<1x128xi32, #tpu.memory_space<vmem>>
        %dma_wait3A_180 = tpu.memref_squeeze %dma_wait3A_179 : memref<1x128xi32, #tpu.memory_space<vmem>> -> memref<128xi32, #tpu.memory_space<vmem>>
        %dma_wait3A_181 = arith.constant 0 : i32
        %dma_wait3A_182 = arith.constant 0 : i32
        %dma_wait3A_183 = tpu.memref_slice %arg10[%dma_wait3A_181, %dma_wait3A_182] : memref<10240x128xf32, #tpu.memory_space<vmem_shared>> -> memref<10240x128xf32, #tpu.memory_space<vmem_shared>>
        tpu.wait_indirect_dma semaphore(%arg14 : memref<!tpu.dma_semaphore, #tpu.memory_space<semaphore_mem>>) src(%arg9 : memref<128x128xf32, #tpu.memory_space<vmem>>) dst(%dma_wait3A_183 : memref<10240x128xf32, #tpu.memory_space<vmem_shared>>)
        %add3A_184 = arith.constant 1 : i32
        %add3A_185 = arith.addi %mul3A_71, %add3A_184 : i32
        "tpu.region"() ({
          %run_scoped3A_186 = tpu.sem_alloc : memref<!tpu.dma_semaphore, #tpu.memory_space<semaphore_mem>>
          %dma_start3A_187 = arith.constant 0 : i32
          %dma_start3A_188 = arith.constant 0 : i32
          %dma_start3A_189 = tpu.memref_slice %arg3[%add3A, %add3A_185, %dma_start3A_187, %dma_start3A_188] : memref<32x79x2x128xi32, #tpu.memory_space<hbm>> -> memref<1x1x2x128xi32, #tpu.memory_space<hbm>>
          %dma_start3A_190 = tpu.memref_squeeze %dma_start3A_189 : memref<1x1x2x128xi32, #tpu.memory_space<hbm>> -> memref<2x128xi32, #tpu.memory_space<hbm>>
          %dma_start3A_191 = arith.constant 0 : i32
          %dma_start3A_192 = arith.constant 0 : i32
          %dma_start3A_193 = tpu.memref_slice %arg3[%add3A, %add3A_185, %dma_start3A_191, %dma_start3A_192] : memref<32x79x2x128xi32, #tpu.memory_space<hbm>> -> memref<1x1x2x128xi32, #tpu.memory_space<hbm>>
          %dma_start3A_194 = tpu.memref_squeeze %dma_start3A_193 : memref<1x1x2x128xi32, #tpu.memory_space<hbm>> -> memref<2x128xi32, #tpu.memory_space<hbm>>
          tpu.enqueue_dma source(%dma_start3A_194 : memref<2x128xi32, #tpu.memory_space<hbm>>) target(%arg7 : memref<2x128xi32, #tpu.memory_space<vmem>>) target_semaphore(%run_scoped3A_186 : memref<!tpu.dma_semaphore, #tpu.memory_space<semaphore_mem>>)
          %dma_wait3A_195 = arith.constant 0 : i32
          %dma_wait3A_196 = arith.constant 0 : i32
          %dma_wait3A_197 = tpu.memref_slice %arg3[%add3A, %add3A_185, %dma_wait3A_195, %dma_wait3A_196] : memref<32x79x2x128xi32, #tpu.memory_space<hbm>> -> memref<1x1x2x128xi32, #tpu.memory_space<hbm>>
          %dma_wait3A_198 = tpu.memref_squeeze %dma_wait3A_197 : memref<1x1x2x128xi32, #tpu.memory_space<hbm>> -> memref<2x128xi32, #tpu.memory_space<hbm>>
          %dma_wait3A_199 = arith.constant 0 : i32
          %dma_wait3A_200 = arith.constant 0 : i32
          %dma_wait3A_201 = tpu.memref_slice %arg3[%add3A, %add3A_185, %dma_wait3A_199, %dma_wait3A_200] : memref<32x79x2x128xi32, #tpu.memory_space<hbm>> -> memref<1x1x2x128xi32, #tpu.memory_space<hbm>>
          %dma_wait3A_202 = tpu.memref_squeeze %dma_wait3A_201 : memref<1x1x2x128xi32, #tpu.memory_space<hbm>> -> memref<2x128xi32, #tpu.memory_space<hbm>>
          tpu.wait_dma2 semaphore(%run_scoped3A_186 : memref<!tpu.dma_semaphore, #tpu.memory_space<semaphore_mem>>) src(%dma_wait3A_202 : memref<2x128xi32, #tpu.memory_space<hbm>>) dst(%arg7 : memref<2x128xi32, #tpu.memory_space<vmem>>)
          tpu.yield
        }) : () -> ()
      } else {
      }
      %dma_start3A_101 = arith.constant 0 : i32
      %dma_start3A_102 = arith.constant 0 : i32
      %dma_start3A_103 = arith.constant 0 : i32
      %dma_start3A_104 = tpu.memref_slice %arg9[%dma_start3A_102, %dma_start3A_103] : memref<128x128xf32, #tpu.memory_space<vmem>> -> memref<64x128xf32, #tpu.memory_space<vmem>>
      %dma_start3A_105 = arith.constant 0 : i32
      %dma_start3A_106 = tpu.memref_slice %arg7[%dma_start3A_101, %dma_start3A_105] : memref<2x128xi32, #tpu.memory_space<vmem>> -> memref<1x64xi32, #tpu.memory_space<vmem>>
      %dma_start3A_107 = tpu.memref_squeeze %dma_start3A_106 : memref<1x64xi32, #tpu.memory_space<vmem>> -> memref<64xi32, #tpu.memory_space<vmem>>
      %dma_start3A_108 = arith.constant 0 : i32
      %dma_start3A_109 = arith.constant 0 : i32
      %dma_start3A_110 = tpu.memref_slice %arg2[%dma_start3A_108, %dma_start3A_109] : memref<10000x128xf32, #tpu.memory_space<hbm>> -> memref<10000x128xf32, #tpu.memory_space<hbm>>
      tpu.enqueue_indirect_dma source(%dma_start3A_110 : memref<10000x128xf32, #tpu.memory_space<hbm>>) target(%dma_start3A_104 : memref<64x128xf32, #tpu.memory_space<vmem>>) offsets(%dma_start3A_107 : memref<64xi32, #tpu.memory_space<vmem>>) semaphore(%arg12 : memref<!tpu.dma_semaphore, #tpu.memory_space<semaphore_mem>>)
      %dma_start3A_111 = arith.constant 0 : i32
      %dma_start3A_112 = arith.constant 64 : i32
      %dma_start3A_113 = arith.constant 0 : i32
      %dma_start3A_114 = tpu.memref_slice %arg9[%dma_start3A_112, %dma_start3A_113] : memref<128x128xf32, #tpu.memory_space<vmem>> -> memref<64x128xf32, #tpu.memory_space<vmem>>
      %dma_start3A_115 = arith.constant 64 : i32
      %dma_start3A_116 = tpu.memref_slice %arg7[%dma_start3A_111, %dma_start3A_115] : memref<2x128xi32, #tpu.memory_space<vmem>> -> memref<1x64xi32, #tpu.memory_space<vmem>>
      %dma_start3A_117 = tpu.memref_squeeze %dma_start3A_116 : memref<1x64xi32, #tpu.memory_space<vmem>> -> memref<64xi32, #tpu.memory_space<vmem>>
      %dma_start3A_118 = arith.constant 0 : i32
      %dma_start3A_119 = arith.constant 0 : i32
      %dma_start3A_120 = tpu.memref_slice %arg2[%dma_start3A_118, %dma_start3A_119] : memref<10000x128xf32, #tpu.memory_space<hbm>> -> memref<10000x128xf32, #tpu.memory_space<hbm>>
      tpu.enqueue_indirect_dma source(%dma_start3A_120 : memref<10000x128xf32, #tpu.memory_space<hbm>>) target(%dma_start3A_114 : memref<64x128xf32, #tpu.memory_space<vmem>>) offsets(%dma_start3A_117 : memref<64xi32, #tpu.memory_space<vmem>>) semaphore(%arg12 : memref<!tpu.dma_semaphore, #tpu.memory_space<semaphore_mem>>)
      %dma_wait3A_121 = arith.constant 0 : i32
      %dma_wait3A_122 = arith.constant 0 : i32
      %dma_wait3A_123 = arith.constant 0 : i32
      %dma_wait3A_124 = tpu.memref_slice %arg9[%dma_wait3A_122, %dma_wait3A_123] : memref<128x128xf32, #tpu.memory_space<vmem>> -> memref<64x128xf32, #tpu.memory_space<vmem>>
      %dma_wait3A_125 = arith.constant 0 : i32
      %dma_wait3A_126 = tpu.memref_slice %arg7[%dma_wait3A_121, %dma_wait3A_125] : memref<2x128xi32, #tpu.memory_space<vmem>> -> memref<1x64xi32, #tpu.memory_space<vmem>>
      %dma_wait3A_127 = tpu.memref_squeeze %dma_wait3A_126 : memref<1x64xi32, #tpu.memory_space<vmem>> -> memref<64xi32, #tpu.memory_space<vmem>>
      %dma_wait3A_128 = arith.constant 0 : i32
      %dma_wait3A_129 = arith.constant 0 : i32
      %dma_wait3A_130 = tpu.memref_slice %arg2[%dma_wait3A_128, %dma_wait3A_129] : memref<10000x128xf32, #tpu.memory_space<hbm>> -> memref<10000x128xf32, #tpu.memory_space<hbm>>
      tpu.wait_indirect_dma semaphore(%arg12 : memref<!tpu.dma_semaphore, #tpu.memory_space<semaphore_mem>>) src(%dma_wait3A_130 : memref<10000x128xf32, #tpu.memory_space<hbm>>) dst(%dma_wait3A_124 : memref<64x128xf32, #tpu.memory_space<vmem>>)
      %dma_wait3A_131 = arith.constant 0 : i32
      %dma_wait3A_132 = arith.constant 64 : i32
      %dma_wait3A_133 = arith.constant 0 : i32
      %dma_wait3A_134 = tpu.memref_slice %arg9[%dma_wait3A_132, %dma_wait3A_133] : memref<128x128xf32, #tpu.memory_space<vmem>> -> memref<64x128xf32, #tpu.memory_space<vmem>>
      %dma_wait3A_135 = arith.constant 64 : i32
      %dma_wait3A_136 = tpu.memref_slice %arg7[%dma_wait3A_131, %dma_wait3A_135] : memref<2x128xi32, #tpu.memory_space<vmem>> -> memref<1x64xi32, #tpu.memory_space<vmem>>
      %dma_wait3A_137 = tpu.memref_squeeze %dma_wait3A_136 : memref<1x64xi32, #tpu.memory_space<vmem>> -> memref<64xi32, #tpu.memory_space<vmem>>
      %dma_wait3A_138 = arith.constant 0 : i32
      %dma_wait3A_139 = arith.constant 0 : i32
      %dma_wait3A_140 = tpu.memref_slice %arg2[%dma_wait3A_138, %dma_wait3A_139] : memref<10000x128xf32, #tpu.memory_space<hbm>> -> memref<10000x128xf32, #tpu.memory_space<hbm>>
      tpu.wait_indirect_dma semaphore(%arg12 : memref<!tpu.dma_semaphore, #tpu.memory_space<semaphore_mem>>) src(%dma_wait3A_140 : memref<10000x128xf32, #tpu.memory_space<hbm>>) dst(%dma_wait3A_134 : memref<64x128xf32, #tpu.memory_space<vmem>>)
      %dma_start3A_141 = arith.constant 1 : i32
      %dma_start3A_142 = arith.constant 0 : i32
      %dma_start3A_143 = tpu.memref_slice %arg7[%dma_start3A_141, %dma_start3A_142] : memref<2x128xi32, #tpu.memory_space<vmem>> -> memref<1x128xi32, #tpu.memory_space<vmem>>
      %dma_start3A_144 = tpu.memref_squeeze %dma_start3A_143 : memref<1x128xi32, #tpu.memory_space<vmem>> -> memref<128xi32, #tpu.memory_space<vmem>>
      %dma_start3A_145 = arith.constant 0 : i32
      %dma_start3A_146 = arith.constant 0 : i32
      %dma_start3A_147 = tpu.memref_slice %arg10[%dma_start3A_145, %dma_start3A_146] : memref<10240x128xf32, #tpu.memory_space<vmem_shared>> -> memref<10240x128xf32, #tpu.memory_space<vmem_shared>>
      tpu.enqueue_indirect_dma source(%arg9 : memref<128x128xf32, #tpu.memory_space<vmem>>) target(%dma_start3A_147 : memref<10240x128xf32, #tpu.memory_space<vmem_shared>>) offsets(%dma_start3A_144 : memref<128xi32, #tpu.memory_space<vmem>>) semaphore(%arg14 : memref<!tpu.dma_semaphore, #tpu.memory_space<semaphore_mem>>) {add = true}
      %dma_wait3A_148 = arith.constant 1 : i32
      %dma_wait3A_149 = arith.constant 0 : i32
      %dma_wait3A_150 = tpu.memref_slice %arg6[%dma_wait3A_148, %dma_wait3A_149] : memref<2x128xi32, #tpu.memory_space<vmem>> -> memref<1x128xi32, #tpu.memory_space<vmem>>
      %dma_wait3A_151 = tpu.memref_squeeze %dma_wait3A_150 : memref<1x128xi32, #tpu.memory_space<vmem>> -> memref<128xi32, #tpu.memory_space<vmem>>
      %dma_wait3A_152 = arith.constant 0 : i32
      %dma_wait3A_153 = arith.constant 0 : i32
      %dma_wait3A_154 = tpu.memref_slice %arg10[%dma_wait3A_152, %dma_wait3A_153] : memref<10240x128xf32, #tpu.memory_space<vmem_shared>> -> memref<10240x128xf32, #tpu.memory_space<vmem_shared>>
      tpu.wait_indirect_dma semaphore(%arg13 : memref<!tpu.dma_semaphore, #tpu.memory_space<semaphore_mem>>) src(%arg8 : memref<128x128xf32, #tpu.memory_space<vmem>>) dst(%dma_wait3A_154 : memref<10240x128xf32, #tpu.memory_space<vmem_shared>>)
      %add3A_155 = arith.constant 2 : i32
      %add3A_156 = arith.addi %mul3A_71, %add3A_155 : i32
      "tpu.region"() ({
        %run_scoped3A_177 = tpu.sem_alloc : memref<!tpu.dma_semaphore, #tpu.memory_space<semaphore_mem>>
        %dma_start3A_178 = arith.constant 0 : i32
        %dma_start3A_179 = arith.constant 0 : i32
        %dma_start3A_180 = tpu.memref_slice %arg3[%add3A, %add3A_156, %dma_start3A_178, %dma_start3A_179] : memref<32x79x2x128xi32, #tpu.memory_space<hbm>> -> memref<1x1x2x128xi32, #tpu.memory_space<hbm>>
        %dma_start3A_181 = tpu.memref_squeeze %dma_start3A_180 : memref<1x1x2x128xi32, #tpu.memory_space<hbm>> -> memref<2x128xi32, #tpu.memory_space<hbm>>
        %dma_start3A_182 = arith.constant 0 : i32
        %dma_start3A_183 = arith.constant 0 : i32
        %dma_start3A_184 = tpu.memref_slice %arg3[%add3A, %add3A_156, %dma_start3A_182, %dma_start3A_183] : memref<32x79x2x128xi32, #tpu.memory_space<hbm>> -> memref<1x1x2x128xi32, #tpu.memory_space<hbm>>
        %dma_start3A_185 = tpu.memref_squeeze %dma_start3A_184 : memref<1x1x2x128xi32, #tpu.memory_space<hbm>> -> memref<2x128xi32, #tpu.memory_space<hbm>>
        tpu.enqueue_dma source(%dma_start3A_185 : memref<2x128xi32, #tpu.memory_space<hbm>>) target(%arg6 : memref<2x128xi32, #tpu.memory_space<vmem>>) target_semaphore(%run_scoped3A_177 : memref<!tpu.dma_semaphore, #tpu.memory_space<semaphore_mem>>)
        %dma_wait3A_186 = arith.constant 0 : i32
        %dma_wait3A_187 = arith.constant 0 : i32
        %dma_wait3A_188 = tpu.memref_slice %arg3[%add3A, %add3A_156, %dma_wait3A_186, %dma_wait3A_187] : memref<32x79x2x128xi32, #tpu.memory_space<hbm>> -> memref<1x1x2x128xi32, #tpu.memory_space<hbm>>
        %dma_wait3A_189 = tpu.memref_squeeze %dma_wait3A_188 : memref<1x1x2x128xi32, #tpu.memory_space<hbm>> -> memref<2x128xi32, #tpu.memory_space<hbm>>
        %dma_wait3A_190 = arith.constant 0 : i32
        %dma_wait3A_191 = arith.constant 0 : i32
        %dma_wait3A_192 = tpu.memref_slice %arg3[%add3A, %add3A_156, %dma_wait3A_190, %dma_wait3A_191] : memref<32x79x2x128xi32, #tpu.memory_space<hbm>> -> memref<1x1x2x128xi32, #tpu.memory_space<hbm>>
        %dma_wait3A_193 = tpu.memref_squeeze %dma_wait3A_192 : memref<1x1x2x128xi32, #tpu.memory_space<hbm>> -> memref<2x128xi32, #tpu.memory_space<hbm>>
        tpu.wait_dma2 semaphore(%run_scoped3A_177 : memref<!tpu.dma_semaphore, #tpu.memory_space<semaphore_mem>>) src(%dma_wait3A_193 : memref<2x128xi32, #tpu.memory_space<hbm>>) dst(%arg6 : memref<2x128xi32, #tpu.memory_space<vmem>>)
        tpu.yield
      }) : () -> ()
      %dma_start3A_157 = arith.constant 0 : i32
      %dma_start3A_158 = arith.constant 0 : i32
      %dma_start3A_159 = arith.constant 0 : i32
      %dma_start3A_160 = tpu.memref_slice %arg8[%dma_start3A_158, %dma_start3A_159] : memref<128x128xf32, #tpu.memory_space<vmem>> -> memref<64x128xf32, #tpu.memory_space<vmem>>
      %dma_start3A_161 = arith.constant 0 : i32
      %dma_start3A_162 = tpu.memref_slice %arg6[%dma_start3A_157, %dma_start3A_161] : memref<2x128xi32, #tpu.memory_space<vmem>> -> memref<1x64xi32, #tpu.memory_space<vmem>>
      %dma_start3A_163 = tpu.memref_squeeze %dma_start3A_162 : memref<1x64xi32, #tpu.memory_space<vmem>> -> memref<64xi32, #tpu.memory_space<vmem>>
      %dma_start3A_164 = arith.constant 0 : i32
      %dma_start3A_165 = arith.constant 0 : i32
      %dma_start3A_166 = tpu.memref_slice %arg2[%dma_start3A_164, %dma_start3A_165] : memref<10000x128xf32, #tpu.memory_space<hbm>> -> memref<10000x128xf32, #tpu.memory_space<hbm>>
      tpu.enqueue_indirect_dma source(%dma_start3A_166 : memref<10000x128xf32, #tpu.memory_space<hbm>>) target(%dma_start3A_160 : memref<64x128xf32, #tpu.memory_space<vmem>>) offsets(%dma_start3A_163 : memref<64xi32, #tpu.memory_space<vmem>>) semaphore(%arg11 : memref<!tpu.dma_semaphore, #tpu.memory_space<semaphore_mem>>)
      %dma_start3A_167 = arith.constant 0 : i32
      %dma_start3A_168 = arith.constant 64 : i32
      %dma_start3A_169 = arith.constant 0 : i32
      %dma_start3A_170 = tpu.memref_slice %arg8[%dma_start3A_168, %dma_start3A_169] : memref<128x128xf32, #tpu.memory_space<vmem>> -> memref<64x128xf32, #tpu.memory_space<vmem>>
      %dma_start3A_171 = arith.constant 64 : i32
      %dma_start3A_172 = tpu.memref_slice %arg6[%dma_start3A_167, %dma_start3A_171] : memref<2x128xi32, #tpu.memory_space<vmem>> -> memref<1x64xi32, #tpu.memory_space<vmem>>
      %dma_start3A_173 = tpu.memref_squeeze %dma_start3A_172 : memref<1x64xi32, #tpu.memory_space<vmem>> -> memref<64xi32, #tpu.memory_space<vmem>>
      %dma_start3A_174 = arith.constant 0 : i32
      %dma_start3A_175 = arith.constant 0 : i32
      %dma_start3A_176 = tpu.memref_slice %arg2[%dma_start3A_174, %dma_start3A_175] : memref<10000x128xf32, #tpu.memory_space<hbm>> -> memref<10000x128xf32, #tpu.memory_space<hbm>>
      tpu.enqueue_indirect_dma source(%dma_start3A_176 : memref<10000x128xf32, #tpu.memory_space<hbm>>) target(%dma_start3A_170 : memref<64x128xf32, #tpu.memory_space<vmem>>) offsets(%dma_start3A_173 : memref<64xi32, #tpu.memory_space<vmem>>) semaphore(%arg11 : memref<!tpu.dma_semaphore, #tpu.memory_space<semaphore_mem>>)
    }
    %scan3A_31 = arith.constant 39 : i32
    %dma_wait3A = arith.constant 0 : i32
    %dma_wait3A_32 = arith.constant 0 : i32
    %dma_wait3A_33 = arith.constant 0 : i32
    %dma_wait3A_34 = tpu.memref_slice %arg8[%dma_wait3A_32, %dma_wait3A_33] : memref<128x128xf32, #tpu.memory_space<vmem>> -> memref<64x128xf32, #tpu.memory_space<vmem>>
    %dma_wait3A_35 = arith.constant 0 : i32
    %dma_wait3A_36 = tpu.memref_slice %arg6[%dma_wait3A, %dma_wait3A_35] : memref<2x128xi32, #tpu.memory_space<vmem>> -> memref<1x64xi32, #tpu.memory_space<vmem>>
    %dma_wait3A_37 = tpu.memref_squeeze %dma_wait3A_36 : memref<1x64xi32, #tpu.memory_space<vmem>> -> memref<64xi32, #tpu.memory_space<vmem>>
    %dma_wait3A_38 = arith.constant 0 : i32
    %dma_wait3A_39 = arith.constant 0 : i32
    %dma_wait3A_40 = tpu.memref_slice %arg2[%dma_wait3A_38, %dma_wait3A_39] : memref<10000x128xf32, #tpu.memory_space<hbm>> -> memref<10000x128xf32, #tpu.memory_space<hbm>>
    tpu.wait_indirect_dma semaphore(%arg11 : memref<!tpu.dma_semaphore, #tpu.memory_space<semaphore_mem>>) src(%dma_wait3A_40 : memref<10000x128xf32, #tpu.memory_space<hbm>>) dst(%dma_wait3A_34 : memref<64x128xf32, #tpu.memory_space<vmem>>)
    %dma_wait3A_41 = arith.constant 0 : i32
    %dma_wait3A_42 = arith.constant 64 : i32
    %dma_wait3A_43 = arith.constant 0 : i32
    %dma_wait3A_44 = tpu.memref_slice %arg8[%dma_wait3A_42, %dma_wait3A_43] : memref<128x128xf32, #tpu.memory_space<vmem>> -> memref<64x128xf32, #tpu.memory_space<vmem>>
    %dma_wait3A_45 = arith.constant 64 : i32
    %dma_wait3A_46 = tpu.memref_slice %arg6[%dma_wait3A_41, %dma_wait3A_45] : memref<2x128xi32, #tpu.memory_space<vmem>> -> memref<1x64xi32, #tpu.memory_space<vmem>>
    %dma_wait3A_47 = tpu.memref_squeeze %dma_wait3A_46 : memref<1x64xi32, #tpu.memory_space<vmem>> -> memref<64xi32, #tpu.memory_space<vmem>>
    %dma_wait3A_48 = arith.constant 0 : i32
    %dma_wait3A_49 = arith.constant 0 : i32
    %dma_wait3A_50 = tpu.memref_slice %arg2[%dma_wait3A_48, %dma_wait3A_49] : memref<10000x128xf32, #tpu.memory_space<hbm>> -> memref<10000x128xf32, #tpu.memory_space<hbm>>
    tpu.wait_indirect_dma semaphore(%arg11 : memref<!tpu.dma_semaphore, #tpu.memory_space<semaphore_mem>>) src(%dma_wait3A_50 : memref<10000x128xf32, #tpu.memory_space<hbm>>) dst(%dma_wait3A_44 : memref<64x128xf32, #tpu.memory_space<vmem>>)
    %dma_wait3A_51 = arith.constant 1 : i32
    %dma_wait3A_52 = arith.constant 0 : i32
    %dma_wait3A_53 = tpu.memref_slice %arg7[%dma_wait3A_51, %dma_wait3A_52] : memref<2x128xi32, #tpu.memory_space<vmem>> -> memref<1x128xi32, #tpu.memory_space<vmem>>
    %dma_wait3A_54 = tpu.memref_squeeze %dma_wait3A_53 : memref<1x128xi32, #tpu.memory_space<vmem>> -> memref<128xi32, #tpu.memory_space<vmem>>
    %dma_wait3A_55 = arith.constant 0 : i32
    %dma_wait3A_56 = arith.constant 0 : i32
    %dma_wait3A_57 = tpu.memref_slice %arg10[%dma_wait3A_55, %dma_wait3A_56] : memref<10240x128xf32, #tpu.memory_space<vmem_shared>> -> memref<10240x128xf32, #tpu.memory_space<vmem_shared>>
    tpu.wait_indirect_dma semaphore(%arg14 : memref<!tpu.dma_semaphore, #tpu.memory_space<semaphore_mem>>) src(%arg9 : memref<128x128xf32, #tpu.memory_space<vmem>>) dst(%dma_wait3A_57 : memref<10240x128xf32, #tpu.memory_space<vmem_shared>>)
    %run_scoped3A_58 = arith.constant 1 : i32
    "tpu.region"() ({
      %run_scoped3A_65 = tpu.sem_alloc : memref<!tpu.dma_semaphore, #tpu.memory_space<semaphore_mem>>
      %dma_start3A_66 = arith.constant 0 : i32
      %dma_start3A_67 = tpu.memref_slice %arg6[%run_scoped3A_58, %dma_start3A_66] : memref<2x128xi32, #tpu.memory_space<vmem>> -> memref<1x128xi32, #tpu.memory_space<vmem>>
      %dma_start3A_68 = tpu.memref_squeeze %dma_start3A_67 : memref<1x128xi32, #tpu.memory_space<vmem>> -> memref<128xi32, #tpu.memory_space<vmem>>
      %dma_start3A_69 = arith.constant 0 : i32
      %dma_start3A_70 = arith.constant 0 : i32
      %dma_start3A_71 = tpu.memref_slice %arg10[%dma_start3A_69, %dma_start3A_70] : memref<10240x128xf32, #tpu.memory_space<vmem_shared>> -> memref<10240x128xf32, #tpu.memory_space<vmem_shared>>
      tpu.enqueue_indirect_dma source(%arg8 : memref<128x128xf32, #tpu.memory_space<vmem>>) target(%dma_start3A_71 : memref<10240x128xf32, #tpu.memory_space<vmem_shared>>) offsets(%dma_start3A_68 : memref<128xi32, #tpu.memory_space<vmem>>) semaphore(%run_scoped3A_65 : memref<!tpu.dma_semaphore, #tpu.memory_space<semaphore_mem>>) {add = true}
      %dma_wait3A_72 = arith.constant 0 : i32
      %dma_wait3A_73 = tpu.memref_slice %arg6[%run_scoped3A_58, %dma_wait3A_72] : memref<2x128xi32, #tpu.memory_space<vmem>> -> memref<1x128xi32, #tpu.memory_space<vmem>>
      %dma_wait3A_74 = tpu.memref_squeeze %dma_wait3A_73 : memref<1x128xi32, #tpu.memory_space<vmem>> -> memref<128xi32, #tpu.memory_space<vmem>>
      %dma_wait3A_75 = arith.constant 0 : i32
      %dma_wait3A_76 = arith.constant 0 : i32
      %dma_wait3A_77 = tpu.memref_slice %arg10[%dma_wait3A_75, %dma_wait3A_76] : memref<10240x128xf32, #tpu.memory_space<vmem_shared>> -> memref<10240x128xf32, #tpu.memory_space<vmem_shared>>
      tpu.wait_indirect_dma semaphore(%run_scoped3A_65 : memref<!tpu.dma_semaphore, #tpu.memory_space<semaphore_mem>>) src(%arg8 : memref<128x128xf32, #tpu.memory_space<vmem>>) dst(%dma_wait3A_77 : memref<10240x128xf32, #tpu.memory_space<vmem_shared>>)
      tpu.yield
    }) : () -> ()
    %barrier3A_59 = arith.constant 0 : index
    tpu.barrier barrier_id(%barrier3A_59)
    %scan3A_60 = arith.constant 0 : i32
    %scan3A_61 = arith.constant 5 : i32
    %scan3A_62 = arith.addi %scan3A_60, %scan3A_61 : i32
    %scan3A_63 = arith.constant 1 : i32
    scf.for %scan3A_65 = %scan3A_60 to %scan3A_62 step %scan3A_63  : i32 {
      %mul3A_66 = arith.constant 1 : i32
      %mul3A_67 = arith.muli %scan3A_65, %mul3A_66 : i32
      %add3A_68 = arith.constant 0 : i32
      %add3A_69 = arith.addi %add3A_68, %mul3A_67 : i32
      %mul3A_70 = arith.constant 128 : i32
      %mul3A_71 = arith.muli %add3A_69, %mul3A_70 : i32
      %add3A_72 = arith.addi %mul3A_2, %mul3A_71 : i32
      "tpu.region"() ({
        %run_scoped3A_79 = tpu.sem_alloc : memref<!tpu.dma_semaphore, #tpu.memory_space<semaphore_mem>>
        %dma_start3A_80 = arith.constant 0 : i32
        %dma_start3A_81 = tpu.memref_slice %arg10[%add3A_72, %dma_start3A_80] : memref<10240x128xf32, #tpu.memory_space<vmem_shared>> -> memref<128x128xf32, #tpu.memory_space<vmem_shared>>
        %dma_start3A_82 = arith.constant 0 : i32
        %dma_start3A_83 = tpu.memref_slice %arg10[%add3A_72, %dma_start3A_82] : memref<10240x128xf32, #tpu.memory_space<vmem_shared>> -> memref<128x128xf32, #tpu.memory_space<vmem_shared>>
        tpu.enqueue_dma source(%dma_start3A_83 : memref<128x128xf32, #tpu.memory_space<vmem_shared>>) target(%arg8 : memref<128x128xf32, #tpu.memory_space<vmem>>) target_semaphore(%run_scoped3A_79 : memref<!tpu.dma_semaphore, #tpu.memory_space<semaphore_mem>>)
        %dma_wait3A_84 = arith.constant 0 : i32
        %dma_wait3A_85 = tpu.memref_slice %arg10[%add3A_72, %dma_wait3A_84] : memref<10240x128xf32, #tpu.memory_space<vmem_shared>> -> memref<128x128xf32, #tpu.memory_space<vmem_shared>>
        %dma_wait3A_86 = arith.constant 0 : i32
        %dma_wait3A_87 = tpu.memref_slice %arg10[%add3A_72, %dma_wait3A_86] : memref<10240x128xf32, #tpu.memory_space<vmem_shared>> -> memref<128x128xf32, #tpu.memory_space<vmem_shared>>
        tpu.wait_dma2 semaphore(%run_scoped3A_79 : memref<!tpu.dma_semaphore, #tpu.memory_space<semaphore_mem>>) src(%dma_wait3A_87 : memref<128x128xf32, #tpu.memory_space<vmem_shared>>) dst(%arg8 : memref<128x128xf32, #tpu.memory_space<vmem>>)
        tpu.yield
      }) : () -> ()
      %mul3A_73 = arith.constant 10240 : i32
      %mul3A_74 = arith.muli %arg0, %mul3A_73 : i32
      %add3A_75 = arith.addi %mul3A_74, %mul3A_2 : i32
      %mul3A_76 = arith.constant 128 : i32
      %mul3A_77 = arith.muli %add3A_69, %mul3A_76 : i32
      %add3A_78 = arith.addi %add3A_75, %mul3A_77 : i32
      "tpu.region"() ({
        %run_scoped3A_79 = tpu.sem_alloc : memref<!tpu.dma_semaphore, #tpu.memory_space<semaphore_mem>>
        %dma_start3A_80 = arith.constant 0 : i32
        %dma_start3A_81 = tpu.memref_slice %arg5[%add3A_78, %dma_start3A_80] : memref<20480x128xf32, #tpu.memory_space<hbm>> -> memref<128x128xf32, #tpu.memory_space<hbm>>
        %dma_start3A_82 = arith.constant 0 : i32
        %dma_start3A_83 = tpu.memref_slice %arg5[%add3A_78, %dma_start3A_82] : memref<20480x128xf32, #tpu.memory_space<hbm>> -> memref<128x128xf32, #tpu.memory_space<hbm>>
        tpu.enqueue_dma source(%arg8 : memref<128x128xf32, #tpu.memory_space<vmem>>) target(%dma_start3A_83 : memref<128x128xf32, #tpu.memory_space<hbm>>) target_semaphore(%run_scoped3A_79 : memref<!tpu.dma_semaphore, #tpu.memory_space<semaphore_mem>>)
        %dma_wait3A_84 = arith.constant 0 : i32
        %dma_wait3A_85 = tpu.memref_slice %arg5[%add3A_78, %dma_wait3A_84] : memref<20480x128xf32, #tpu.memory_space<hbm>> -> memref<128x128xf32, #tpu.memory_space<hbm>>
        %dma_wait3A_86 = arith.constant 0 : i32
        %dma_wait3A_87 = tpu.memref_slice %arg5[%add3A_78, %dma_wait3A_86] : memref<20480x128xf32, #tpu.memory_space<hbm>> -> memref<128x128xf32, #tpu.memory_space<hbm>>
        tpu.wait_dma2 semaphore(%run_scoped3A_79 : memref<!tpu.dma_semaphore, #tpu.memory_space<semaphore_mem>>) src(%arg8 : memref<128x128xf32, #tpu.memory_space<vmem>>) dst(%dma_wait3A_87 : memref<128x128xf32, #tpu.memory_space<hbm>>)
        tpu.yield
      }) : () -> ()
    }
    %scan3A_64 = arith.constant 5 : i32
    return
  }
}

module attributes {stable_mosaic.version = 14 : i64} {
  func.func @body(%arg0: i32, %arg1: memref<2x1000x128xf32, #tpu.memory_space<vmem>>, %arg2: memref<2x1000x128xf32, #tpu.memory_space<vmem>>, %arg3: memref<1000x128xf32, #tpu.memory_space<vmem>>, %arg4: memref<256x128xf32, #tpu.memory_space<vmem>>, %arg5: memref<1x256xf32, #tpu.memory_space<vmem>>, %arg6: memref<256x128xf32, #tpu.memory_space<vmem>>, %arg7: memref<128x256xf32, #tpu.memory_space<vmem>>, %arg8: memref<128x256xf32, #tpu.memory_space<vmem>>, %arg9: memref<1000x128xf32, #tpu.memory_space<vmem>>, %arg10: memref<1000x128xf32, #tpu.memory_space<vmem>>) attributes {dimension_semantics = [#tpu.dimension_semantics<arbitrary>], iteration_bounds = array<i64: 10>, scalar_prefetch = 0 : i64, scratch_operands = 0 : i64, tpu.core_type = #tpu.core_type<tc>, window_params = [{transform_indices = @transform_0, window_bounds = array<i64: 2, 1000, 128>}, {transform_indices = @transform_1, window_bounds = array<i64: 2, 1000, 128>}, {transform_indices = @transform_2, window_bounds = array<i64: 1000, 128>}, {pipeline_mode = #tpu.pipeline_mode<synchronous>, transform_indices = @transform_3, window_bounds = array<i64: 256, 128>}, {pipeline_mode = #tpu.pipeline_mode<synchronous>, transform_indices = @transform_4, window_bounds = array<i64: 1, 256>}, {pipeline_mode = #tpu.pipeline_mode<synchronous>, transform_indices = @transform_5, window_bounds = array<i64: 256, 128>}, {pipeline_mode = #tpu.pipeline_mode<synchronous>, transform_indices = @transform_6, window_bounds = array<i64: 128, 256>}, {pipeline_mode = #tpu.pipeline_mode<synchronous>, transform_indices = @transform_7, window_bounds = array<i64: 128, 256>}, {transform_indices = @transform_8, window_bounds = array<i64: 1000, 128>}, {transform_indices = @transform_9, window_bounds = array<i64: 1000, 128>}]} {
    %get3A = arith.constant 0 : index
    %get3A_0 = arith.constant 0 : index
    %get3A_1 = arith.constant 0 : index
    %get3A_2 = vector.load %arg1[%get3A, %get3A_0, %get3A_1] : memref<2x1000x128xf32, #tpu.memory_space<vmem>>, vector<1x1000x128xf32>
    %get3A_3 = vector.shape_cast %get3A_2 : vector<1x1000x128xf32> to vector<1000x128xf32>
    %get3A_4 = arith.constant 1 : index
    %get3A_5 = arith.constant 0 : index
    %get3A_6 = arith.constant 0 : index
    %get3A_7 = vector.load %arg1[%get3A_4, %get3A_5, %get3A_6] : memref<2x1000x128xf32, #tpu.memory_space<vmem>>, vector<1x1000x128xf32>
    %get3A_8 = vector.shape_cast %get3A_7 : vector<1x1000x128xf32> to vector<1000x128xf32>
    %add3A = arith.addf %get3A_3, %get3A_8 : vector<1000x128xf32>
    %get3A_9 = arith.constant 0 : index
    %get3A_10 = arith.constant 0 : index
    %get3A_11 = arith.constant 0 : index
    %get3A_12 = vector.load %arg2[%get3A_9, %get3A_10, %get3A_11] : memref<2x1000x128xf32, #tpu.memory_space<vmem>>, vector<1x1000x1xf32>
    %get3A_13 = vector.shape_cast %get3A_12 : vector<1x1000x1xf32> to vector<1000x1xf32>
    %get3A_14 = arith.constant 1 : index
    %get3A_15 = arith.constant 0 : index
    %get3A_16 = arith.constant 0 : index
    %get3A_17 = vector.load %arg2[%get3A_14, %get3A_15, %get3A_16] : memref<2x1000x128xf32, #tpu.memory_space<vmem>>, vector<1x1000x1xf32>
    %get3A_18 = vector.shape_cast %get3A_17 : vector<1x1000x1xf32> to vector<1000x1xf32>
    %add3A_19 = arith.addf %get3A_13, %get3A_18 : vector<1000x1xf32>
    %max3A = arith.constant 1.000000e+00 : f32
    %max3A_20 = vector.broadcast %max3A : f32 to vector<1000x1xf32>
    %max3A_21 = arith.maximumf %add3A_19, %max3A_20 : vector<1000x1xf32>
    %div3A = vector.broadcast %max3A_21 : vector<1000x1xf32> to vector<1000x128xf32>
    %div3A_22 = arith.divf %add3A, %div3A : vector<1000x128xf32>
    %get3A_23 = arith.constant 0 : index
    %get3A_24 = arith.constant 0 : index
    %get3A_25 = vector.load %arg4[%get3A_23, %get3A_24] : memref<256x128xf32, #tpu.memory_space<vmem>>, vector<256x128xf32>
    %dot_general3A = arith.constant dense<0.000000e+00> : vector<1000x256xf32>
    %dot_general3A_26 = tpu.matmul %div3A_22, %get3A_25, %dot_general3A {dimension_numbers = #tpu.dot_dimension_numbers<[1], [1], [0], [0], [0, 0, 1, 0], [], []>, transpose_lhs_hint = false} : vector<1000x128xf32>, vector<256x128xf32>, vector<1000x256xf32> -> vector<1000x256xf32>
    %get3A_27 = arith.constant 0 : index
    %get3A_28 = arith.constant 0 : index
    %get3A_29 = vector.load %arg5[%get3A_27, %get3A_28] : memref<1x256xf32, #tpu.memory_space<vmem>>, vector<1x256xf32>
    %add3A_30 = vector.broadcast %get3A_29 : vector<1x256xf32> to vector<1000x256xf32>
    %add3A_31 = arith.addf %dot_general3A_26, %add3A_30 : vector<1000x256xf32>
    %get3A_32 = arith.constant 0 : index
    %get3A_33 = arith.constant 0 : index
    %get3A_34 = vector.load %arg3[%get3A_32, %get3A_33] : memref<1000x128xf32, #tpu.memory_space<vmem>>, vector<1000x128xf32>
    %get3A_35 = arith.constant 0 : index
    %get3A_36 = arith.constant 0 : index
    %get3A_37 = vector.load %arg6[%get3A_35, %get3A_36] : memref<256x128xf32, #tpu.memory_space<vmem>>, vector<256x128xf32>
    %dot_general3A_38 = arith.constant dense<0.000000e+00> : vector<1000x256xf32>
    %dot_general3A_39 = tpu.matmul %get3A_34, %get3A_37, %dot_general3A_38 {dimension_numbers = #tpu.dot_dimension_numbers<[1], [1], [0], [0], [0, 0, 1, 0], [], []>, transpose_lhs_hint = false} : vector<1000x128xf32>, vector<256x128xf32>, vector<1000x256xf32> -> vector<1000x256xf32>
    %add3A_40 = arith.addf %add3A_31, %dot_general3A_39 : vector<1000x256xf32>
    %max3A_41 = arith.constant 0.000000e+00 : f32
    %max3A_42 = vector.broadcast %max3A_41 : f32 to vector<1000x256xf32>
    %max3A_43 = arith.maximumf %add3A_40, %max3A_42 : vector<1000x256xf32>
    %get3A_44 = arith.constant 0 : index
    %get3A_45 = arith.constant 0 : index
    %get3A_46 = vector.load %arg7[%get3A_44, %get3A_45] : memref<128x256xf32, #tpu.memory_space<vmem>>, vector<128x256xf32>
    %dot_general3A_47 = arith.constant dense<0.000000e+00> : vector<1000x128xf32>
    %dot_general3A_48 = tpu.matmul %max3A_43, %get3A_46, %dot_general3A_47 {dimension_numbers = #tpu.dot_dimension_numbers<[1], [1], [0], [0], [0, 0, 1, 0], [], []>, transpose_lhs_hint = false} : vector<1000x256xf32>, vector<128x256xf32>, vector<1000x128xf32> -> vector<1000x128xf32>
    %swap3A = arith.constant 0 : index
    %swap3A_49 = arith.constant 0 : index
    %swap3A_50 = vector.load %arg9[%swap3A, %swap3A_49] : memref<1000x128xf32, #tpu.memory_space<vmem>>, vector<1000x128xf32>
    tpu.vector_store %arg9[%swap3A, %swap3A_49], %dot_general3A_48 {strides = array<i32>} : memref<1000x128xf32, #tpu.memory_space<vmem>>, vector<1000x128xf32>,
    %get3A_51 = arith.constant 0 : index
    %get3A_52 = arith.constant 0 : index
    %get3A_53 = vector.load %arg8[%get3A_51, %get3A_52] : memref<128x256xf32, #tpu.memory_space<vmem>>, vector<128x256xf32>
    %dot_general3A_54 = arith.constant dense<0.000000e+00> : vector<1000x128xf32>
    %dot_general3A_55 = tpu.matmul %max3A_43, %get3A_53, %dot_general3A_54 {dimension_numbers = #tpu.dot_dimension_numbers<[1], [1], [0], [0], [0, 0, 1, 0], [], []>, transpose_lhs_hint = false} : vector<1000x256xf32>, vector<128x256xf32>, vector<1000x128xf32> -> vector<1000x128xf32>
    %swap3A_56 = arith.constant 0 : index
    %swap3A_57 = arith.constant 0 : index
    %swap3A_58 = vector.load %arg10[%swap3A_56, %swap3A_57] : memref<1000x128xf32, #tpu.memory_space<vmem>>, vector<1000x128xf32>
    tpu.vector_store %arg10[%swap3A_56, %swap3A_57], %dot_general3A_55 {strides = array<i32>} : memref<1000x128xf32, #tpu.memory_space<vmem>>, vector<1000x128xf32>,
    return
  }
  func.func @transform_0(%arg0: i32) -> (i32, i32, i32) {
    %c0_i32 = arith.constant 0 : i32
    %c0_i32_0 = arith.constant 0 : i32
    %c0_i32_1 = arith.constant 0 : i32
    return %c0_i32, %arg0, %c0_i32_0 : i32, i32, i32
  }
  func.func @transform_1(%arg0: i32) -> (i32, i32, i32) {
    %c0_i32 = arith.constant 0 : i32
    %c0_i32_0 = arith.constant 0 : i32
    %c0_i32_1 = arith.constant 0 : i32
    return %c0_i32, %arg0, %c0_i32_0 : i32, i32, i32
  }
  func.func @transform_2(%arg0: i32) -> (i32, i32) {
    %c0_i32 = arith.constant 0 : i32
    %c0_i32_0 = arith.constant 0 : i32
    return %arg0, %c0_i32 : i32, i32
  }
  func.func @transform_3(%arg0: i32) -> (i32, i32) {
    %c0_i32 = arith.constant 0 : i32
    %c0_i32_0 = arith.constant 0 : i32
    %c0_i32_1 = arith.constant 0 : i32
    return %c0_i32, %c0_i32_0 : i32, i32
  }
  func.func @transform_4(%arg0: i32) -> (i32, i32) {
    %c0_i32 = arith.constant 0 : i32
    %c0_i32_0 = arith.constant 0 : i32
    %c0_i32_1 = arith.constant 0 : i32
    return %c0_i32, %c0_i32_0 : i32, i32
  }
  func.func @transform_5(%arg0: i32) -> (i32, i32) {
    %c0_i32 = arith.constant 0 : i32
    %c0_i32_0 = arith.constant 0 : i32
    %c0_i32_1 = arith.constant 0 : i32
    return %c0_i32, %c0_i32_0 : i32, i32
  }
  func.func @transform_6(%arg0: i32) -> (i32, i32) {
    %c0_i32 = arith.constant 0 : i32
    %c0_i32_0 = arith.constant 0 : i32
    %c0_i32_1 = arith.constant 0 : i32
    return %c0_i32, %c0_i32_0 : i32, i32
  }
  func.func @transform_7(%arg0: i32) -> (i32, i32) {
    %c0_i32 = arith.constant 0 : i32
    %c0_i32_0 = arith.constant 0 : i32
    %c0_i32_1 = arith.constant 0 : i32
    return %c0_i32, %c0_i32_0 : i32, i32
  }
  func.func @transform_8(%arg0: i32) -> (i32, i32) {
    %c0_i32 = arith.constant 0 : i32
    %c0_i32_0 = arith.constant 0 : i32
    return %arg0, %c0_i32 : i32, i32
  }
  func.func @transform_9(%arg0: i32) -> (i32, i32) {
    %c0_i32 = arith.constant 0 : i32
    %c0_i32_0 = arith.constant 0 : i32
    return %arg0, %c0_i32 : i32, i32
  }
}

module attributes {stable_mosaic.version = 14 : i64} {
  func.func @body(%arg0: i32, %arg1: memref<2x1000x128xf32, #tpu.memory_space<vmem>>, %arg2: memref<2x1000x128xf32, #tpu.memory_space<vmem>>, %arg3: memref<1000x128xf32, #tpu.memory_space<vmem>>, %arg4: memref<1x128xf32, #tpu.memory_space<vmem>>, %arg5: memref<1000x128xf32, #tpu.memory_space<vmem>>) attributes {dimension_semantics = [#tpu.dimension_semantics<arbitrary>], iteration_bounds = array<i64: 10>, scalar_prefetch = 0 : i64, scratch_operands = 0 : i64, tpu.core_type = #tpu.core_type<tc>, window_params = [{transform_indices = @transform_0, window_bounds = array<i64: 2, 1000, 128>}, {transform_indices = @transform_1, window_bounds = array<i64: 2, 1000, 128>}, {transform_indices = @transform_2, window_bounds = array<i64: 1000, 128>}, {pipeline_mode = #tpu.pipeline_mode<synchronous>, transform_indices = @transform_3, window_bounds = array<i64: 1, 128>}, {transform_indices = @transform_4, window_bounds = array<i64: 1000, 128>}]} {
    %get3A = arith.constant 0 : index
    %get3A_0 = arith.constant 0 : index
    %get3A_1 = arith.constant 0 : index
    %get3A_2 = vector.load %arg1[%get3A, %get3A_0, %get3A_1] : memref<2x1000x128xf32, #tpu.memory_space<vmem>>, vector<1x1000x128xf32>
    %get3A_3 = vector.shape_cast %get3A_2 : vector<1x1000x128xf32> to vector<1000x128xf32>
    %get3A_4 = arith.constant 1 : index
    %get3A_5 = arith.constant 0 : index
    %get3A_6 = arith.constant 0 : index
    %get3A_7 = vector.load %arg1[%get3A_4, %get3A_5, %get3A_6] : memref<2x1000x128xf32, #tpu.memory_space<vmem>>, vector<1x1000x128xf32>
    %get3A_8 = vector.shape_cast %get3A_7 : vector<1x1000x128xf32> to vector<1000x128xf32>
    %add3A = arith.addf %get3A_3, %get3A_8 : vector<1000x128xf32>
    %get3A_9 = arith.constant 0 : index
    %get3A_10 = arith.constant 0 : index
    %get3A_11 = arith.constant 0 : index
    %get3A_12 = vector.load %arg2[%get3A_9, %get3A_10, %get3A_11] : memref<2x1000x128xf32, #tpu.memory_space<vmem>>, vector<1x1000x1xf32>
    %get3A_13 = vector.shape_cast %get3A_12 : vector<1x1000x1xf32> to vector<1000x1xf32>
    %get3A_14 = arith.constant 1 : index
    %get3A_15 = arith.constant 0 : index
    %get3A_16 = arith.constant 0 : index
    %get3A_17 = vector.load %arg2[%get3A_14, %get3A_15, %get3A_16] : memref<2x1000x128xf32, #tpu.memory_space<vmem>>, vector<1x1000x1xf32>
    %get3A_18 = vector.shape_cast %get3A_17 : vector<1x1000x1xf32> to vector<1000x1xf32>
    %add3A_19 = arith.addf %get3A_13, %get3A_18 : vector<1000x1xf32>
    %max3A = arith.constant 1.000000e+00 : f32
    %max3A_20 = vector.broadcast %max3A : f32 to vector<1000x1xf32>
    %max3A_21 = arith.maximumf %add3A_19, %max3A_20 : vector<1000x1xf32>
    %div3A = vector.broadcast %max3A_21 : vector<1000x1xf32> to vector<1000x128xf32>
    %div3A_22 = arith.divf %add3A, %div3A : vector<1000x128xf32>
    %get3A_23 = arith.constant 0 : index
    %get3A_24 = arith.constant 0 : index
    %get3A_25 = vector.load %arg4[%get3A_23, %get3A_24] : memref<1x128xf32, #tpu.memory_space<vmem>>, vector<1x128xf32>
    %add3A_26 = vector.broadcast %get3A_25 : vector<1x128xf32> to vector<1000x128xf32>
    %add3A_27 = arith.addf %div3A_22, %add3A_26 : vector<1000x128xf32>
    %get3A_28 = arith.constant 0 : index
    %get3A_29 = arith.constant 0 : index
    %get3A_30 = vector.load %arg3[%get3A_28, %get3A_29] : memref<1000x128xf32, #tpu.memory_space<vmem>>, vector<1000x128xf32>
    %add3A_31 = arith.addf %add3A_27, %get3A_30 : vector<1000x128xf32>
    %reduce_max3A = arith.constant dense<0xFF800000> : vector<1000xf32>
    %reduce_max3A_32 = vector.multi_reduction <maximumf>, %add3A_31, %reduce_max3A [1] : vector<1000x128xf32> to vector<1000xf32>
    %broadcast_in_dim3A = vector.shape_cast %reduce_max3A_32 : vector<1000xf32> to vector<1000x1xf32>
    %sub3A = vector.broadcast %broadcast_in_dim3A : vector<1000x1xf32> to vector<1000x128xf32>
    %sub3A_33 = arith.subf %add3A_31, %sub3A : vector<1000x128xf32>
    %exp3A = math.exp %sub3A_33 : vector<1000x128xf32>
    %reduce_sum3A = arith.constant dense<0.000000e+00> : vector<1000xf32>
    %reduce_sum3A_34 = vector.multi_reduction <add>, %exp3A, %reduce_sum3A [1] : vector<1000x128xf32> to vector<1000xf32>
    %broadcast_in_dim3A_35 = vector.shape_cast %reduce_sum3A_34 : vector<1000xf32> to vector<1000x1xf32>
    %log3A = math.log %broadcast_in_dim3A_35 : vector<1000x1xf32>
    %sub3A_36 = vector.broadcast %log3A : vector<1000x1xf32> to vector<1000x128xf32>
    %sub3A_37 = arith.subf %sub3A_33, %sub3A_36 : vector<1000x128xf32>
    %swap3A = arith.constant 0 : index
    %swap3A_38 = arith.constant 0 : index
    %swap3A_39 = vector.load %arg5[%swap3A, %swap3A_38] : memref<1000x128xf32, #tpu.memory_space<vmem>>, vector<1000x128xf32>
    tpu.vector_store %arg5[%swap3A, %swap3A_38], %sub3A_37 {strides = array<i32>} : memref<1000x128xf32, #tpu.memory_space<vmem>>, vector<1000x128xf32>,
    return
  }
  func.func @transform_0(%arg0: i32) -> (i32, i32, i32) {
    %c0_i32 = arith.constant 0 : i32
    %c0_i32_0 = arith.constant 0 : i32
    %c0_i32_1 = arith.constant 0 : i32
    return %c0_i32, %arg0, %c0_i32_0 : i32, i32, i32
  }
  func.func @transform_1(%arg0: i32) -> (i32, i32, i32) {
    %c0_i32 = arith.constant 0 : i32
    %c0_i32_0 = arith.constant 0 : i32
    %c0_i32_1 = arith.constant 0 : i32
    return %c0_i32, %arg0, %c0_i32_0 : i32, i32, i32
  }
  func.func @transform_2(%arg0: i32) -> (i32, i32) {
    %c0_i32 = arith.constant 0 : i32
    %c0_i32_0 = arith.constant 0 : i32
    return %arg0, %c0_i32 : i32, i32
  }
  func.func @transform_3(%arg0: i32) -> (i32, i32) {
    %c0_i32 = arith.constant 0 : i32
    %c0_i32_0 = arith.constant 0 : i32
    %c0_i32_1 = arith.constant 0 : i32
    return %c0_i32, %c0_i32_0 : i32, i32
  }
  func.func @transform_4(%arg0: i32) -> (i32, i32) {
    %c0_i32 = arith.constant 0 : i32
    %c0_i32_0 = arith.constant 0 : i32
    return %arg0, %c0_i32 : i32, i32
  }
}

</mosaic_0001>

<sc_bundles>
// kernel: kernel.10.cloned.1.call-start
scs
__scs_entry_jumppad:
0x0: {  	(pc) =	sbr.rel $0x88, $3  }
0x1: {  	(tag) =	ssettag $0x0;
	lr =	simm.s32 $0x1  }
0x2: {  	[smem:$0x3F99] =	sst lr;
	_ =	strace $0xD0000000  }
0x3: {  	_ = 	snop  }
0x4: {  	_ = 	snop  }
0x5: {  	_ = 	snop  }
0x6: {  	_ = 	snop  }
0x7: {  	_ = 	snop  }
__scs_overlays_trampoline_lowered:
0x8: {  	[smem:$0x3FA8] =	sst s0  }
0x9: {  	[smem:$0x3FA9] =	sst s1  }
0xa: {  	[smem:$0x3FAA] =	sst s2  }
0xb: {  	[smem:$0x3FAB] =	sst s3  }
0xc: {  	[smem:$0x3FAC] =	sst s4  }
0xd: {  	[smem:$0x3FAD] =	sst s5  }
0xe: {  	[smem:$0x3FAE] =	sst s6  }
0xf: {  	[smem:$0x3FAF] =	sst s7  }
0x10: {  	[smem:$0x3FB0] =	sst s8  }
0x11: {  	[smem:$0x3FB1] =	sst s9;
	s0 =	simm.s32 @!p0 $0x0  }
0x12: {  	s1 =	sld [smem:$0x3F97];
	s0 =	simm.s32 @p0 $0x1  }
0x13: {  	[smem:$0x3FB2] =	sst s0;
	s0 =	simm.s32 @!p1 $0x0  }
0x14: {  	s2 =	sld [smem:$0x3F96];
	s0 =	simm.s32 @p1 $0x1  }
0x15: {  	[smem:$0x3FB3] =	sst s0;
	s0 =	simm.s32 @!p2 $0x0  }
0x16: {  	s3 =	sld [smem:$0x3FDB];
	s0 =	simm.s32 @p2 $0x1  }
0x17: {  	s4 =	simm.s32 $0x1BF5;
	[smem:$0x3FB5] =	sst s0  }
0x18: {  	s0 =	sld [smem:$0x3F98];
	_ =	swait.ge [sflag:s4], $0x0  }
0x19: {  	s7 =	sld [smem:$0x3F99]  }
0x1a: {  	s8 =	sadd.s32 $0xFFFFE003, lr  }
0x1b: {  	s9 =	sadd.s32 $0xFFFFFEF7, lr;
	s5 =	simm.s32 $0xFFFFFFFF;
	p2 =	slt.u32 s8, $0xFFFFF086  }
0x1c: {  	p1 =	slt.u32 s9, $0xF7A;
	s5 =	simm.s32 @!p2 $0x0  }
0x1d: {  	s5 =	simm.s32 @p1 $0x1;
	p0 =	seq.s32 s7, s2  }
0x1e: {  	s7 =	smul.u32 @!p0 $0xF7A, s2;
	p2 =	seq.s32 @!p0 s5, $0x0  }
0x1f: {  	s9 =	smul.u32 $0xF7A, s1;
	s8 =	simm.s32 @!p0 $0x1BF5;
	p2 =	por !p2, p0  }
0x20: {  	[sflag:s8] =	ssyncset.s32 @!p0 $0xFFFFF086;
	s6 =	sadd.s32 @!p0 s3, s7;
	s7 =	simm.s32 @!p0 $0x108  }
0x21: {  	s3 =	sadd.s32 s3, s9;
	s6 =	sadd.s32 @!p0 $0x88, s6;
	s7 =	simm.s32 @p2 $0x1082  }
0x22: {  	[simem:s7], [sflag:s8] =	dma.local @!p0 [hbm:s6], $0xF7A  }
0x23: {  	s9 =	sor.u32 $0xD0000000, s2;
	s6 =	simm.s32 $0x108;
	_ =	swait.ge @!p0 [sflag:s8], $0x0  }
0x24: {  	s3 =	sadd.s32 $0x88, s3;
	s6 =	simm.s32 @!p1 $0x1082;
	[sflag:s4] =	ssyncset.s32 $0xFFFFF086  }
0x25: {  	[simem:s6], [sflag:s4] =	dma.local [hbm:s3], $0xF7A  }
0x26: {  	[smem:$0x3F99] =	sst s1;
	(tag) =	ssettag s2;
	_ =	strace s9  }
0x27: {  	s1 =	sld [smem:$0x3FA9]  }
0x28: {  	s2 =	sld [smem:$0x3FAA]  }
0x29: {  	s4 =	sld [smem:$0x3FAC]  }
0x2a: {  	p0 =	seq.s32 s5, $0x0;
	s5 =	sld [smem:$0x3FAD]  }
0x2b: {  	s6 =	sld [smem:$0x3FAE]  }
0x2c: {  	s7 =	sld [smem:$0x3FAF]  }
0x2d: {  	s3 =	simm.s32 $0x108;
	s8 =	sld [smem:$0x3FB0]  }
0x2e: {  	s3 =	simm.s32 @!p0 $0x1082;
	s9 =	sld [smem:$0x3FB1]  }
0x2f: {  	lr =	sadd.s32 s0, s3;
	s0 =	sld [smem:$0x3FA8]  }
0x30: {  	s3 =	sld [smem:$0x3FAB]  }
0x31: {  	[smem:$0x3FB4] =	sst s10  }
0x32: {  	s10 =	sld [smem:$0x3FB2];
	_ =	sdelay $0x3  }
0x33: {  	p0 =	seq.s32 s10, $0x1;
	s10 =	sld [smem:$0x3FB4];
	_ =	sdelay $0x3  }
0x34: {  	[smem:$0x3FB4] =	sst s10  }
0x35: {  	s10 =	sld [smem:$0x3FB3];
	_ =	sdelay $0x3  }
0x36: {  	p1 =	seq.s32 s10, $0x1;
	s10 =	sld [smem:$0x3FB4];
	_ =	sdelay $0x3  }
0x37: {  	[smem:$0x3FB4] =	sst s10  }
0x38: {  	s10 =	sld [smem:$0x3FB5]  }
0x39: {  	_ = 	snop;
	(pc) =	sbr.ind lr, $3  }
0x3a: {  	_ = 	snop  }
0x3b: {  	_ = 	snop  }
0x3c: {  	p2 =	seq.s32 s10, $0x1;
	s10 =	sld [smem:$0x3FB4]  }
0x3d: {  	_ =	shalt  }
0x3e: {  	_ =	shalt  }
0x3f: {  	_ =	shalt  }
0x40: {  	_ =	shalt  }
0x41: {  	_ =	shalt  }
0x42: {  	_ =	shalt  }
0x43: {  	_ =	shalt  }
0x44: {  	_ =	shalt  }
0x45: {  	_ =	shalt  }
0x46: {  	_ =	shalt  }
0x47: {  	_ =	shalt  }
0x48: {  	_ =	shalt  }
0x49: {  	_ =	shalt  }
0x4a: {  	_ =	shalt  }
0x4b: {  	_ =	shalt  }
0x4c: {  	_ =	shalt  }
0x4d: {  	_ =	shalt  }
0x4e: {  	_ =	shalt  }
0x4f: {  	_ =	shalt  }
0x50: {  	_ =	shalt  }
0x51: {  	_ =	shalt  }
0x52: {  	_ =	shalt  }
0x53: {  	_ =	shalt  }
0x54: {  	_ =	shalt  }
0x55: {  	_ =	shalt  }
0x56: {  	_ =	shalt  }
0x57: {  	_ =	shalt  }
0x58: {  	_ =	shalt  }
0x59: {  	_ =	shalt  }
0x5a: {  	_ =	shalt  }
0x5b: {  	_ =	shalt  }
0x5c: {  	_ =	shalt  }
0x5d: {  	_ =	shalt  }
0x5e: {  	_ =	shalt  }
0x5f: {  	_ =	shalt  }
0x60: {  	_ =	shalt  }
0x61: {  	_ =	shalt  }
0x62: {  	_ =	shalt  }
0x63: {  	_ =	shalt  }
0x64: {  	_ =	shalt  }
0x65: {  	_ =	shalt  }
0x66: {  	_ =	shalt  }
0x67: {  	_ =	shalt  }
0x68: {  	_ =	shalt  }
0x69: {  	_ =	shalt  }
0x6a: {  	_ =	shalt  }
0x6b: {  	_ =	shalt  }
0x6c: {  	_ =	shalt  }
0x6d: {  	_ =	shalt  }
0x6e: {  	_ =	shalt  }
0x6f: {  	_ =	shalt  }
0x70: {  	_ =	shalt  }
0x71: {  	_ =	shalt  }
0x72: {  	_ =	shalt  }
0x73: {  	_ =	shalt  }
0x74: {  	_ =	shalt  }
0x75: {  	_ =	shalt  }
0x76: {  	_ =	shalt  }
0x77: {  	_ =	shalt  }
0x78: {  	_ =	shalt  }
0x79: {  	_ =	shalt  }
0x7a: {  	_ =	shalt  }
0x7b: {  	_ =	shalt  }
0x7c: {  	_ =	shalt  }
0x7d: {  	_ =	shalt  }
0x7e: {  	_ =	shalt  }
0x7f: {  	_ =	shalt  }
0x80: {  	_ =	shalt  }
0x81: {  	_ =	shalt  }
0x82: {  	_ =	shalt  }
0x83: {  	_ =	shalt  }
0x84: {  	_ =	shalt  }
0x85: {  	_ =	shalt  }
0x86: {  	_ =	shalt  }
0x87: {  	_ =	shalt  }
.Lfunc_end0:
.L_simem_size_0:
called_computation.1_lowered:
.L_overlay_start_0:
0x88: {  	s2 =	sld [smem:$0x3FD9]  }
0x89: {  	s3 =	sld [smem:$0x3FFE];
	_ =	sdelay $0x1  }
0x8a: {  	s1 =	srdreg.scid  }
0x8b: {  	s0 =	sand.u32 $0x1, s1  }
0x8c: {  	s17 =	sshll.u32 s0, $0xA;
	s2 =	sadd.s32 s3, s2  }
0x8d: {  	s2 =	sadd.s32 s2, s17  }
0x8e: {  	[smem:$0x3FC0] =	sst s2  }
0x8f: {  	_ = 	snop  }
0x90: {  	s2 =	sld [smem:$0x3FD0];
	(tm) =	ssettm $0x1  }
0x91: {  	s18 =	sld [smem:$0x3FFB];
	_ =	sdelay $0x3  }
0x92: {  	_ =	strace s18  }
0x93: {  	s3 =	sld [smem:$0x3FFC];
	_ =	sdelay $0x3  }
0x94: {  	_ =	strace s3  }
0x95: {  	s3 =	sld [smem:$0x3FFD];
	_ =	sdelay $0x3  }
0x96: {  	_ =	strace s3  }
0x97: {  	_ =	strace $0x8FFFFFFF  }
0x98: {  	s19 =	sld [smem:$0x3FDB];
	_ =	sdelay $0x1  }
0x99: {  	s4 =	simm.s32 $_scs_section_size  }
0x9a: {  	s5 =	simm.s32 $_size__tile_overlayer_lowered;
	s6 =	simm.s32 $_tile_overlayer_lowered  }
0x9b: {  	s22 =	simm.s32 $0x1BFF;
	s21 =	sshll.u32 s6, $0x1;
	s3 =	sadd.s32 s4, s19  }
0x9c: {  	s7 =	simm.s32 $0x0;
	s20 =	sshll.u32 s5, $0x1;
	s5 =	sadd.s32 s21, s3  }
0x9d: {  	[timem:s7], [sflag:s22] =	dma.local [hbm:s5], s20  }
0x9e: {  	_ =	swait.ge [sflag:s22], s20  }
0x9f: {  	s4 =	ssub.s32 $0x0, s20;
	[sflag:s22] =	ssyncset.done $0x0  }
0xa0: {  	[sflag:s22] =	ssyncadd.s32 s4;
	_ =	sdelay $0x1  }
0xa1: {  	s23 =	simm.s32 $0x1B8B  }
0xa2: {  	_ =	swait.ge [sflag:s23], $0x1  }
0xa3: {  	[sflag:s23] =	ssyncset.done $0x0  }
0xa4: {  	s25 =	simm.s32 $0x1B8E;
	s24 =	sld [smem:$0x3FFE];
	[sflag:s23] =	ssyncadd.s32 $0xFFFFFFFF  }
0xa5: {  	s26 =	simm.s32 $execute0_lowered;
	[smem:$0x3FD2] =	sst s25  }
0xa6: {  	s5 =	sshll.u32 s26, $0x1;
	_ =	strace $0x80000046;
	[dreg:$0x1] =	wrdreg $0xFFFFFFFF  }
0xa7: {  	s28 =	simm.s32 $_size_execute0_lowered;
	s3 =	sadd.s32 s3, s5;
	[dreg:$0x0] =	wrdreg $0x0  }
0xa8: {  	s5 =	sshll.u32 s28, $0x1;
	[dreg:$0x2] =	wrdreg s3  }
0xa9: {  	[dreg:$0x3] =	wrdreg s5  }
0xaa: {  	[dreg:$0x4] =	wrdreg $0xC0  }
0xab: {  	_ =	task [dreg:s7], $0x5FFFF  }
0xac: {  	[dreg:$0x1] =	wrdreg $0xFFFFFFFF  }
0xad: {  	[dreg:$0x0] =	wrdreg $0x60  }
0xae: {  	[dreg:$0x2] =	wrdreg s2  }
0xaf: {  	[dreg:$0x3] =	wrdreg s24  }
0xb0: {  	[dreg:$0x4] =	wrdreg $0x68000  }
0xb1: {  	[dreg:$0x5] =	wrdreg $0xA  }
0xb2: {  	_ =	task.clear_ibuf [dreg:s7], $0x6FFFF;
	_ =	strace $0x90000046  }
0xb3: {  	s29 =	simm.s32 $0xA;
	_ =	strace $0x80000048  }
0xb4: {  	_ =	swait.ge [sflag:s29], $0x1  }
0xb5: {  	[sflag:s29] =	ssyncadd.s32 $0xFFFFFFFF  }
0xb6: {  	_ =	strace $0x90000048  }
0xb7: {  	_ =	sfence  }
0xb8: {  	s30 =	sld [smem:$0x0];
	_ =	sdelay $0x2  }
0xb9: {  	s31 =	sshll.u32 s1, $0xD;
	s1 =	sshrl.u32 s1, $0x2  }
0xba: {  	s3 =	sand.u32 $0x4000, s31;
	s1 =	sadd.s32 s1, s30  }
0xbb: {  	s0 =	sor.u32 s3, s0;
	s1 =	sshll.u32 s1, $0x11  }
0xbc: {  	s0 =	sor.u32 s1, s0  }
0xbd: {  	s0 =	sadd.s32 $0x8F2B, s0  }
0xbe: {  	[sflag:s0] =	ssyncadd.remote.s32 $0x1  }
0xbf: {  	_ =	sfence.sel $0xFFFF  }
0xc0: {  	[dreg:$0x0] =	wrdreg $0xFFFFFFFF;
	(pc) =	sbr.abs _section_cstart, $3  }
0xc1: {  	[dreg:$0x1] =	wrdreg $0xFFFFFFFF  }
0xc2: {  	_ =	task.clear_ibuf [dreg:s7], $0x2FFFF;
	_ =	strace $0x9FFFFFFF  }
0xc3: {  	(tm) =	ssettm $0x7FFFFFFF  }
tec
execute0_lowered:
.L_overlay_start_1:
0x0: {  	(tag) =	ssettag $0x1  }
0x1: {  	s7 =	rddreg [dreg:$0x0]  }
0x2: {  	s6 =	rddreg [dreg:$0x1]  }
0x3: {  	s2 =	rddreg [dreg:$0x2]  }
0x4: {  	s0 =	rddreg [dreg:$0x3];
	s4 =	srdreg.scid  }
0x5: {  	s1 =	stileid.u32;
	s3 =	simm.s32 $0x0;
	s18 =	simm.s32 $0x3  }
0x6: {  	s19 =	simm.s32 $0x2800;
	s20 =	simm.s32 $0x80;
	s21 =	simm.s32 $0x1  }
0x7: {  	s22 =	simm.s32 $0x2;
	s23 =	simm.s32 $0x2700;
	s24 =	simm.s32 $0x0  }
0x8: {  	s8 =	sand.u32 $0x1, s4;
	s9 =	smul.u32 $0x280, s1;
	[smem:$0x7FF] =	sst s3  }
0x9: {  	s4 =	sadd.s32 $0x2000, s6;
	s5 =	sadd.s32 $0x2800, s6;
	s10 =	smul.u32 $0x2800, s8  }
0xa: {  	s11 =	smul.u32 $0x50000, s1;
	s31 =	sshll.u32 s8, $0x4;
	s8 =	ssub.s32 $0x2, s8  }
0xb: {  	s12 =	sshrl.u32 s8, $0x1;
	s9 =	sadd.s32 s10, s9;
	s10 =	sor.u32 s1, s31  }
0xc: {  	_ =	strace $0x80000047;
	s8 =	ssub.s32 s8, s12;
	s10 =	smul.u32 $0x500, s10  }
0xd: {  	s11 =	sshrl.u32 s11, $0x2;
	s9 =	sshll.u32 s9, $0x4;
	s8 =	smax.u32 s8, $0x1  }
0xe: {  	s17 =	sadd.s32 s9, s6;
	s6 =	sadd.s32 s11, s2;
	s7 =	sadd.s32 s7, s10  }
0xf: {  	s9 =	sadd.s32 $0x4000, s6;
	s10 =	sadd.s32 $0x8000, s6;
	s11 =	sadd.s32 $0xC000, s6  }
0x10: {  	s12 =	sadd.s32 $0x10000, s6;
	s13 =	sadd.s32 $0x3000, s17;
	s14 =	sadd.s32 $0x3800, s17  }
0x11: {  	s15 =	sadd.s32 $0x4000, s17;
	s16 =	sadd.s32 $0x4800, s17;
	s17 =	sadd.s32 $0x5000, s17  }
.LBB2_1:
0x12: {  	[tilespmem:s3], [sflag:$0x3] =	stream.linear.gather [hbm4b:s7+s3], $0x2780, $0x38;
	[tilespmem:$0x1A800] =	vst v63  }
0x13: {  	_ =	swait.ge [sflag:s18], $0x2780  }
0x14: {  	[sflag:s18] =	ssyncset.done $0x0  }
0x15: {  	[sflag:s18] =	ssyncadd.s32 $0xFFFFD880  }
0x16: {  	[tilespmem:s19], [sflag:$0x3] =	stream.linear.gather [hbm4b:s4+s3], $0x4000, $0x38;
	[tilespmem:$0x1A800] =	vst v63  }
0x17: {  	_ =	swait.ge [sflag:s18], $0x4000  }
0x18: {  	[sflag:s18] =	ssyncset.done $0x0  }
0x19: {  	[sflag:s18] =	ssyncadd.s32 $0xFFFFC000  }
0x1a: {  	[spmem:s6] =	stream.linear.scatter [tilespmem:s19], [sflag:$0x3], $0x4000, $0x38;
	[tilespmem:$0x1A800] =	vst v63  }
0x1b: {  	_ =	swait.ge [sflag:s18], $0x4000  }
0x1c: {  	[sflag:s18] =	ssyncset.done $0x0  }
0x1d: {  	[sflag:s18] =	ssyncadd.s32 $0xFFFFC000  }
0x1e: {  	[spmem:s9] =	stream.linear.scatter [tilespmem:s19], [sflag:$0x3], $0x4000, $0x38;
	[tilespmem:$0x1A800] =	vst v63  }
0x1f: {  	_ =	swait.ge [sflag:s18], $0x4000  }
0x20: {  	[sflag:s18] =	ssyncset.done $0x0  }
0x21: {  	[sflag:s18] =	ssyncadd.s32 $0xFFFFC000  }
0x22: {  	[spmem:s10] =	stream.linear.scatter [tilespmem:s19], [sflag:$0x3], $0x4000, $0x38;
	[tilespmem:$0x1A800] =	vst v63  }
0x23: {  	_ =	swait.ge [sflag:s18], $0x4000  }
0x24: {  	[sflag:s18] =	ssyncset.done $0x0  }
0x25: {  	[sflag:s18] =	ssyncadd.s32 $0xFFFFC000  }
0x26: {  	[spmem:s11] =	stream.linear.scatter [tilespmem:s19], [sflag:$0x3], $0x4000, $0x38;
	[tilespmem:$0x1A800] =	vst v63  }
0x27: {  	_ =	swait.ge [sflag:s18], $0x4000  }
0x28: {  	[sflag:s18] =	ssyncset.done $0x0  }
0x29: {  	[sflag:s18] =	ssyncadd.s32 $0xFFFFC000  }
0x2a: {  	[spmem:s12] =	stream.linear.scatter [tilespmem:s19], [sflag:$0x3], $0x4000, $0x38;
	[tilespmem:$0x1A800] =	vst v63  }
0x2b: {  	_ =	swait.ge [sflag:s18], $0x4000  }
0x2c: {  	[sflag:s18] =	ssyncset.done $0x0  }
0x2d: {  	[sflag:s18] =	ssyncadd.s32 $0xFFFFC000  }
0x2e: {  	[tilespmem:s19], [sflag:$0x3] =	stream.linear.gather [hbm4b:s5+s3], $0x4000, $0x38;
	[tilespmem:$0x1A800] =	vst v63  }
0x2f: {  	_ =	swait.ge [sflag:s18], $0x4000  }
0x30: {  	[sflag:s18] =	ssyncset.done $0x0  }
0x31: {  	[sflag:s18] =	ssyncadd.s32 $0xFFFFC000  }
0x32: {  	[bflag:$0x0] =	sbarrier.arrive $0xFFFF  }
0x33: {  	[spmem:s2] =	stream.indirect.scatter.add.f32 [tilespmem:s19], [sflag:$0x1], $0x80, s3, s20, $0xb8;
	[tilespmem:$0x1A800] =	vst v63  }
0x34: {  	_ = 	snop  }
0x35: {  	[spmem:s2] =	stream.indirect.scatter.add.f32 [tilespmem:s19], [sflag:$0x2], $0x80, s20, s20, $0xb8;
	[tilespmem:$0x1A800] =	vst v63  }
0x36: {  	_ =	swait.ge [sflag:s21], $0x4000  }
0x37: {  	[sflag:s21] =	ssyncset.done $0x0  }
0x38: {  	s25 =	simm.s32 $0x100;
	[sflag:s21] =	ssyncadd.s32 $0xFFFFC000  }
0x39: {  	[spmem:s2] =	stream.indirect.scatter.add.f32 [tilespmem:s19], [sflag:$0x1], $0x80, s25, s20, $0xb8;
	[tilespmem:$0x1A800] =	vst v63  }
0x3a: {  	_ =	swait.ge [sflag:s22], $0x4000  }
0x3b: {  	[sflag:s22] =	ssyncset.done $0x0  }
0x3c: {  	s31 =	simm.s32 $0x180;
	[sflag:s22] =	ssyncadd.s32 $0xFFFFC000  }
0x3d: {  	[spmem:s2] =	stream.indirect.scatter.add.f32 [tilespmem:s19], [sflag:$0x2], $0x80, s31, s20, $0xb8;
	[tilespmem:$0x1A800] =	vst v63  }
0x3e: {  	_ =	swait.ge [sflag:s21], $0x4000  }
0x3f: {  	s26 =	simm.s32 $0xFFFF7000;
	s25 =	simm.s32 $0xFFFFDB00;
	[sflag:s21] =	ssyncset.done $0x0  }
.LBB2_2:
0x40: {  	s28 =	sadd.s32 $0x2700, s25  }
0x41: {  	[sflag:s21] =	ssyncadd.s32 $0xFFFFC000;
	s29 =	smov.u32 s26;
	s30 =	sadd.s32 $0x400, s26  }
0x42: {  	[spmem:s2] =	stream.indirect.scatter.add.f32 [tilespmem:s19], [sflag:$0x1], $0x80, s28, s20, $0xb8;
	[tilespmem:$0x1A800] =	vst v63  }
0x43: {  	p0 =	sne.s32 s26, $0xFFFFFC00;
	_ =	swait.ge [sflag:s22], $0x4000  }
.Ltmp0:
0x44: {  	[sflag:s22] =	ssyncset.done $0x0;
	(pc) =	sbr.rel @p0 .LBB2_2-.Ltmp0, $4  }
0x45: {  	s25 =	sadd.s32 $0x2780, s25;
	[sflag:s22] =	ssyncadd.s32 $0xFFFFC000  }
0x46: {  	[spmem:s2] =	stream.indirect.scatter.add.f32 [tilespmem:s19], [sflag:$0x2], $0x80, s25, s20, $0xb8;
	[tilespmem:$0x1A800] =	vst v63  }
0x47: {  	_ =	swait.ge [sflag:s21], $0x4000  }
0x48: {  	s26 =	smov.u32 s30;
	s25 =	sshra.s32 s29, $0x2;
	[sflag:s21] =	ssyncset.done $0x0  }
0x49: {  	s26 =	sadd.s32 $0x2700, s25;
	[sflag:s21] =	ssyncadd.s32 $0xFFFFC000  }
0x4a: {  	[spmem:s2] =	stream.indirect.scatter.add.f32 [tilespmem:s19], [sflag:$0x1], $0x80, s26, s20, $0xb8;
	[tilespmem:$0x1A800] =	vst v63  }
0x4b: {  	_ =	swait.ge [sflag:s22], $0x4000  }
0x4c: {  	[sflag:s22] =	ssyncset.done $0x0  }
0x4d: {  	s31 =	sadd.s32 $0x2780, s25;
	[sflag:s22] =	ssyncadd.s32 $0xFFFFC000  }
0x4e: {  	[spmem:s2] =	stream.indirect.scatter.add.f32 [tilespmem:s19], [sflag:$0x2], $0x80, s31, s20, $0xb8;
	[tilespmem:$0x1A800] =	vst v63  }
0x4f: {  	_ =	swait.ge [sflag:s21], $0x4000  }
0x50: {  	[sflag:s21] =	ssyncset.done $0x0  }
0x51: {  	[sflag:s21] =	ssyncadd.s32 $0xFFFFC000  }
0x52: {  	_ =	swait.ge [sflag:s22], $0x4000  }
0x53: {  	[sflag:s22] =	ssyncset.done $0x0  }
0x54: {  	[sflag:s22] =	ssyncadd.s32 $0xFFFFC000  }
0x55: {  	[spmem:s2] =	stream.indirect.scatter.add.f32 [tilespmem:s19], [sflag:$0x3], $0x80, s23, s20, $0xb8;
	[tilespmem:$0x1A800] =	vst v63  }
0x56: {  	_ =	swait.ge [sflag:s18], $0x4000  }
0x57: {  	[sflag:s18] =	ssyncset.done $0x0  }
0x58: {  	[sflag:s18] =	ssyncadd.s32 $0xFFFFC000  }
0x59: {  	[bflag:$0x0] =	sbarrier.arrive $0xFFFF  }
0x5a: {  	[tilespmem:s19], [sflag:$0x3] =	stream.linear.gather [spmem:s6], $0x4000, $0x38;
	[tilespmem:$0x1A800] =	vst v63  }
0x5b: {  	_ =	swait.ge [sflag:s18], $0x4000  }
0x5c: {  	[sflag:s18] =	ssyncset.done $0x0  }
0x5d: {  	[sflag:s18] =	ssyncadd.s32 $0xFFFFC000  }
0x5e: {  	[hbm4b:s13+s3] =	stream.linear.scatter [tilespmem:s19], [sflag:$0x3], $0x4000, $0x38;
	[tilespmem:$0x1A800] =	vst v63  }
0x5f: {  	_ =	swait.ge [sflag:s18], $0x4000  }
0x60: {  	[sflag:s18] =	ssyncset.done $0x0  }
0x61: {  	[sflag:s18] =	ssyncadd.s32 $0xFFFFC000  }
0x62: {  	[tilespmem:s19], [sflag:$0x3] =	stream.linear.gather [spmem:s9], $0x4000, $0x38;
	[tilespmem:$0x1A800] =	vst v63  }
0x63: {  	_ =	swait.ge [sflag:s18], $0x4000  }
0x64: {  	[sflag:s18] =	ssyncset.done $0x0  }
0x65: {  	[sflag:s18] =	ssyncadd.s32 $0xFFFFC000  }
0x66: {  	[hbm4b:s14+s3] =	stream.linear.scatter [tilespmem:s19], [sflag:$0x3], $0x4000, $0x38;
	[tilespmem:$0x1A800] =	vst v63  }
0x67: {  	_ =	swait.ge [sflag:s18], $0x4000  }
0x68: {  	[sflag:s18] =	ssyncset.done $0x0  }
0x69: {  	[sflag:s18] =	ssyncadd.s32 $0xFFFFC000  }
0x6a: {  	[tilespmem:s19], [sflag:$0x3] =	stream.linear.gather [spmem:s10], $0x4000, $0x38;
	[tilespmem:$0x1A800] =	vst v63  }
0x6b: {  	_ =	swait.ge [sflag:s18], $0x4000  }
0x6c: {  	[sflag:s18] =	ssyncset.done $0x0  }
0x6d: {  	[sflag:s18] =	ssyncadd.s32 $0xFFFFC000  }
0x6e: {  	[hbm4b:s15+s3] =	stream.linear.scatter [tilespmem:s19], [sflag:$0x3], $0x4000, $0x38;
	[tilespmem:$0x1A800] =	vst v63  }
0x6f: {  	_ =	swait.ge [sflag:s18], $0x4000  }
0x70: {  	[sflag:s18] =	ssyncset.done $0x0  }
0x71: {  	[sflag:s18] =	ssyncadd.s32 $0xFFFFC000  }
0x72: {  	[tilespmem:s19], [sflag:$0x3] =	stream.linear.gather [spmem:s11], $0x4000, $0x38;
	[tilespmem:$0x1A800] =	vst v63  }
0x73: {  	_ =	swait.ge [sflag:s18], $0x4000  }
0x74: {  	[sflag:s18] =	ssyncset.done $0x0  }
0x75: {  	[sflag:s18] =	ssyncadd.s32 $0xFFFFC000  }
0x76: {  	[hbm4b:s16+s3] =	stream.linear.scatter [tilespmem:s19], [sflag:$0x3], $0x4000, $0x38;
	[tilespmem:$0x1A800] =	vst v63  }
0x77: {  	_ =	swait.ge [sflag:s18], $0x4000  }
0x78: {  	[sflag:s18] =	ssyncset.done $0x0  }
0x79: {  	[sflag:s18] =	ssyncadd.s32 $0xFFFFC000  }
0x7a: {  	[tilespmem:s19], [sflag:$0x3] =	stream.linear.gather [spmem:s12], $0x4000, $0x38;
	[tilespmem:$0x1A800] =	vst v63  }
0x7b: {  	s24 =	sadd.s32 $0x1, s24;
	_ =	swait.ge [sflag:s18], $0x4000  }
0x7c: {  	p0 =	sne.s32 s24, s8;
	[sflag:s18] =	ssyncset.done $0x0  }
.Ltmp1:
0x7d: {  	[sflag:s18] =	ssyncadd.s32 $0xFFFFC000;
	(pc) =	sbr.rel @p0 .LBB2_1-.Ltmp1, $4  }
0x7e: {  	[hbm4b:s17+s3] =	stream.linear.scatter [tilespmem:s19], [sflag:$0x3], $0x4000, $0x38;
	[tilespmem:$0x1A800] =	vst v63  }
0x7f: {  	_ =	swait.ge [sflag:s18], $0x4000  }
0x80: {  	[sflag:s18] =	ssyncset.done $0x0  }
0x81: {  	[sflag:s18] =	ssyncadd.s32 $0xFFFFC000  }
0x82: {  	_ =	sfence.sel $0x180000  }
0x83: {  	[bflag:$0x0] =	sbarrier.arrive $0xFFFF  }
0x84: {  	p0 =	sne.s32 s1, $0x0;
	_ =	strace $0x90000047  }
0x85: {  	s0 =	sadd.s32 @!p0 $0x100000, s0;
	[bflag:$0x2] =	sbarrier.arrive $0xFFFF  }
0x86: {  	[sflag:s0] =	ssyncadd.tile.s32 @!p0 $0x1;
	_ =	shalt  }
.Lfunc_end2:
_tile_overlayer_lowered:
.L_overlay_start_2:
0x87: {  	(tag) =	ssettag $0x2  }
0x88: {  	s0 =	rddreg [dreg:$0x0];
	s2 =	stileid.u32  }
0x89: {  	s1 =	rddreg [dreg:$0x1];
	p0 =	sne.s32 s2, $0x0  }
0x8a: {  	s3 =	rddreg [dreg:$0x2];
	[bflag:$0x3] =	sbarrier.arrive $0xFFFF;
	s2 =	simm.s32 @!p0 $0x1C03  }
0x8b: {  	[timem:s3], [sflag:s2] =	dma.local @!p0 [hbm:s0], s1  }
0x8c: {  	s0 =	simm.s32 @!p0 $0x3  }
0x8d: {  	_ =	swait.ge @!p0 [sflag:s0], s1  }
0x8e: {  	s1 =	ssub.s32 @!p0 $0x0, s1;
	[sflag:s0] =	ssyncset.done @!p0 $0x0  }
0x8f: {  	[sflag:s0] =	ssyncadd.s32 @!p0 s1  }
0x90: {  	[bflag:$0x3] =	sbarrier.arrive $0xFFFF  }
0x91: {  	_ =	shalt  }

// kernel: kernel.13.cloned.1.call-start
scs
__scs_entry_jumppad:
0x0: {  	(pc) =	sbr.rel $0x88, $3  }
0x1: {  	(tag) =	ssettag $0x0;
	lr =	simm.s32 $0x1  }
0x2: {  	[smem:$0x3F99] =	sst lr;
	_ =	strace $0xD0000000  }
0x3: {  	_ = 	snop  }
0x4: {  	_ = 	snop  }
0x5: {  	_ = 	snop  }
0x6: {  	_ = 	snop  }
0x7: {  	_ = 	snop  }
__scs_overlays_trampoline_lowered:
0x8: {  	[smem:$0x3FA8] =	sst s0  }
0x9: {  	[smem:$0x3FA9] =	sst s1  }
0xa: {  	[smem:$0x3FAA] =	sst s2  }
0xb: {  	[smem:$0x3FAB] =	sst s3  }
0xc: {  	[smem:$0x3FAC] =	sst s4  }
0xd: {  	[smem:$0x3FAD] =	sst s5  }
0xe: {  	[smem:$0x3FAE] =	sst s6  }
0xf: {  	[smem:$0x3FAF] =	sst s7  }
0x10: {  	[smem:$0x3FB0] =	sst s8  }
0x11: {  	[smem:$0x3FB1] =	sst s9;
	s0 =	simm.s32 @!p0 $0x0  }
0x12: {  	s1 =	sld [smem:$0x3F97];
	s0 =	simm.s32 @p0 $0x1  }
0x13: {  	[smem:$0x3FB2] =	sst s0;
	s0 =	simm.s32 @!p1 $0x0  }
0x14: {  	s2 =	sld [smem:$0x3F96];
	s0 =	simm.s32 @p1 $0x1  }
0x15: {  	[smem:$0x3FB3] =	sst s0;
	s0 =	simm.s32 @!p2 $0x0  }
0x16: {  	s3 =	sld [smem:$0x3FDB];
	s0 =	simm.s32 @p2 $0x1  }
0x17: {  	s4 =	simm.s32 $0x1BF5;
	[smem:$0x3FB5] =	sst s0  }
0x18: {  	s0 =	sld [smem:$0x3F98];
	_ =	swait.ge [sflag:s4], $0x0  }
0x19: {  	s7 =	sld [smem:$0x3F99]  }
0x1a: {  	s8 =	sadd.s32 $0xFFFFE003, lr  }
0x1b: {  	s9 =	sadd.s32 $0xFFFFFEF7, lr;
	s5 =	simm.s32 $0xFFFFFFFF;
	p2 =	slt.u32 s8, $0xFFFFF086  }
0x1c: {  	p1 =	slt.u32 s9, $0xF7A;
	s5 =	simm.s32 @!p2 $0x0  }
0x1d: {  	s5 =	simm.s32 @p1 $0x1;
	p0 =	seq.s32 s7, s2  }
0x1e: {  	s7 =	smul.u32 @!p0 $0xF7A, s2;
	p2 =	seq.s32 @!p0 s5, $0x0  }
0x1f: {  	s9 =	smul.u32 $0xF7A, s1;
	s8 =	simm.s32 @!p0 $0x1BF5;
	p2 =	por !p2, p0  }
0x20: {  	[sflag:s8] =	ssyncset.s32 @!p0 $0xFFFFF086;
	s6 =	sadd.s32 @!p0 s3, s7;
	s7 =	simm.s32 @!p0 $0x108  }
0x21: {  	s3 =	sadd.s32 s3, s9;
	s6 =	sadd.s32 @!p0 $0x88, s6;
	s7 =	simm.s32 @p2 $0x1082  }
0x22: {  	[simem:s7], [sflag:s8] =	dma.local @!p0 [hbm:s6], $0xF7A  }
0x23: {  	s9 =	sor.u32 $0xD0000000, s2;
	s6 =	simm.s32 $0x108;
	_ =	swait.ge @!p0 [sflag:s8], $0x0  }
0x24: {  	s3 =	sadd.s32 $0x88, s3;
	s6 =	simm.s32 @!p1 $0x1082;
	[sflag:s4] =	ssyncset.s32 $0xFFFFF086  }
0x25: {  	[simem:s6], [sflag:s4] =	dma.local [hbm:s3], $0xF7A  }
0x26: {  	[smem:$0x3F99] =	sst s1;
	(tag) =	ssettag s2;
	_ =	strace s9  }
0x27: {  	s1 =	sld [smem:$0x3FA9]  }
0x28: {  	s2 =	sld [smem:$0x3FAA]  }
0x29: {  	s4 =	sld [smem:$0x3FAC]  }
0x2a: {  	p0 =	seq.s32 s5, $0x0;
	s5 =	sld [smem:$0x3FAD]  }
0x2b: {  	s6 =	sld [smem:$0x3FAE]  }
0x2c: {  	s7 =	sld [smem:$0x3FAF]  }
0x2d: {  	s3 =	simm.s32 $0x108;
	s8 =	sld [smem:$0x3FB0]  }
0x2e: {  	s3 =	simm.s32 @!p0 $0x1082;
	s9 =	sld [smem:$0x3FB1]  }
0x2f: {  	lr =	sadd.s32 s0, s3;
	s0 =	sld [smem:$0x3FA8]  }
0x30: {  	s3 =	sld [smem:$0x3FAB]  }
0x31: {  	[smem:$0x3FB4] =	sst s10  }
0x32: {  	s10 =	sld [smem:$0x3FB2];
	_ =	sdelay $0x3  }
0x33: {  	p0 =	seq.s32 s10, $0x1;
	s10 =	sld [smem:$0x3FB4];
	_ =	sdelay $0x3  }
0x34: {  	[smem:$0x3FB4] =	sst s10  }
0x35: {  	s10 =	sld [smem:$0x3FB3];
	_ =	sdelay $0x3  }
0x36: {  	p1 =	seq.s32 s10, $0x1;
	s10 =	sld [smem:$0x3FB4];
	_ =	sdelay $0x3  }
0x37: {  	[smem:$0x3FB4] =	sst s10  }
0x38: {  	s10 =	sld [smem:$0x3FB5]  }
0x39: {  	_ = 	snop;
	(pc) =	sbr.ind lr, $3  }
0x3a: {  	_ = 	snop  }
0x3b: {  	_ = 	snop  }
0x3c: {  	p2 =	seq.s32 s10, $0x1;
	s10 =	sld [smem:$0x3FB4]  }
0x3d: {  	_ =	shalt  }
0x3e: {  	_ =	shalt  }
0x3f: {  	_ =	shalt  }
0x40: {  	_ =	shalt  }
0x41: {  	_ =	shalt  }
0x42: {  	_ =	shalt  }
0x43: {  	_ =	shalt  }
0x44: {  	_ =	shalt  }
0x45: {  	_ =	shalt  }
0x46: {  	_ =	shalt  }
0x47: {  	_ =	shalt  }
0x48: {  	_ =	shalt  }
0x49: {  	_ =	shalt  }
0x4a: {  	_ =	shalt  }
0x4b: {  	_ =	shalt  }
0x4c: {  	_ =	shalt  }
0x4d: {  	_ =	shalt  }
0x4e: {  	_ =	shalt  }
0x4f: {  	_ =	shalt  }
0x50: {  	_ =	shalt  }
0x51: {  	_ =	shalt  }
0x52: {  	_ =	shalt  }
0x53: {  	_ =	shalt  }
0x54: {  	_ =	shalt  }
0x55: {  	_ =	shalt  }
0x56: {  	_ =	shalt  }
0x57: {  	_ =	shalt  }
0x58: {  	_ =	shalt  }
0x59: {  	_ =	shalt  }
0x5a: {  	_ =	shalt  }
0x5b: {  	_ =	shalt  }
0x5c: {  	_ =	shalt  }
0x5d: {  	_ =	shalt  }
0x5e: {  	_ =	shalt  }
0x5f: {  	_ =	shalt  }
0x60: {  	_ =	shalt  }
0x61: {  	_ =	shalt  }
0x62: {  	_ =	shalt  }
0x63: {  	_ =	shalt  }
0x64: {  	_ =	shalt  }
0x65: {  	_ =	shalt  }
0x66: {  	_ =	shalt  }
0x67: {  	_ =	shalt  }
0x68: {  	_ =	shalt  }
0x69: {  	_ =	shalt  }
0x6a: {  	_ =	shalt  }
0x6b: {  	_ =	shalt  }
0x6c: {  	_ =	shalt  }
0x6d: {  	_ =	shalt  }
0x6e: {  	_ =	shalt  }
0x6f: {  	_ =	shalt  }
0x70: {  	_ =	shalt  }
0x71: {  	_ =	shalt  }
0x72: {  	_ =	shalt  }
0x73: {  	_ =	shalt  }
0x74: {  	_ =	shalt  }
0x75: {  	_ =	shalt  }
0x76: {  	_ =	shalt  }
0x77: {  	_ =	shalt  }
0x78: {  	_ =	shalt  }
0x79: {  	_ =	shalt  }
0x7a: {  	_ =	shalt  }
0x7b: {  	_ =	shalt  }
0x7c: {  	_ =	shalt  }
0x7d: {  	_ =	shalt  }
0x7e: {  	_ =	shalt  }
0x7f: {  	_ =	shalt  }
0x80: {  	_ =	shalt  }
0x81: {  	_ =	shalt  }
0x82: {  	_ =	shalt  }
0x83: {  	_ =	shalt  }
0x84: {  	_ =	shalt  }
0x85: {  	_ =	shalt  }
0x86: {  	_ =	shalt  }
0x87: {  	_ =	shalt  }
.Lfunc_end0:
.L_simem_size_0:
called_computation.2_lowered:
.L_overlay_start_0:
0x88: {  	s2 =	sld [smem:$0x3FD9]  }
0x89: {  	s3 =	sld [smem:$0x3FFE];
	_ =	sdelay $0x1  }
0x8a: {  	s1 =	srdreg.scid  }
0x8b: {  	s0 =	sand.u32 $0x1, s1  }
0x8c: {  	s17 =	sshll.u32 s0, $0xA;
	s2 =	sadd.s32 s3, s2  }
0x8d: {  	s2 =	sadd.s32 s2, s17  }
0x8e: {  	[smem:$0x3FC0] =	sst s2  }
0x8f: {  	_ = 	snop  }
0x90: {  	s2 =	sld [smem:$0x3FD0];
	(tm) =	ssettm $0x1  }
0x91: {  	s18 =	sld [smem:$0x3FFB];
	_ =	sdelay $0x3  }
0x92: {  	_ =	strace s18  }
0x93: {  	s3 =	sld [smem:$0x3FFC];
	_ =	sdelay $0x3  }
0x94: {  	_ =	strace s3  }
0x95: {  	s3 =	sld [smem:$0x3FFD];
	_ =	sdelay $0x3  }
0x96: {  	_ =	strace s3  }
0x97: {  	_ =	strace $0x8FFFFFFF  }
0x98: {  	s19 =	sld [smem:$0x3FDB];
	_ =	sdelay $0x1  }
0x99: {  	s4 =	simm.s32 $_scs_section_size  }
0x9a: {  	s5 =	simm.s32 $_size__tile_overlayer_lowered;
	s6 =	simm.s32 $_tile_overlayer_lowered  }
0x9b: {  	s22 =	simm.s32 $0x1BFF;
	s21 =	sshll.u32 s6, $0x1;
	s3 =	sadd.s32 s4, s19  }
0x9c: {  	s7 =	simm.s32 $0x0;
	s20 =	sshll.u32 s5, $0x1;
	s5 =	sadd.s32 s21, s3  }
0x9d: {  	[timem:s7], [sflag:s22] =	dma.local [hbm:s5], s20  }
0x9e: {  	_ =	swait.ge [sflag:s22], s20  }
0x9f: {  	s4 =	ssub.s32 $0x0, s20;
	[sflag:s22] =	ssyncset.done $0x0  }
0xa0: {  	[sflag:s22] =	ssyncadd.s32 s4;
	_ =	sdelay $0x1  }
0xa1: {  	s23 =	simm.s32 $0x1B8B  }
0xa2: {  	_ =	swait.ge [sflag:s23], $0x1  }
0xa3: {  	[sflag:s23] =	ssyncset.done $0x0  }
0xa4: {  	s25 =	simm.s32 $0x1B8E;
	s24 =	sld [smem:$0x3FFE];
	[sflag:s23] =	ssyncadd.s32 $0xFFFFFFFF  }
0xa5: {  	s26 =	simm.s32 $execute0_lowered;
	[smem:$0x3FD2] =	sst s25  }
0xa6: {  	s5 =	sshll.u32 s26, $0x1;
	_ =	strace $0x8000004C;
	[dreg:$0x1] =	wrdreg $0xFFFFFFFF  }
0xa7: {  	s28 =	simm.s32 $_size_execute0_lowered;
	s3 =	sadd.s32 s3, s5;
	[dreg:$0x0] =	wrdreg $0x0  }
0xa8: {  	s5 =	sshll.u32 s28, $0x1;
	[dreg:$0x2] =	wrdreg s3  }
0xa9: {  	[dreg:$0x3] =	wrdreg s5  }
0xaa: {  	[dreg:$0x4] =	wrdreg $0xC0  }
0xab: {  	_ =	task [dreg:s7], $0x5FFFF  }
0xac: {  	[dreg:$0x1] =	wrdreg $0xFFFFFFFF  }
0xad: {  	[dreg:$0x0] =	wrdreg $0x60  }
0xae: {  	[dreg:$0x2] =	wrdreg s2  }
0xaf: {  	[dreg:$0x3] =	wrdreg s24  }
0xb0: {  	[dreg:$0x4] =	wrdreg $0x82000  }
0xb1: {  	[dreg:$0x5] =	wrdreg $0x9  }
0xb2: {  	_ =	task.clear_ibuf [dreg:s7], $0x6FFFF;
	_ =	strace $0x9000004C  }
0xb3: {  	s29 =	simm.s32 $0x9;
	_ =	strace $0x8000004E  }
0xb4: {  	_ =	swait.ge [sflag:s29], $0x1  }
0xb5: {  	[sflag:s29] =	ssyncadd.s32 $0xFFFFFFFF  }
0xb6: {  	_ =	strace $0x9000004E  }
0xb7: {  	_ =	sfence  }
0xb8: {  	s30 =	sld [smem:$0x0];
	_ =	sdelay $0x2  }
0xb9: {  	s31 =	sshll.u32 s1, $0xD;
	s1 =	sshrl.u32 s1, $0x2  }
0xba: {  	s3 =	sand.u32 $0x4000, s31;
	s1 =	sadd.s32 s1, s30  }
0xbb: {  	s0 =	sor.u32 s3, s0;
	s1 =	sshll.u32 s1, $0x11  }
0xbc: {  	s0 =	sor.u32 s1, s0  }
0xbd: {  	s0 =	sadd.s32 $0x8F2B, s0  }
0xbe: {  	[sflag:s0] =	ssyncadd.remote.s32 $0x1  }
0xbf: {  	_ =	sfence.sel $0xFFFF  }
0xc0: {  	[dreg:$0x0] =	wrdreg $0xFFFFFFFF;
	(pc) =	sbr.abs _section_cstart, $3  }
0xc1: {  	[dreg:$0x1] =	wrdreg $0xFFFFFFFF  }
0xc2: {  	_ =	task.clear_ibuf [dreg:s7], $0x2FFFF;
	_ =	strace $0x9FFFFFFF  }
0xc3: {  	(tm) =	ssettm $0x7FFFFFFF  }
tec
execute0_lowered:
.L_overlay_start_1:
0x0: {  	(tag) =	ssettag $0x1  }
0x1: {  	s1 =	rddreg [dreg:$0x0]  }
0x2: {  	s0 =	rddreg [dreg:$0x1]  }
0x3: {  	s3 =	rddreg [dreg:$0x2];
	s2 =	srdreg.scid  }
0x4: {  	s12 =	stileid.u32;
	s4 =	simm.s32 $0x0;
	s28 =	simm.s32 $0x1  }
0x5: {  	s29 =	simm.s32 $0x80;
	s30 =	simm.s32 $0x4200;
	s5 =	smul.u32 $0x280, s12  }
0x6: {  	s31 =	simm.s32 $0x140;
	s14 =	simm.s32 $0x0;
	s17 =	smul.u32 $0x50000, s12  }
0x7: {  	s2 =	sand.u32 $0x1, s2;
	[smem:$0x7FF] =	sst s4;
	s21 =	smul.u32 $0x4F00, s12  }
0x8: {  	s8 =	sadd.s32 $0x53000, s0;
	s9 =	sadd.s32 $0x2000, s0;
	s6 =	smul.u32 $0x2800, s2  }
0x9: {  	_ =	strace $0x8000004D;
	s7 =	sshll.u32 s2, $0x4;
	[dreg:$0x4] =	wrdreg s9  }
0xa: {  	s18 =	ssub.s32 $0x2, s2;
	s2 =	smul.u32 $0x4F000, s2;
	s9 =	simm.s32 $0x4  }
0xb: {  	s16 =	sor.u32 s12, s7;
	s19 =	sshrl.u32 s18, $0x1;
	s7 =	sshrl.u32 s17, $0x2  }
0xc: {  	s5 =	sadd.s32 s6, s5;
	s6 =	smul.u32 $0x4F00, s16;
	s2 =	sadd.s32 s21, s2  }
0xd: {  	s5 =	sshll.u32 s5, $0x4;
	s26 =	sadd.s32 $0x400, s2;
	s2 =	sadd.s32 $0x300, s2  }
0xe: {  	s0 =	sadd.s32 s5, s0;
	s10 =	sshrl.u32 s6, $0x3;
	s5 =	ssub.s32 s18, s19  }
0xf: {  	s6 =	sadd.s32 s7, s3;
	s2 =	sshrl.u32 s2, $0x3;
	s7 =	sadd.s32 s8, s10  }
0x10: {  	s5 =	smax.u32 s5, $0x1;
	s10 =	sadd.s32 $0x4000, s6;
	s11 =	sadd.s32 $0x8000, s6  }
0x11: {  	s12 =	sadd.s32 $0xC000, s6;
	s13 =	sadd.s32 $0x10000, s6;
	s23 =	sadd.s32 $0x66C00, s0  }
0x12: {  	s24 =	sadd.s32 $0x67400, s0;
	s25 =	sadd.s32 $0x67C00, s0;
	s18 =	sadd.s32 $0x68400, s0  }
0x13: {  	s19 =	sadd.s32 $0x68C00, s0;
	s21 =	sadd.s32 s2, s8;
	[dreg:$0x6] =	wrdreg s5  }
0x14: {  	s0 =	simm.s32 $0x6200;
	s2 =	simm.s32 $0x2;
	[dreg:$0x8] =	wrdreg s23  }
0x15: {  	s20 =	sadd.s32 $0x20, s7;
	s22 =	sadd.s32 $0x40, s7;
	[dreg:$0x9] =	wrdreg s24  }
0x16: {  	[dreg:$0xa] =	wrdreg s25;
	s5 =	sshrl.u32 s26, $0x3;
	s23 =	simm.s32 $0x5  }
0x17: {  	s24 =	simm.s32 $0x40;
	s25 =	simm.s32 $0x2200;
	[dreg:$0x5] =	wrdreg s20  }
0x18: {  	s26 =	simm.s32 $0x100;
	[dreg:$0x7] =	wrdreg s22;
	s20 =	sadd.s32 s5, s8  }
0x19: {  	s22 =	simm.s32 $0x200;
	s5 =	simm.s32 $0x180;
	s8 =	simm.s32 $0x3  }
.LBB2_1:
0x1a: {  	s15 =	rddreg [dreg:$0x4]  }
0x1b: {  	[tilespmem:s22], [sflag:$0x5] =	stream.linear.gather [hbm4b:s15+s4], $0x4000, $0x38;
	[tilespmem:$0x1C200] =	vst v63  }
0x1c: {  	_ =	swait.ge [sflag:s23], $0x4000  }
0x1d: {  	[sflag:s23] =	ssyncset.done $0x0  }
0x1e: {  	[sflag:s23] =	ssyncadd.s32 $0xFFFFC000  }
0x1f: {  	[spmem:s6] =	stream.linear.scatter [tilespmem:s22], [sflag:$0x5], $0x4000, $0x38;
	[tilespmem:$0x1C200] =	vst v63  }
0x20: {  	_ =	swait.ge [sflag:s23], $0x4000  }
0x21: {  	[sflag:s23] =	ssyncset.done $0x0  }
0x22: {  	[sflag:s23] =	ssyncadd.s32 $0xFFFFC000  }
0x23: {  	[spmem:s10] =	stream.linear.scatter [tilespmem:s22], [sflag:$0x5], $0x4000, $0x38;
	[tilespmem:$0x1C200] =	vst v63  }
0x24: {  	_ =	swait.ge [sflag:s23], $0x4000  }
0x25: {  	[sflag:s23] =	ssyncset.done $0x0  }
0x26: {  	[sflag:s23] =	ssyncadd.s32 $0xFFFFC000  }
0x27: {  	[spmem:s11] =	stream.linear.scatter [tilespmem:s22], [sflag:$0x5], $0x4000, $0x38;
	[tilespmem:$0x1C200] =	vst v63  }
0x28: {  	_ =	swait.ge [sflag:s23], $0x4000  }
0x29: {  	[sflag:s23] =	ssyncset.done $0x0  }
0x2a: {  	[sflag:s23] =	ssyncadd.s32 $0xFFFFC000  }
0x2b: {  	[spmem:s12] =	stream.linear.scatter [tilespmem:s22], [sflag:$0x5], $0x4000, $0x38;
	[tilespmem:$0x1C200] =	vst v63  }
0x2c: {  	_ =	swait.ge [sflag:s23], $0x4000  }
0x2d: {  	[sflag:s23] =	ssyncset.done $0x0  }
0x2e: {  	[sflag:s23] =	ssyncadd.s32 $0xFFFFC000  }
0x2f: {  	[spmem:s13] =	stream.linear.scatter [tilespmem:s22], [sflag:$0x5], $0x4000, $0x38;
	[tilespmem:$0x1C200] =	vst v63  }
0x30: {  	_ =	swait.ge [sflag:s23], $0x4000  }
0x31: {  	[sflag:s23] =	ssyncset.done $0x0  }
0x32: {  	[sflag:s23] =	ssyncadd.s32 $0xFFFFC000  }
0x33: {  	[bflag:$0x0] =	sbarrier.arrive $0xFFFF  }
0x34: {  	[tilespmem:s4], [sflag:$0x5] =	stream.linear.gather [hbm4b:s7+s4], $0x100, $0x38;
	[tilespmem:$0x1C200] =	vst v63  }
0x35: {  	_ =	swait.ge [sflag:s23], $0x100  }
0x36: {  	[sflag:s23] =	ssyncset.done $0x0  }
0x37: {  	[sflag:s23] =	ssyncadd.s32 $0xFFFFFF00  }
0x38: {  	[tilespmem:s22], [sflag:$0x1] =	stream.indirect.gather [hbm4b:s1+s24], $0x80, s4, s24, $0xb8;
	[tilespmem:$0x1C200] =	vst v63  }
0x39: {  	_ = 	snop  }
0x3a: {  	[tilespmem:s25], [sflag:$0x1] =	stream.indirect.gather [hbm4b:s1+s24], $0x80, s24, s24, $0xb8;
	[tilespmem:$0x1C200] =	vst v63  }
0x3b: {  	s16 =	rddreg [dreg:$0x5]  }
0x3c: {  	[tilespmem:s26], [sflag:$0x5] =	stream.linear.gather [hbm4b:s16+s4], $0x100, $0x38;
	[tilespmem:$0x1C200] =	vst v63  }
0x3d: {  	_ =	swait.ge [sflag:s23], $0x100  }
0x3e: {  	[sflag:s23] =	ssyncset.done $0x0  }
0x3f: {  	[sflag:s23] =	ssyncadd.s32 $0xFFFFFF00  }
0x40: {  	_ =	swait.ge [sflag:s28], $0x2000  }
0x41: {  	[sflag:s28] =	ssyncset.done $0x0  }
0x42: {  	[sflag:s28] =	ssyncadd.s32 $0xFFFFE000  }
0x43: {  	_ =	swait.ge [sflag:s28], $0x2000  }
0x44: {  	[sflag:s28] =	ssyncset.done $0x0  }
0x45: {  	[sflag:s28] =	ssyncadd.s32 $0xFFFFE000  }
0x46: {  	[spmem:s3] =	stream.indirect.scatter.add.f32 [tilespmem:s22], [sflag:$0x3], $0x80, s29, s29, $0xb8;
	[tilespmem:$0x1C200] =	vst v63  }
0x47: {  	_ = 	snop  }
0x48: {  	[tilespmem:s30], [sflag:$0x2] =	stream.indirect.gather [hbm4b:s1+s24], $0x80, s26, s24, $0xb8;
	[tilespmem:$0x1C200] =	vst v63  }
0x49: {  	_ = 	snop  }
0x4a: {  	[tilespmem:s0], [sflag:$0x2] =	stream.indirect.gather [hbm4b:s1+s24], $0x80, s31, s24, $0xb8;
	[tilespmem:$0x1C200] =	vst v63  }
0x4b: {  	_ =	swait.ge [sflag:s2], $0x2000  }
0x4c: {  	[sflag:s2] =	ssyncset.done $0x0  }
0x4d: {  	[sflag:s2] =	ssyncadd.s32 $0xFFFFE000  }
0x4e: {  	_ =	swait.ge [sflag:s2], $0x2000  }
0x4f: {  	[sflag:s2] =	ssyncset.done $0x0  }
0x50: {  	[sflag:s2] =	ssyncadd.s32 $0xFFFFE000  }
0x51: {  	[spmem:s3] =	stream.indirect.scatter.add.f32 [tilespmem:s30], [sflag:$0x4], $0x80, s5, s29, $0xb8;
	[tilespmem:$0x1C200] =	vst v63  }
0x52: {  	_ =	swait.ge [sflag:s8], $0x4000  }
0x53: {  	[sflag:s8] =	ssyncset.done $0x0  }
0x54: {  	s17 =	rddreg [dreg:$0x7];
	[sflag:s8] =	ssyncadd.s32 $0xFFFFC000  }
0x55: {  	[tilespmem:s4], [sflag:$0x5] =	stream.linear.gather [hbm4b:s17+s4], $0x100, $0x38;
	[tilespmem:$0x1C200] =	vst v63  }
0x56: {  	_ =	swait.ge [sflag:s23], $0x100  }
0x57: {  	[sflag:s23] =	ssyncset.done $0x0  }
0x58: {  	[sflag:s23] =	ssyncadd.s32 $0xFFFFFF00  }
0x59: {  	[tilespmem:s22], [sflag:$0x1] =	stream.indirect.gather [hbm4b:s1+s24], $0x80, s4, s24, $0xb8;
	[tilespmem:$0x1C200] =	vst v63  }
0x5a: {  	_ = 	snop  }
0x5b: {  	[tilespmem:s25], [sflag:$0x1] =	stream.indirect.gather [hbm4b:s1+s24], $0x80, s24, s24, $0xb8;
	[tilespmem:$0x1C200] =	vst v63  }
0x5c: {  	_ =	swait.ge [sflag:s28], $0x2000  }
0x5d: {  	[sflag:s28] =	ssyncset.done $0x0  }
0x5e: {  	[sflag:s28] =	ssyncadd.s32 $0xFFFFE000  }
0x5f: {  	_ =	swait.ge [sflag:s28], $0x2000  }
0x60: {  	[sflag:s28] =	ssyncset.done $0x0  }
0x61: {  	[sflag:s28] =	ssyncadd.s32 $0xFFFFE000  }
0x62: {  	[spmem:s3] =	stream.indirect.scatter.add.f32 [tilespmem:s22], [sflag:$0x3], $0x80, s29, s29, $0xb8;
	[tilespmem:$0x1C200] =	vst v63  }
0x63: {  	_ =	swait.ge [sflag:s9], $0x4000  }
0x64: {  	[sflag:s9] =	ssyncset.done $0x0  }
0x65: {  	s16 =	sadd.s32 $0x0, s21;
	[sflag:s9] =	ssyncadd.s32 $0xFFFFC000  }
0x66: {  	[tilespmem:s26], [sflag:$0x5] =	stream.linear.gather [hbm4b:s16+s4], $0x100, $0x38;
	[tilespmem:$0x1C200] =	vst v63  }
0x67: {  	_ =	swait.ge [sflag:s23], $0x100  }
0x68: {  	[sflag:s23] =	ssyncset.done $0x0  }
0x69: {  	[sflag:s23] =	ssyncadd.s32 $0xFFFFFF00  }
0x6a: {  	[tilespmem:s30], [sflag:$0x2] =	stream.indirect.gather [hbm4b:s1+s24], $0x80, s26, s24, $0xb8;
	[tilespmem:$0x1C200] =	vst v63  }
0x6b: {  	_ = 	snop  }
0x6c: {  	[tilespmem:s0], [sflag:$0x2] =	stream.indirect.gather [hbm4b:s1+s24], $0x80, s31, s24, $0xb8;
	[tilespmem:$0x1C200] =	vst v63  }
0x6d: {  	_ =	swait.ge [sflag:s2], $0x2000  }
0x6e: {  	[sflag:s2] =	ssyncset.done $0x0  }
0x6f: {  	[sflag:s2] =	ssyncadd.s32 $0xFFFFE000  }
0x70: {  	_ =	swait.ge [sflag:s2], $0x2000  }
0x71: {  	[sflag:s2] =	ssyncset.done $0x0  }
0x72: {  	[sflag:s2] =	ssyncadd.s32 $0xFFFFE000  }
0x73: {  	[spmem:s3] =	stream.indirect.scatter.add.f32 [tilespmem:s30], [sflag:$0x4], $0x80, s5, s29, $0xb8;
	[tilespmem:$0x1C200] =	vst v63  }
0x74: {  	_ =	swait.ge [sflag:s8], $0x4000  }
0x75: {  	[sflag:s8] =	ssyncset.done $0x0  }
0x76: {  	s17 =	sadd.s32 $0x0, s20;
	[sflag:s8] =	ssyncadd.s32 $0xFFFFC000  }
0x77: {  	[tilespmem:s4], [sflag:$0x5] =	stream.linear.gather [hbm4b:s17+s4], $0x100, $0x38;
	[tilespmem:$0x1C200] =	vst v63  }
0x78: {  	_ =	swait.ge [sflag:s23], $0x100  }
0x79: {  	[sflag:s23] =	ssyncset.done $0x0  }
0x7a: {  	s15 =	simm.s32 $0x40;
	[sflag:s23] =	ssyncadd.s32 $0xFFFFFF00  }
0x7b: {  	[tilespmem:s22], [sflag:$0x1] =	stream.indirect.gather [hbm4b:s1+s24], $0x80, s4, s24, $0xb8;
	[tilespmem:$0x1C200] =	vst v63  }
.LBB2_2:
0x7c: {  	[tilespmem:s25], [sflag:$0x1] =	stream.indirect.gather [hbm4b:s1+s24], $0x80, s24, s24, $0xb8;
	[tilespmem:$0x1C200] =	vst v63  }
0x7d: {  	s16 =	smov.u32 s15  }
0x7e: {  	p0 =	sne.s32 s15, $0x940;
	s15 =	sadd.s32 $0x40, s15;
	_ =	swait.ge [sflag:s28], $0x2000  }
0x7f: {  	[sflag:s28] =	ssyncset.done $0x0  }
0x80: {  	[sflag:s28] =	ssyncadd.s32 $0xFFFFE000  }
0x81: {  	_ =	swait.ge [sflag:s28], $0x2000  }
0x82: {  	[sflag:s28] =	ssyncset.done $0x0  }
0x83: {  	[sflag:s28] =	ssyncadd.s32 $0xFFFFE000  }
0x84: {  	[spmem:s3] =	stream.indirect.scatter.add.f32 [tilespmem:s22], [sflag:$0x3], $0x80, s29, s29, $0xb8;
	[tilespmem:$0x1C200] =	vst v63  }
0x85: {  	_ =	swait.ge [sflag:s9], $0x4000  }
0x86: {  	[sflag:s9] =	ssyncset.done $0x0  }
0x87: {  	s17 =	sadd.s32 s16, s21;
	[sflag:s9] =	ssyncadd.s32 $0xFFFFC000  }
0x88: {  	[tilespmem:s26], [sflag:$0x5] =	stream.linear.gather [hbm4b:s17+s4], $0x100, $0x38;
	[tilespmem:$0x1C200] =	vst v63  }
0x89: {  	_ =	swait.ge [sflag:s23], $0x100  }
0x8a: {  	[sflag:s23] =	ssyncset.done $0x0  }
0x8b: {  	[sflag:s23] =	ssyncadd.s32 $0xFFFFFF00  }
0x8c: {  	[tilespmem:s30], [sflag:$0x2] =	stream.indirect.gather [hbm4b:s1+s24], $0x80, s26, s24, $0xb8;
	[tilespmem:$0x1C200] =	vst v63  }
0x8d: {  	_ = 	snop  }
0x8e: {  	[tilespmem:s0], [sflag:$0x2] =	stream.indirect.gather [hbm4b:s1+s24], $0x80, s31, s24, $0xb8;
	[tilespmem:$0x1C200] =	vst v63  }
0x8f: {  	_ =	swait.ge [sflag:s2], $0x2000  }
0x90: {  	[sflag:s2] =	ssyncset.done $0x0  }
0x91: {  	[sflag:s2] =	ssyncadd.s32 $0xFFFFE000  }
0x92: {  	_ =	swait.ge [sflag:s2], $0x2000  }
0x93: {  	[sflag:s2] =	ssyncset.done $0x0  }
0x94: {  	[sflag:s2] =	ssyncadd.s32 $0xFFFFE000  }
0x95: {  	[spmem:s3] =	stream.indirect.scatter.add.f32 [tilespmem:s30], [sflag:$0x4], $0x80, s5, s29, $0xb8;
	[tilespmem:$0x1C200] =	vst v63  }
0x96: {  	_ =	swait.ge [sflag:s8], $0x4000  }
0x97: {  	[sflag:s8] =	ssyncset.done $0x0  }
0x98: {  	s16 =	sadd.s32 s16, s20;
	[sflag:s8] =	ssyncadd.s32 $0xFFFFC000  }
0x99: {  	[tilespmem:s4], [sflag:$0x5] =	stream.linear.gather [hbm4b:s16+s4], $0x100, $0x38;
	[tilespmem:$0x1C200] =	vst v63  }
.Ltmp0:
0x9a: {  	_ = 	snop;
	(pc) =	sbr.rel @p0 .LBB2_2-.Ltmp0, $4  }
0x9b: {  	_ =	swait.ge [sflag:s23], $0x100  }
0x9c: {  	[sflag:s23] =	ssyncset.done $0x0  }
0x9d: {  	[sflag:s23] =	ssyncadd.s32 $0xFFFFFF00  }
0x9e: {  	[tilespmem:s22], [sflag:$0x1] =	stream.indirect.gather [hbm4b:s1+s24], $0x80, s4, s24, $0xb8;
	[tilespmem:$0x1C200] =	vst v63  }
0x9f: {  	[tilespmem:s25], [sflag:$0x1] =	stream.indirect.gather [hbm4b:s1+s24], $0x80, s24, s24, $0xb8;
	[tilespmem:$0x1C200] =	vst v63  }
0xa0: {  	_ =	swait.ge [sflag:s28], $0x2000  }
0xa1: {  	[sflag:s28] =	ssyncset.done $0x0  }
0xa2: {  	[sflag:s28] =	ssyncadd.s32 $0xFFFFE000  }
0xa3: {  	_ =	swait.ge [sflag:s28], $0x2000  }
0xa4: {  	[sflag:s28] =	ssyncset.done $0x0  }
0xa5: {  	[sflag:s28] =	ssyncadd.s32 $0xFFFFE000  }
0xa6: {  	_ =	swait.ge [sflag:s9], $0x4000  }
0xa7: {  	[sflag:s9] =	ssyncset.done $0x0  }
0xa8: {  	[sflag:s9] =	ssyncadd.s32 $0xFFFFC000  }
0xa9: {  	[spmem:s3] =	stream.indirect.scatter.add.f32 [tilespmem:s22], [sflag:$0x5], $0x80, s29, s29, $0xb8;
	[tilespmem:$0x1C200] =	vst v63  }
0xaa: {  	_ =	swait.ge [sflag:s23], $0x4000  }
0xab: {  	[sflag:s23] =	ssyncset.done $0x0  }
0xac: {  	[sflag:s23] =	ssyncadd.s32 $0xFFFFC000  }
0xad: {  	[bflag:$0x0] =	sbarrier.arrive $0xFFFF  }
0xae: {  	[tilespmem:s22], [sflag:$0x5] =	stream.linear.gather [spmem:s6], $0x4000, $0x38;
	[tilespmem:$0x1C200] =	vst v63  }
0xaf: {  	_ =	swait.ge [sflag:s23], $0x4000  }
0xb0: {  	[sflag:s23] =	ssyncset.done $0x0  }
0xb1: {  	s15 =	rddreg [dreg:$0x8];
	[sflag:s23] =	ssyncadd.s32 $0xFFFFC000  }
0xb2: {  	[hbm4b:s15+s4] =	stream.linear.scatter [tilespmem:s22], [sflag:$0x5], $0x4000, $0x38;
	[tilespmem:$0x1C200] =	vst v63  }
0xb3: {  	_ =	swait.ge [sflag:s23], $0x4000  }
0xb4: {  	[sflag:s23] =	ssyncset.done $0x0  }
0xb5: {  	[sflag:s23] =	ssyncadd.s32 $0xFFFFC000  }
0xb6: {  	[tilespmem:s22], [sflag:$0x5] =	stream.linear.gather [spmem:s10], $0x4000, $0x38;
	[tilespmem:$0x1C200] =	vst v63  }
0xb7: {  	_ =	swait.ge [sflag:s23], $0x4000  }
0xb8: {  	[sflag:s23] =	ssyncset.done $0x0  }
0xb9: {  	s17 =	rddreg [dreg:$0x9];
	[sflag:s23] =	ssyncadd.s32 $0xFFFFC000  }
0xba: {  	[hbm4b:s17+s4] =	stream.linear.scatter [tilespmem:s22], [sflag:$0x5], $0x4000, $0x38;
	[tilespmem:$0x1C200] =	vst v63  }
0xbb: {  	_ =	swait.ge [sflag:s23], $0x4000  }
0xbc: {  	[sflag:s23] =	ssyncset.done $0x0  }
0xbd: {  	[sflag:s23] =	ssyncadd.s32 $0xFFFFC000  }
0xbe: {  	[tilespmem:s22], [sflag:$0x5] =	stream.linear.gather [spmem:s11], $0x4000, $0x38;
	[tilespmem:$0x1C200] =	vst v63  }
0xbf: {  	_ =	swait.ge [sflag:s23], $0x4000  }
0xc0: {  	[sflag:s23] =	ssyncset.done $0x0  }
0xc1: {  	s16 =	rddreg [dreg:$0xa];
	[sflag:s23] =	ssyncadd.s32 $0xFFFFC000  }
0xc2: {  	[hbm4b:s16+s4] =	stream.linear.scatter [tilespmem:s22], [sflag:$0x5], $0x4000, $0x38;
	[tilespmem:$0x1C200] =	vst v63  }
0xc3: {  	_ =	swait.ge [sflag:s23], $0x4000  }
0xc4: {  	[sflag:s23] =	ssyncset.done $0x0  }
0xc5: {  	[sflag:s23] =	ssyncadd.s32 $0xFFFFC000  }
0xc6: {  	[tilespmem:s22], [sflag:$0x5] =	stream.linear.gather [spmem:s12], $0x4000, $0x38;
	[tilespmem:$0x1C200] =	vst v63  }
0xc7: {  	_ =	swait.ge [sflag:s23], $0x4000  }
0xc8: {  	[sflag:s23] =	ssyncset.done $0x0  }
0xc9: {  	[sflag:s23] =	ssyncadd.s32 $0xFFFFC000  }
0xca: {  	[hbm4b:s18+s4] =	stream.linear.scatter [tilespmem:s22], [sflag:$0x5], $0x4000, $0x38;
	[tilespmem:$0x1C200] =	vst v63  }
0xcb: {  	_ =	swait.ge [sflag:s23], $0x4000  }
0xcc: {  	[sflag:s23] =	ssyncset.done $0x0  }
0xcd: {  	[sflag:s23] =	ssyncadd.s32 $0xFFFFC000  }
0xce: {  	[tilespmem:s22], [sflag:$0x5] =	stream.linear.gather [spmem:s13], $0x4000, $0x38;
	[tilespmem:$0x1C200] =	vst v63  }
0xcf: {  	_ =	swait.ge [sflag:s23], $0x4000  }
0xd0: {  	[sflag:s23] =	ssyncset.done $0x0  }
0xd1: {  	[sflag:s23] =	ssyncadd.s32 $0xFFFFC000  }
0xd2: {  	[hbm4b:s19+s4] =	stream.linear.scatter [tilespmem:s22], [sflag:$0x5], $0x4000, $0x38;
	[tilespmem:$0x1C200] =	vst v63  }
0xd3: {  	_ =	swait.ge [sflag:s23], $0x4000  }
0xd4: {  	s14 =	sadd.s32 $0x1, s14;
	s17 =	rddreg [dreg:$0x6]  }
0xd5: {  	p0 =	sne.s32 s14, s17  }
.Ltmp1:
0xd6: {  	_ = 	snop;
	(pc) =	sbr.rel @p0 .LBB2_1-.Ltmp1, $3  }
0xd7: {  	_ =	sdelay $0x1  }
0xd8: {  	[sflag:s23] =	ssyncset.done $0x0  }
0xd9: {  	[sflag:s23] =	ssyncadd.s32 $0xFFFFC000  }
0xda: {  	_ =	sfence.sel $0x180000  }
0xdb: {  	[bflag:$0x0] =	sbarrier.arrive $0xFFFF  }
0xdc: {  	_ =	strace $0x9000004D  }
0xdd: {  	s0 =	stileid.u32;
	[bflag:$0x2] =	sbarrier.arrive $0xFFFF  }
0xde: {  	p0 =	sne.s32 s0, $0x0;
	s0 =	rddreg [dreg:$0x3]  }
0xdf: {  	s0 =	sadd.s32 @!p0 $0x100000, s0  }
0xe0: {  	[sflag:s0] =	ssyncadd.tile.s32 @!p0 $0x1;
	_ =	shalt  }
.Lfunc_end2:
_tile_overlayer_lowered:
.L_overlay_start_2:
0xe1: {  	(tag) =	ssettag $0x2  }
0xe2: {  	s0 =	rddreg [dreg:$0x0];
	s2 =	stileid.u32  }
0xe3: {  	s1 =	rddreg [dreg:$0x1];
	p0 =	sne.s32 s2, $0x0  }
0xe4: {  	s3 =	rddreg [dreg:$0x2];
	[bflag:$0x3] =	sbarrier.arrive $0xFFFF;
	s2 =	simm.s32 @!p0 $0x1C05  }
0xe5: {  	[timem:s3], [sflag:s2] =	dma.local @!p0 [hbm:s0], s1  }
0xe6: {  	s0 =	simm.s32 @!p0 $0x5  }
0xe7: {  	_ =	swait.ge @!p0 [sflag:s0], s1  }
0xe8: {  	s1 =	ssub.s32 @!p0 $0x0, s1;
	[sflag:s0] =	ssyncset.done @!p0 $0x0  }
0xe9: {  	[sflag:s0] =	ssyncadd.s32 @!p0 s1  }
0xea: {  	[bflag:$0x3] =	sbarrier.arrive $0xFFFF  }
0xeb: {  	_ =	shalt  }

// kernel: kernel.7.cloned.1.call-start
scs
__scs_entry_jumppad:
0x0: {  	(pc) =	sbr.rel $0x88, $3  }
0x1: {  	(tag) =	ssettag $0x0;
	lr =	simm.s32 $0x1  }
0x2: {  	[smem:$0x3F99] =	sst lr;
	_ =	strace $0xD0000000  }
0x3: {  	_ = 	snop  }
0x4: {  	_ = 	snop  }
0x5: {  	_ = 	snop  }
0x6: {  	_ = 	snop  }
0x7: {  	_ = 	snop  }
__scs_overlays_trampoline_lowered:
0x8: {  	[smem:$0x3FA8] =	sst s0  }
0x9: {  	[smem:$0x3FA9] =	sst s1  }
0xa: {  	[smem:$0x3FAA] =	sst s2  }
0xb: {  	[smem:$0x3FAB] =	sst s3  }
0xc: {  	[smem:$0x3FAC] =	sst s4  }
0xd: {  	[smem:$0x3FAD] =	sst s5  }
0xe: {  	[smem:$0x3FAE] =	sst s6  }
0xf: {  	[smem:$0x3FAF] =	sst s7  }
0x10: {  	[smem:$0x3FB0] =	sst s8  }
0x11: {  	[smem:$0x3FB1] =	sst s9;
	s0 =	simm.s32 @!p0 $0x0  }
0x12: {  	s1 =	sld [smem:$0x3F97];
	s0 =	simm.s32 @p0 $0x1  }
0x13: {  	[smem:$0x3FB2] =	sst s0;
	s0 =	simm.s32 @!p1 $0x0  }
0x14: {  	s2 =	sld [smem:$0x3F96];
	s0 =	simm.s32 @p1 $0x1  }
0x15: {  	[smem:$0x3FB3] =	sst s0;
	s0 =	simm.s32 @!p2 $0x0  }
0x16: {  	s3 =	sld [smem:$0x3FDB];
	s0 =	simm.s32 @p2 $0x1  }
0x17: {  	s4 =	simm.s32 $0x1BF5;
	[smem:$0x3FB5] =	sst s0  }
0x18: {  	s0 =	sld [smem:$0x3F98];
	_ =	swait.ge [sflag:s4], $0x0  }
0x19: {  	s7 =	sld [smem:$0x3F99]  }
0x1a: {  	s8 =	sadd.s32 $0xFFFFE003, lr  }
0x1b: {  	s9 =	sadd.s32 $0xFFFFFEF7, lr;
	s5 =	simm.s32 $0xFFFFFFFF;
	p2 =	slt.u32 s8, $0xFFFFF086  }
0x1c: {  	p1 =	slt.u32 s9, $0xF7A;
	s5 =	simm.s32 @!p2 $0x0  }
0x1d: {  	s5 =	simm.s32 @p1 $0x1;
	p0 =	seq.s32 s7, s2  }
0x1e: {  	s7 =	smul.u32 @!p0 $0xF7A, s2;
	p2 =	seq.s32 @!p0 s5, $0x0  }
0x1f: {  	s9 =	smul.u32 $0xF7A, s1;
	s8 =	simm.s32 @!p0 $0x1BF5;
	p2 =	por !p2, p0  }
0x20: {  	[sflag:s8] =	ssyncset.s32 @!p0 $0xFFFFF086;
	s6 =	sadd.s32 @!p0 s3, s7;
	s7 =	simm.s32 @!p0 $0x108  }
0x21: {  	s3 =	sadd.s32 s3, s9;
	s6 =	sadd.s32 @!p0 $0x88, s6;
	s7 =	simm.s32 @p2 $0x1082  }
0x22: {  	[simem:s7], [sflag:s8] =	dma.local @!p0 [hbm:s6], $0xF7A  }
0x23: {  	s9 =	sor.u32 $0xD0000000, s2;
	s6 =	simm.s32 $0x108;
	_ =	swait.ge @!p0 [sflag:s8], $0x0  }
0x24: {  	s3 =	sadd.s32 $0x88, s3;
	s6 =	simm.s32 @!p1 $0x1082;
	[sflag:s4] =	ssyncset.s32 $0xFFFFF086  }
0x25: {  	[simem:s6], [sflag:s4] =	dma.local [hbm:s3], $0xF7A  }
0x26: {  	[smem:$0x3F99] =	sst s1;
	(tag) =	ssettag s2;
	_ =	strace s9  }
0x27: {  	s1 =	sld [smem:$0x3FA9]  }
0x28: {  	s2 =	sld [smem:$0x3FAA]  }
0x29: {  	s4 =	sld [smem:$0x3FAC]  }
0x2a: {  	p0 =	seq.s32 s5, $0x0;
	s5 =	sld [smem:$0x3FAD]  }
0x2b: {  	s6 =	sld [smem:$0x3FAE]  }
0x2c: {  	s7 =	sld [smem:$0x3FAF]  }
0x2d: {  	s3 =	simm.s32 $0x108;
	s8 =	sld [smem:$0x3FB0]  }
0x2e: {  	s3 =	simm.s32 @!p0 $0x1082;
	s9 =	sld [smem:$0x3FB1]  }
0x2f: {  	lr =	sadd.s32 s0, s3;
	s0 =	sld [smem:$0x3FA8]  }
0x30: {  	s3 =	sld [smem:$0x3FAB]  }
0x31: {  	[smem:$0x3FB4] =	sst s10  }
0x32: {  	s10 =	sld [smem:$0x3FB2];
	_ =	sdelay $0x3  }
0x33: {  	p0 =	seq.s32 s10, $0x1;
	s10 =	sld [smem:$0x3FB4];
	_ =	sdelay $0x3  }
0x34: {  	[smem:$0x3FB4] =	sst s10  }
0x35: {  	s10 =	sld [smem:$0x3FB3];
	_ =	sdelay $0x3  }
0x36: {  	p1 =	seq.s32 s10, $0x1;
	s10 =	sld [smem:$0x3FB4];
	_ =	sdelay $0x3  }
0x37: {  	[smem:$0x3FB4] =	sst s10  }
0x38: {  	s10 =	sld [smem:$0x3FB5]  }
0x39: {  	_ = 	snop;
	(pc) =	sbr.ind lr, $3  }
0x3a: {  	_ = 	snop  }
0x3b: {  	_ = 	snop  }
0x3c: {  	p2 =	seq.s32 s10, $0x1;
	s10 =	sld [smem:$0x3FB4]  }
0x3d: {  	_ =	shalt  }
0x3e: {  	_ =	shalt  }
0x3f: {  	_ =	shalt  }
0x40: {  	_ =	shalt  }
0x41: {  	_ =	shalt  }
0x42: {  	_ =	shalt  }
0x43: {  	_ =	shalt  }
0x44: {  	_ =	shalt  }
0x45: {  	_ =	shalt  }
0x46: {  	_ =	shalt  }
0x47: {  	_ =	shalt  }
0x48: {  	_ =	shalt  }
0x49: {  	_ =	shalt  }
0x4a: {  	_ =	shalt  }
0x4b: {  	_ =	shalt  }
0x4c: {  	_ =	shalt  }
0x4d: {  	_ =	shalt  }
0x4e: {  	_ =	shalt  }
0x4f: {  	_ =	shalt  }
0x50: {  	_ =	shalt  }
0x51: {  	_ =	shalt  }
0x52: {  	_ =	shalt  }
0x53: {  	_ =	shalt  }
0x54: {  	_ =	shalt  }
0x55: {  	_ =	shalt  }
0x56: {  	_ =	shalt  }
0x57: {  	_ =	shalt  }
0x58: {  	_ =	shalt  }
0x59: {  	_ =	shalt  }
0x5a: {  	_ =	shalt  }
0x5b: {  	_ =	shalt  }
0x5c: {  	_ =	shalt  }
0x5d: {  	_ =	shalt  }
0x5e: {  	_ =	shalt  }
0x5f: {  	_ =	shalt  }
0x60: {  	_ =	shalt  }
0x61: {  	_ =	shalt  }
0x62: {  	_ =	shalt  }
0x63: {  	_ =	shalt  }
0x64: {  	_ =	shalt  }
0x65: {  	_ =	shalt  }
0x66: {  	_ =	shalt  }
0x67: {  	_ =	shalt  }
0x68: {  	_ =	shalt  }
0x69: {  	_ =	shalt  }
0x6a: {  	_ =	shalt  }
0x6b: {  	_ =	shalt  }
0x6c: {  	_ =	shalt  }
0x6d: {  	_ =	shalt  }
0x6e: {  	_ =	shalt  }
0x6f: {  	_ =	shalt  }
0x70: {  	_ =	shalt  }
0x71: {  	_ =	shalt  }
0x72: {  	_ =	shalt  }
0x73: {  	_ =	shalt  }
0x74: {  	_ =	shalt  }
0x75: {  	_ =	shalt  }
0x76: {  	_ =	shalt  }
0x77: {  	_ =	shalt  }
0x78: {  	_ =	shalt  }
0x79: {  	_ =	shalt  }
0x7a: {  	_ =	shalt  }
0x7b: {  	_ =	shalt  }
0x7c: {  	_ =	shalt  }
0x7d: {  	_ =	shalt  }
0x7e: {  	_ =	shalt  }
0x7f: {  	_ =	shalt  }
0x80: {  	_ =	shalt  }
0x81: {  	_ =	shalt  }
0x82: {  	_ =	shalt  }
0x83: {  	_ =	shalt  }
0x84: {  	_ =	shalt  }
0x85: {  	_ =	shalt  }
0x86: {  	_ =	shalt  }
0x87: {  	_ =	shalt  }
.Lfunc_end0:
.L_simem_size_0:
called_computation_lowered:
.L_overlay_start_0:
0x88: {  	s2 =	sld [smem:$0x3FD9]  }
0x89: {  	s3 =	sld [smem:$0x3FFE];
	_ =	sdelay $0x1  }
0x8a: {  	s1 =	srdreg.scid  }
0x8b: {  	s0 =	sand.u32 $0x1, s1  }
0x8c: {  	s17 =	sshll.u32 s0, $0xA;
	s2 =	sadd.s32 s3, s2  }
0x8d: {  	s2 =	sadd.s32 s2, s17  }
0x8e: {  	[smem:$0x3FC0] =	sst s2  }
0x8f: {  	_ = 	snop  }
0x90: {  	s18 =	sld [smem:$0x3FC9];
	(tm) =	ssettm $0x1  }
0x91: {  	s19 =	sld [smem:$0x3FFB];
	_ =	sdelay $0x3  }
0x92: {  	_ =	strace s19  }
0x93: {  	s2 =	sld [smem:$0x3FFC];
	_ =	sdelay $0x3  }
0x94: {  	_ =	strace s2  }
0x95: {  	s2 =	sld [smem:$0x3FFD];
	_ =	sdelay $0x3  }
0x96: {  	_ =	strace s2  }
0x97: {  	_ =	strace $0x8FFFFFFF  }
0x98: {  	s20 =	sld [smem:$0x3FDB];
	_ =	sdelay $0x1  }
0x99: {  	s4 =	simm.s32 $_scs_section_size  }
0x9a: {  	s5 =	simm.s32 $_size__tile_overlayer_lowered;
	s6 =	simm.s32 $_tile_overlayer_lowered  }
0x9b: {  	s7 =	simm.s32 $0x1BFF;
	s21 =	sshll.u32 s6, $0x1;
	s4 =	sadd.s32 s4, s20  }
0x9c: {  	s22 =	simm.s32 $0x0;
	s5 =	sshll.u32 s5, $0x1;
	s6 =	sadd.s32 s21, s4  }
0x9d: {  	[timem:s22], [sflag:s7] =	dma.local [hbm:s6], s5  }
0x9e: {  	_ =	swait.ge [sflag:s7], s5  }
0x9f: {  	s5 =	ssub.s32 $0x0, s5;
	[sflag:s7] =	ssyncset.done $0x0  }
0xa0: {  	[sflag:s7] =	ssyncadd.s32 s5;
	_ =	sdelay $0x1  }
0xa1: {  	s23 =	simm.s32 $0x1B8B  }
0xa2: {  	_ =	swait.ge [sflag:s23], $0x1  }
0xa3: {  	[sflag:s23] =	ssyncset.done $0x0  }
0xa4: {  	[sflag:s23] =	ssyncadd.s32 $0xFFFFFFFF  }
0xa5: {  	s5 =	sld [smem:$0x0]  }
0xa6: {  	s6 =	sand.u32 $0xFFFFFFFE, s1  }
0xa7: {  	p0 =	sne.s32 s1, s6  }
0xa8: {  	s6 =	sshll.u32 @p0 s6, $0xE  }
0xa9: {  	s6 =	sadd.s32 @p0 $0x11B8D, s6;
	s7 =	sshll.u32 @p0 s5, $0x11  }
0xaa: {  	s6 =	sor.u32 @p0 s7, s6  }
0xab: {  	[sflag:s6] =	ssyncadd.remote.s32 @p0 $0x1;
	_ =	sdelay $0x1  }
0xac: {  	s6 =	simm.s32 @p0 $0x1B8D  }
0xad: {  	_ =	swait.eq @p0 [sflag:s6], $0x1  }
0xae: {  	[sflag:s6] =	ssyncadd.s32 @p0 $0xFFFFFFFF  }
0xaf: {  	s7 =	sshll.u32 @!p0 s1, $0xE  }
0xb0: {  	s7 =	sor.u32 @!p0 $0x4000, s7;
	s6 =	simm.s32 @!p0 $0x1B8D  }
0xb1: {  	s5 =	sshll.u32 @!p0 s5, $0x11;
	s7 =	sadd.s32 @!p0 $0x11B8D, s7;
	_ =	swait.eq @!p0 [sflag:s6], $0x1  }
0xb2: {  	s5 =	sor.u32 @!p0 s5, s7;
	[sflag:s6] =	ssyncadd.s32 @!p0 $0xFFFFFFFF  }
0xb3: {  	s25 =	simm.s32 $0x1B8E;
	s24 =	sld [smem:$0x3FFE];
	[sflag:s5] =	ssyncadd.remote.s32 @!p0 $0x1  }
0xb4: {  	s26 =	simm.s32 $execute0_lowered;
	[smem:$0x3FD2] =	sst s25  }
0xb5: {  	s6 =	sshll.u32 s26, $0x1;
	_ =	strace $0x80000049;
	[dreg:$0x1] =	wrdreg $0xFFFFFFFF  }
0xb6: {  	s28 =	simm.s32 $_size_execute0_lowered;
	s4 =	sadd.s32 s4, s6;
	[dreg:$0x0] =	wrdreg $0x0  }
0xb7: {  	s6 =	sshll.u32 s28, $0x1;
	[dreg:$0x2] =	wrdreg s4  }
0xb8: {  	[dreg:$0x3] =	wrdreg s6  }
0xb9: {  	[dreg:$0x4] =	wrdreg $0xC0  }
0xba: {  	_ =	task [dreg:s22], $0x5FFFF  }
0xbb: {  	[dreg:$0x1] =	wrdreg $0xFFFFFFFF  }
0xbc: {  	[dreg:$0x0] =	wrdreg $0x60  }
0xbd: {  	[dreg:$0x2] =	wrdreg s18  }
0xbe: {  	[dreg:$0x3] =	wrdreg s24  }
0xbf: {  	[dreg:$0x4] =	wrdreg $0x82000  }
0xc0: {  	[dreg:$0x5] =	wrdreg $0x9  }
0xc1: {  	_ =	task.clear_ibuf [dreg:s22], $0x6FFFF;
	_ =	strace $0x90000049  }
0xc2: {  	s29 =	simm.s32 $0x9;
	_ =	strace $0x8000004B  }
0xc3: {  	_ =	swait.ge [sflag:s29], $0x1  }
0xc4: {  	[sflag:s29] =	ssyncadd.s32 $0xFFFFFFFF  }
0xc5: {  	_ =	strace $0x9000004B  }
0xc6: {  	_ =	sfence  }
0xc7: {  	s30 =	sld [smem:$0x0];
	_ =	sdelay $0x2  }
0xc8: {  	s31 =	sshll.u32 s1, $0xD;
	s1 =	sshrl.u32 s1, $0x2  }
0xc9: {  	s4 =	sand.u32 $0x4000, s31;
	s1 =	sadd.s32 s1, s30  }
0xca: {  	s0 =	sor.u32 s4, s0;
	s1 =	sshll.u32 s1, $0x11  }
0xcb: {  	s0 =	sor.u32 s1, s0  }
0xcc: {  	s0 =	sadd.s32 $0x8F2B, s0  }
0xcd: {  	[sflag:s0] =	ssyncadd.remote.s32 $0x1  }
0xce: {  	_ =	sfence.sel $0xFFFF  }
0xcf: {  	[dreg:$0x0] =	wrdreg $0xFFFFFFFF;
	(pc) =	sbr.abs _section_cstart, $3  }
0xd0: {  	[dreg:$0x1] =	wrdreg $0xFFFFFFFF  }
0xd1: {  	_ =	task.clear_ibuf [dreg:s22], $0x2FFFF;
	_ =	strace $0x9FFFFFFF  }
0xd2: {  	(tm) =	ssettm $0x7FFFFFFF  }
0xd3: {  	_ =	shalt  }
tec
execute0_lowered:
.L_overlay_start_1:
0x0: {  	(tag) =	ssettag $0x1  }
0x1: {  	s1 =	rddreg [dreg:$0x0]  }
0x2: {  	s0 =	rddreg [dreg:$0x1]  }
0x3: {  	s3 =	rddreg [dreg:$0x2];
	s2 =	srdreg.scid  }
0x4: {  	s12 =	stileid.u32;
	s4 =	simm.s32 $0x0;
	s28 =	simm.s32 $0x1  }
0x5: {  	s29 =	simm.s32 $0x80;
	s30 =	simm.s32 $0x4200;
	s5 =	smul.u32 $0x280, s12  }
0x6: {  	s31 =	simm.s32 $0x140;
	s14 =	simm.s32 $0x0;
	s17 =	smul.u32 $0x50000, s12  }
0x7: {  	s2 =	sand.u32 $0x1, s2;
	[smem:$0x7FF] =	sst s4;
	s21 =	smul.u32 $0x4F00, s12  }
0x8: {  	s8 =	sadd.s32 $0x53000, s0;
	s9 =	sadd.s32 $0x2000, s0;
	s6 =	smul.u32 $0x2800, s2  }
0x9: {  	_ =	strace $0x8000004A;
	s7 =	sshll.u32 s2, $0x4;
	[dreg:$0x4] =	wrdreg s9  }
0xa: {  	s18 =	ssub.s32 $0x2, s2;
	s2 =	smul.u32 $0x4F000, s2;
	s9 =	simm.s32 $0x4  }
0xb: {  	s16 =	sor.u32 s12, s7;
	s19 =	sshrl.u32 s18, $0x1;
	s7 =	sshrl.u32 s17, $0x2  }
0xc: {  	s5 =	sadd.s32 s6, s5;
	s6 =	smul.u32 $0x4F00, s16;
	s2 =	sadd.s32 s21, s2  }
0xd: {  	s5 =	sshll.u32 s5, $0x4;
	s26 =	sadd.s32 $0x400, s2;
	s2 =	sadd.s32 $0x300, s2  }
0xe: {  	s0 =	sadd.s32 s5, s0;
	s10 =	sshrl.u32 s6, $0x3;
	s5 =	ssub.s32 s18, s19  }
0xf: {  	s6 =	sadd.s32 s7, s3;
	s2 =	sshrl.u32 s2, $0x3;
	s7 =	sadd.s32 s8, s10  }
0x10: {  	s5 =	smax.u32 s5, $0x1;
	s10 =	sadd.s32 $0x4000, s6;
	s11 =	sadd.s32 $0x8000, s6  }
0x11: {  	s12 =	sadd.s32 $0xC000, s6;
	s13 =	sadd.s32 $0x10000, s6;
	s23 =	sadd.s32 $0x66C00, s0  }
0x12: {  	s24 =	sadd.s32 $0x67400, s0;
	s25 =	sadd.s32 $0x67C00, s0;
	s18 =	sadd.s32 $0x68400, s0  }
0x13: {  	s19 =	sadd.s32 $0x68C00, s0;
	s21 =	sadd.s32 s2, s8;
	[dreg:$0x6] =	wrdreg s5  }
0x14: {  	s0 =	simm.s32 $0x6200;
	s2 =	simm.s32 $0x2;
	[dreg:$0x8] =	wrdreg s23  }
0x15: {  	s20 =	sadd.s32 $0x20, s7;
	s22 =	sadd.s32 $0x40, s7;
	[dreg:$0x9] =	wrdreg s24  }
0x16: {  	[dreg:$0xa] =	wrdreg s25;
	s5 =	sshrl.u32 s26, $0x3;
	s23 =	simm.s32 $0x5  }
0x17: {  	s24 =	simm.s32 $0x40;
	s25 =	simm.s32 $0x2200;
	[dreg:$0x5] =	wrdreg s20  }
0x18: {  	s26 =	simm.s32 $0x100;
	[dreg:$0x7] =	wrdreg s22;
	s20 =	sadd.s32 s5, s8  }
0x19: {  	s22 =	simm.s32 $0x200;
	s5 =	simm.s32 $0x180;
	s8 =	simm.s32 $0x3  }
.LBB2_1:
0x1a: {  	s15 =	rddreg [dreg:$0x4]  }
0x1b: {  	[tilespmem:s22], [sflag:$0x5] =	stream.linear.gather [hbm4b:s15+s4], $0x4000, $0x38;
	[tilespmem:$0x1C200] =	vst v63  }
0x1c: {  	_ =	swait.ge [sflag:s23], $0x4000  }
0x1d: {  	[sflag:s23] =	ssyncset.done $0x0  }
0x1e: {  	[sflag:s23] =	ssyncadd.s32 $0xFFFFC000  }
0x1f: {  	[spmem:s6] =	stream.linear.scatter [tilespmem:s22], [sflag:$0x5], $0x4000, $0x38;
	[tilespmem:$0x1C200] =	vst v63  }
0x20: {  	_ =	swait.ge [sflag:s23], $0x4000  }
0x21: {  	[sflag:s23] =	ssyncset.done $0x0  }
0x22: {  	[sflag:s23] =	ssyncadd.s32 $0xFFFFC000  }
0x23: {  	[spmem:s10] =	stream.linear.scatter [tilespmem:s22], [sflag:$0x5], $0x4000, $0x38;
	[tilespmem:$0x1C200] =	vst v63  }
0x24: {  	_ =	swait.ge [sflag:s23], $0x4000  }
0x25: {  	[sflag:s23] =	ssyncset.done $0x0  }
0x26: {  	[sflag:s23] =	ssyncadd.s32 $0xFFFFC000  }
0x27: {  	[spmem:s11] =	stream.linear.scatter [tilespmem:s22], [sflag:$0x5], $0x4000, $0x38;
	[tilespmem:$0x1C200] =	vst v63  }
0x28: {  	_ =	swait.ge [sflag:s23], $0x4000  }
0x29: {  	[sflag:s23] =	ssyncset.done $0x0  }
0x2a: {  	[sflag:s23] =	ssyncadd.s32 $0xFFFFC000  }
0x2b: {  	[spmem:s12] =	stream.linear.scatter [tilespmem:s22], [sflag:$0x5], $0x4000, $0x38;
	[tilespmem:$0x1C200] =	vst v63  }
0x2c: {  	_ =	swait.ge [sflag:s23], $0x4000  }
0x2d: {  	[sflag:s23] =	ssyncset.done $0x0  }
0x2e: {  	[sflag:s23] =	ssyncadd.s32 $0xFFFFC000  }
0x2f: {  	[spmem:s13] =	stream.linear.scatter [tilespmem:s22], [sflag:$0x5], $0x4000, $0x38;
	[tilespmem:$0x1C200] =	vst v63  }
0x30: {  	_ =	swait.ge [sflag:s23], $0x4000  }
0x31: {  	[sflag:s23] =	ssyncset.done $0x0  }
0x32: {  	[sflag:s23] =	ssyncadd.s32 $0xFFFFC000  }
0x33: {  	[bflag:$0x0] =	sbarrier.arrive $0xFFFF  }
0x34: {  	[tilespmem:s4], [sflag:$0x5] =	stream.linear.gather [hbm4b:s7+s4], $0x100, $0x38;
	[tilespmem:$0x1C200] =	vst v63  }
0x35: {  	_ =	swait.ge [sflag:s23], $0x100  }
0x36: {  	[sflag:s23] =	ssyncset.done $0x0  }
0x37: {  	[sflag:s23] =	ssyncadd.s32 $0xFFFFFF00  }
0x38: {  	[tilespmem:s22], [sflag:$0x1] =	stream.indirect.gather [hbm4b:s1+s24], $0x80, s4, s24, $0xb8;
	[tilespmem:$0x1C200] =	vst v63  }
0x39: {  	_ = 	snop  }
0x3a: {  	[tilespmem:s25], [sflag:$0x1] =	stream.indirect.gather [hbm4b:s1+s24], $0x80, s24, s24, $0xb8;
	[tilespmem:$0x1C200] =	vst v63  }
0x3b: {  	s16 =	rddreg [dreg:$0x5]  }
0x3c: {  	[tilespmem:s26], [sflag:$0x5] =	stream.linear.gather [hbm4b:s16+s4], $0x100, $0x38;
	[tilespmem:$0x1C200] =	vst v63  }
0x3d: {  	_ =	swait.ge [sflag:s23], $0x100  }
0x3e: {  	[sflag:s23] =	ssyncset.done $0x0  }
0x3f: {  	[sflag:s23] =	ssyncadd.s32 $0xFFFFFF00  }
0x40: {  	_ =	swait.ge [sflag:s28], $0x2000  }
0x41: {  	[sflag:s28] =	ssyncset.done $0x0  }
0x42: {  	[sflag:s28] =	ssyncadd.s32 $0xFFFFE000  }
0x43: {  	_ =	swait.ge [sflag:s28], $0x2000  }
0x44: {  	[sflag:s28] =	ssyncset.done $0x0  }
0x45: {  	[sflag:s28] =	ssyncadd.s32 $0xFFFFE000  }
0x46: {  	[spmem:s3] =	stream.indirect.scatter.add.f32 [tilespmem:s22], [sflag:$0x3], $0x80, s29, s29, $0xb8;
	[tilespmem:$0x1C200] =	vst v63  }
0x47: {  	_ = 	snop  }
0x48: {  	[tilespmem:s30], [sflag:$0x2] =	stream.indirect.gather [hbm4b:s1+s24], $0x80, s26, s24, $0xb8;
	[tilespmem:$0x1C200] =	vst v63  }
0x49: {  	_ = 	snop  }
0x4a: {  	[tilespmem:s0], [sflag:$0x2] =	stream.indirect.gather [hbm4b:s1+s24], $0x80, s31, s24, $0xb8;
	[tilespmem:$0x1C200] =	vst v63  }
0x4b: {  	_ =	swait.ge [sflag:s2], $0x2000  }
0x4c: {  	[sflag:s2] =	ssyncset.done $0x0  }
0x4d: {  	[sflag:s2] =	ssyncadd.s32 $0xFFFFE000  }
0x4e: {  	_ =	swait.ge [sflag:s2], $0x2000  }
0x4f: {  	[sflag:s2] =	ssyncset.done $0x0  }
0x50: {  	[sflag:s2] =	ssyncadd.s32 $0xFFFFE000  }
0x51: {  	[spmem:s3] =	stream.indirect.scatter.add.f32 [tilespmem:s30], [sflag:$0x4], $0x80, s5, s29, $0xb8;
	[tilespmem:$0x1C200] =	vst v63  }
0x52: {  	_ =	swait.ge [sflag:s8], $0x4000  }
0x53: {  	[sflag:s8] =	ssyncset.done $0x0  }
0x54: {  	s17 =	rddreg [dreg:$0x7];
	[sflag:s8] =	ssyncadd.s32 $0xFFFFC000  }
0x55: {  	[tilespmem:s4], [sflag:$0x5] =	stream.linear.gather [hbm4b:s17+s4], $0x100, $0x38;
	[tilespmem:$0x1C200] =	vst v63  }
0x56: {  	_ =	swait.ge [sflag:s23], $0x100  }
0x57: {  	[sflag:s23] =	ssyncset.done $0x0  }
0x58: {  	[sflag:s23] =	ssyncadd.s32 $0xFFFFFF00  }
0x59: {  	[tilespmem:s22], [sflag:$0x1] =	stream.indirect.gather [hbm4b:s1+s24], $0x80, s4, s24, $0xb8;
	[tilespmem:$0x1C200] =	vst v63  }
0x5a: {  	_ = 	snop  }
0x5b: {  	[tilespmem:s25], [sflag:$0x1] =	stream.indirect.gather [hbm4b:s1+s24], $0x80, s24, s24, $0xb8;
	[tilespmem:$0x1C200] =	vst v63  }
0x5c: {  	_ =	swait.ge [sflag:s28], $0x2000  }
0x5d: {  	[sflag:s28] =	ssyncset.done $0x0  }
0x5e: {  	[sflag:s28] =	ssyncadd.s32 $0xFFFFE000  }
0x5f: {  	_ =	swait.ge [sflag:s28], $0x2000  }
0x60: {  	[sflag:s28] =	ssyncset.done $0x0  }
0x61: {  	[sflag:s28] =	ssyncadd.s32 $0xFFFFE000  }
0x62: {  	[spmem:s3] =	stream.indirect.scatter.add.f32 [tilespmem:s22], [sflag:$0x3], $0x80, s29, s29, $0xb8;
	[tilespmem:$0x1C200] =	vst v63  }
0x63: {  	_ =	swait.ge [sflag:s9], $0x4000  }
0x64: {  	[sflag:s9] =	ssyncset.done $0x0  }
0x65: {  	s16 =	sadd.s32 $0x0, s21;
	[sflag:s9] =	ssyncadd.s32 $0xFFFFC000  }
0x66: {  	[tilespmem:s26], [sflag:$0x5] =	stream.linear.gather [hbm4b:s16+s4], $0x100, $0x38;
	[tilespmem:$0x1C200] =	vst v63  }
0x67: {  	_ =	swait.ge [sflag:s23], $0x100  }
0x68: {  	[sflag:s23] =	ssyncset.done $0x0  }
0x69: {  	[sflag:s23] =	ssyncadd.s32 $0xFFFFFF00  }
0x6a: {  	[tilespmem:s30], [sflag:$0x2] =	stream.indirect.gather [hbm4b:s1+s24], $0x80, s26, s24, $0xb8;
	[tilespmem:$0x1C200] =	vst v63  }
0x6b: {  	_ = 	snop  }
0x6c: {  	[tilespmem:s0], [sflag:$0x2] =	stream.indirect.gather [hbm4b:s1+s24], $0x80, s31, s24, $0xb8;
	[tilespmem:$0x1C200] =	vst v63  }
0x6d: {  	_ =	swait.ge [sflag:s2], $0x2000  }
0x6e: {  	[sflag:s2] =	ssyncset.done $0x0  }
0x6f: {  	[sflag:s2] =	ssyncadd.s32 $0xFFFFE000  }
0x70: {  	_ =	swait.ge [sflag:s2], $0x2000  }
0x71: {  	[sflag:s2] =	ssyncset.done $0x0  }
0x72: {  	[sflag:s2] =	ssyncadd.s32 $0xFFFFE000  }
0x73: {  	[spmem:s3] =	stream.indirect.scatter.add.f32 [tilespmem:s30], [sflag:$0x4], $0x80, s5, s29, $0xb8;
	[tilespmem:$0x1C200] =	vst v63  }
0x74: {  	_ =	swait.ge [sflag:s8], $0x4000  }
0x75: {  	[sflag:s8] =	ssyncset.done $0x0  }
0x76: {  	s17 =	sadd.s32 $0x0, s20;
	[sflag:s8] =	ssyncadd.s32 $0xFFFFC000  }
0x77: {  	[tilespmem:s4], [sflag:$0x5] =	stream.linear.gather [hbm4b:s17+s4], $0x100, $0x38;
	[tilespmem:$0x1C200] =	vst v63  }
0x78: {  	_ =	swait.ge [sflag:s23], $0x100  }
0x79: {  	[sflag:s23] =	ssyncset.done $0x0  }
0x7a: {  	s15 =	simm.s32 $0x40;
	[sflag:s23] =	ssyncadd.s32 $0xFFFFFF00  }
0x7b: {  	[tilespmem:s22], [sflag:$0x1] =	stream.indirect.gather [hbm4b:s1+s24], $0x80, s4, s24, $0xb8;
	[tilespmem:$0x1C200] =	vst v63  }
.LBB2_2:
0x7c: {  	[tilespmem:s25], [sflag:$0x1] =	stream.indirect.gather [hbm4b:s1+s24], $0x80, s24, s24, $0xb8;
	[tilespmem:$0x1C200] =	vst v63  }
0x7d: {  	s16 =	smov.u32 s15  }
0x7e: {  	p0 =	sne.s32 s15, $0x940;
	s15 =	sadd.s32 $0x40, s15;
	_ =	swait.ge [sflag:s28], $0x2000  }
0x7f: {  	[sflag:s28] =	ssyncset.done $0x0  }
0x80: {  	[sflag:s28] =	ssyncadd.s32 $0xFFFFE000  }
0x81: {  	_ =	swait.ge [sflag:s28], $0x2000  }
0x82: {  	[sflag:s28] =	ssyncset.done $0x0  }
0x83: {  	[sflag:s28] =	ssyncadd.s32 $0xFFFFE000  }
0x84: {  	[spmem:s3] =	stream.indirect.scatter.add.f32 [tilespmem:s22], [sflag:$0x3], $0x80, s29, s29, $0xb8;
	[tilespmem:$0x1C200] =	vst v63  }
0x85: {  	_ =	swait.ge [sflag:s9], $0x4000  }
0x86: {  	[sflag:s9] =	ssyncset.done $0x0  }
0x87: {  	s17 =	sadd.s32 s16, s21;
	[sflag:s9] =	ssyncadd.s32 $0xFFFFC000  }
0x88: {  	[tilespmem:s26], [sflag:$0x5] =	stream.linear.gather [hbm4b:s17+s4], $0x100, $0x38;
	[tilespmem:$0x1C200] =	vst v63  }
0x89: {  	_ =	swait.ge [sflag:s23], $0x100  }
0x8a: {  	[sflag:s23] =	ssyncset.done $0x0  }
0x8b: {  	[sflag:s23] =	ssyncadd.s32 $0xFFFFFF00  }
0x8c: {  	[tilespmem:s30], [sflag:$0x2] =	stream.indirect.gather [hbm4b:s1+s24], $0x80, s26, s24, $0xb8;
	[tilespmem:$0x1C200] =	vst v63  }
0x8d: {  	_ = 	snop  }
0x8e: {  	[tilespmem:s0], [sflag:$0x2] =	stream.indirect.gather [hbm4b:s1+s24], $0x80, s31, s24, $0xb8;
	[tilespmem:$0x1C200] =	vst v63  }
0x8f: {  	_ =	swait.ge [sflag:s2], $0x2000  }
0x90: {  	[sflag:s2] =	ssyncset.done $0x0  }
0x91: {  	[sflag:s2] =	ssyncadd.s32 $0xFFFFE000  }
0x92: {  	_ =	swait.ge [sflag:s2], $0x2000  }
0x93: {  	[sflag:s2] =	ssyncset.done $0x0  }
0x94: {  	[sflag:s2] =	ssyncadd.s32 $0xFFFFE000  }
0x95: {  	[spmem:s3] =	stream.indirect.scatter.add.f32 [tilespmem:s30], [sflag:$0x4], $0x80, s5, s29, $0xb8;
	[tilespmem:$0x1C200] =	vst v63  }
0x96: {  	_ =	swait.ge [sflag:s8], $0x4000  }
0x97: {  	[sflag:s8] =	ssyncset.done $0x0  }
0x98: {  	s16 =	sadd.s32 s16, s20;
	[sflag:s8] =	ssyncadd.s32 $0xFFFFC000  }
0x99: {  	[tilespmem:s4], [sflag:$0x5] =	stream.linear.gather [hbm4b:s16+s4], $0x100, $0x38;
	[tilespmem:$0x1C200] =	vst v63  }
.Ltmp0:
0x9a: {  	_ = 	snop;
	(pc) =	sbr.rel @p0 .LBB2_2-.Ltmp0, $4  }
0x9b: {  	_ =	swait.ge [sflag:s23], $0x100  }
0x9c: {  	[sflag:s23] =	ssyncset.done $0x0  }
0x9d: {  	[sflag:s23] =	ssyncadd.s32 $0xFFFFFF00  }
0x9e: {  	[tilespmem:s22], [sflag:$0x1] =	stream.indirect.gather [hbm4b:s1+s24], $0x80, s4, s24, $0xb8;
	[tilespmem:$0x1C200] =	vst v63  }
0x9f: {  	[tilespmem:s25], [sflag:$0x1] =	stream.indirect.gather [hbm4b:s1+s24], $0x80, s24, s24, $0xb8;
	[tilespmem:$0x1C200] =	vst v63  }
0xa0: {  	_ =	swait.ge [sflag:s28], $0x2000  }
0xa1: {  	[sflag:s28] =	ssyncset.done $0x0  }
0xa2: {  	[sflag:s28] =	ssyncadd.s32 $0xFFFFE000  }
0xa3: {  	_ =	swait.ge [sflag:s28], $0x2000  }
0xa4: {  	[sflag:s28] =	ssyncset.done $0x0  }
0xa5: {  	[sflag:s28] =	ssyncadd.s32 $0xFFFFE000  }
0xa6: {  	_ =	swait.ge [sflag:s9], $0x4000  }
0xa7: {  	[sflag:s9] =	ssyncset.done $0x0  }
0xa8: {  	[sflag:s9] =	ssyncadd.s32 $0xFFFFC000  }
0xa9: {  	[spmem:s3] =	stream.indirect.scatter.add.f32 [tilespmem:s22], [sflag:$0x5], $0x80, s29, s29, $0xb8;
	[tilespmem:$0x1C200] =	vst v63  }
0xaa: {  	_ =	swait.ge [sflag:s23], $0x4000  }
0xab: {  	[sflag:s23] =	ssyncset.done $0x0  }
0xac: {  	[sflag:s23] =	ssyncadd.s32 $0xFFFFC000  }
0xad: {  	[bflag:$0x0] =	sbarrier.arrive $0xFFFF  }
0xae: {  	[tilespmem:s22], [sflag:$0x5] =	stream.linear.gather [spmem:s6], $0x4000, $0x38;
	[tilespmem:$0x1C200] =	vst v63  }
0xaf: {  	_ =	swait.ge [sflag:s23], $0x4000  }
0xb0: {  	[sflag:s23] =	ssyncset.done $0x0  }
0xb1: {  	s15 =	rddreg [dreg:$0x8];
	[sflag:s23] =	ssyncadd.s32 $0xFFFFC000  }
0xb2: {  	[hbm4b:s15+s4] =	stream.linear.scatter [tilespmem:s22], [sflag:$0x5], $0x4000, $0x38;
	[tilespmem:$0x1C200] =	vst v63  }
0xb3: {  	_ =	swait.ge [sflag:s23], $0x4000  }
0xb4: {  	[sflag:s23] =	ssyncset.done $0x0  }
0xb5: {  	[sflag:s23] =	ssyncadd.s32 $0xFFFFC000  }
0xb6: {  	[tilespmem:s22], [sflag:$0x5] =	stream.linear.gather [spmem:s10], $0x4000, $0x38;
	[tilespmem:$0x1C200] =	vst v63  }
0xb7: {  	_ =	swait.ge [sflag:s23], $0x4000  }
0xb8: {  	[sflag:s23] =	ssyncset.done $0x0  }
0xb9: {  	s17 =	rddreg [dreg:$0x9];
	[sflag:s23] =	ssyncadd.s32 $0xFFFFC000  }
0xba: {  	[hbm4b:s17+s4] =	stream.linear.scatter [tilespmem:s22], [sflag:$0x5], $0x4000, $0x38;
	[tilespmem:$0x1C200] =	vst v63  }
0xbb: {  	_ =	swait.ge [sflag:s23], $0x4000  }
0xbc: {  	[sflag:s23] =	ssyncset.done $0x0  }
0xbd: {  	[sflag:s23] =	ssyncadd.s32 $0xFFFFC000  }
0xbe: {  	[tilespmem:s22], [sflag:$0x5] =	stream.linear.gather [spmem:s11], $0x4000, $0x38;
	[tilespmem:$0x1C200] =	vst v63  }
0xbf: {  	_ =	swait.ge [sflag:s23], $0x4000  }
0xc0: {  	[sflag:s23] =	ssyncset.done $0x0  }
0xc1: {  	s16 =	rddreg [dreg:$0xa];
	[sflag:s23] =	ssyncadd.s32 $0xFFFFC000  }
0xc2: {  	[hbm4b:s16+s4] =	stream.linear.scatter [tilespmem:s22], [sflag:$0x5], $0x4000, $0x38;
	[tilespmem:$0x1C200] =	vst v63  }
0xc3: {  	_ =	swait.ge [sflag:s23], $0x4000  }
0xc4: {  	[sflag:s23] =	ssyncset.done $0x0  }
0xc5: {  	[sflag:s23] =	ssyncadd.s32 $0xFFFFC000  }
0xc6: {  	[tilespmem:s22], [sflag:$0x5] =	stream.linear.gather [spmem:s12], $0x4000, $0x38;
	[tilespmem:$0x1C200] =	vst v63  }
0xc7: {  	_ =	swait.ge [sflag:s23], $0x4000  }
0xc8: {  	[sflag:s23] =	ssyncset.done $0x0  }
0xc9: {  	[sflag:s23] =	ssyncadd.s32 $0xFFFFC000  }
0xca: {  	[hbm4b:s18+s4] =	stream.linear.scatter [tilespmem:s22], [sflag:$0x5], $0x4000, $0x38;
	[tilespmem:$0x1C200] =	vst v63  }
0xcb: {  	_ =	swait.ge [sflag:s23], $0x4000  }
0xcc: {  	[sflag:s23] =	ssyncset.done $0x0  }
0xcd: {  	[sflag:s23] =	ssyncadd.s32 $0xFFFFC000  }
0xce: {  	[tilespmem:s22], [sflag:$0x5] =	stream.linear.gather [spmem:s13], $0x4000, $0x38;
	[tilespmem:$0x1C200] =	vst v63  }
0xcf: {  	_ =	swait.ge [sflag:s23], $0x4000  }
0xd0: {  	[sflag:s23] =	ssyncset.done $0x0  }
0xd1: {  	[sflag:s23] =	ssyncadd.s32 $0xFFFFC000  }
0xd2: {  	[hbm4b:s19+s4] =	stream.linear.scatter [tilespmem:s22], [sflag:$0x5], $0x4000, $0x38;
	[tilespmem:$0x1C200] =	vst v63  }
0xd3: {  	_ =	swait.ge [sflag:s23], $0x4000  }
0xd4: {  	s14 =	sadd.s32 $0x1, s14;
	s17 =	rddreg [dreg:$0x6]  }
0xd5: {  	p0 =	sne.s32 s14, s17  }
.Ltmp1:
0xd6: {  	_ = 	snop;
	(pc) =	sbr.rel @p0 .LBB2_1-.Ltmp1, $3  }
0xd7: {  	_ =	sdelay $0x1  }
0xd8: {  	[sflag:s23] =	ssyncset.done $0x0  }
0xd9: {  	[sflag:s23] =	ssyncadd.s32 $0xFFFFC000  }
0xda: {  	_ =	sfence.sel $0x180000  }
0xdb: {  	[bflag:$0x0] =	sbarrier.arrive $0xFFFF  }
0xdc: {  	_ =	strace $0x9000004A  }
0xdd: {  	s0 =	stileid.u32;
	[bflag:$0x2] =	sbarrier.arrive $0xFFFF  }
0xde: {  	p0 =	sne.s32 s0, $0x0;
	s0 =	rddreg [dreg:$0x3]  }
0xdf: {  	s0 =	sadd.s32 @!p0 $0x100000, s0  }
0xe0: {  	[sflag:s0] =	ssyncadd.tile.s32 @!p0 $0x1;
	_ =	shalt  }
.Lfunc_end2:
_tile_overlayer_lowered:
.L_overlay_start_2:
0xe1: {  	(tag) =	ssettag $0x2  }
0xe2: {  	s0 =	rddreg [dreg:$0x0];
	s2 =	stileid.u32  }
0xe3: {  	s1 =	rddreg [dreg:$0x1];
	p0 =	sne.s32 s2, $0x0  }
0xe4: {  	s3 =	rddreg [dreg:$0x2];
	[bflag:$0x3] =	sbarrier.arrive $0xFFFF;
	s2 =	simm.s32 @!p0 $0x1C05  }
0xe5: {  	[timem:s3], [sflag:s2] =	dma.local @!p0 [hbm:s0], s1  }
0xe6: {  	s0 =	simm.s32 @!p0 $0x5  }
0xe7: {  	_ =	swait.ge @!p0 [sflag:s0], s1  }
0xe8: {  	s1 =	ssub.s32 @!p0 $0x0, s1;
	[sflag:s0] =	ssyncset.done @!p0 $0x0  }
0xe9: {  	[sflag:s0] =	ssyncadd.s32 @!p0 s1  }
0xea: {  	[bflag:$0x3] =	sbarrier.arrive $0xFFFF  }
0xeb: {  	_ =	shalt  }

</sc_bundles>
